<compile_context>
chip_gen: v7x
topology: tpu7x:2x2x1
jax: 0.10.2.dev20260603
libtpu: 0.0.44.dev20260713+nightly
codegen_flags: <defaults>
</compile_context>

<pallas_src>
import functools

import jax
import jax.numpy as jnp
from jax import lax
from jax.experimental import pallas as pl
from jax.experimental.pallas import tpu as pltpu
from jax.experimental.pallas import tpu_sc as plsc

NC = 2
NS = 16
NW = NC * NS
LANES = 16
CHUNK = 128
NBUF = 5


def _pad_sizes(n_edges, n_nodes):
    ct = -(-n_edges // (NS * CHUNK))
    ct = -(-ct // NBUF) * NBUF
    e_pad = NS * ct * CHUNK
    m = NS * 8
    npad = -(-(n_nodes + 1) // m) * m
    return ct, e_pad, npad



def _degree_body(n_pad, e_w, dst_hbm, out_hbm, dst_v, acc):
    c = lax.axis_index("c")
    s = lax.axis_index("s")
    w = c * NS + s
    ones16 = jnp.full((LANES,), 1.0, jnp.float32)
    zero16 = jnp.full((LANES,), 0.0, jnp.float32)
    pltpu.sync_copy(dst_hbm.at[w], dst_v)

    def zbody(i, carry):
        for u in range(4):
            acc[pl.ds((4 * i + u) * LANES, LANES)] = zero16
        return carry

    lax.fori_loop(0, n_pad // (4 * LANES), zbody, 0)

    def ebody(i, carry):
        for u in range(4):
            di = dst_v[pl.ds((4 * i + u) * LANES, LANES)]
            plsc.addupdate_scatter(acc, [di], ones16)
        return carry

    lax.fori_loop(0, e_w // (4 * LANES), ebody, 0)
    pltpu.sync_copy(acc, out_hbm.at[w])


def _make_degree_kernel(n_pad, e_w):
    mesh = plsc.VectorSubcoreMesh(core_axis_name="c", subcore_axis_name="s")
    body = functools.partial(_degree_body, n_pad, e_w)
    return pl.kernel(
        body,
        out_type=jax.ShapeDtypeStruct((NW, n_pad), jnp.float32),
        mesh=mesh,
        compiler_params=pltpu.CompilerParams(needs_layout_passes=False),
        scratch_types=[
            pltpu.VMEM((e_w,), jnp.int32),
            pltpu.VMEM((n_pad,), jnp.float32),
        ],
    )


def _agg_body(n_pad, n_chunks, half,
              hs_hbm, src_hbm, dst_hbm, zeros_hbm, out_hbm,
              src_v, dst_v, b0, b1, b2, b3, b4, acc, sem_g, sem_s):
    c = lax.axis_index("c")
    s = lax.axis_index("s")
    rows_per_tile = n_pad // NS
    e_t = n_chunks * CHUNK
    bufs = (b0, b1, b2, b3, b4)
    hs_c = hs_hbm.at[c]

    z_cp = pltpu.async_copy(
        zeros_hbm, acc.at[pl.ds(s * rows_per_tile, rows_per_tile)], sem_s)
    s_cp = pltpu.async_copy(src_hbm.at[pl.ds(s * e_t, e_t)], src_v, sem_g)
    d_cp = pltpu.async_copy(dst_hbm.at[pl.ds(s * n_chunks, n_chunks)],
                            dst_v, sem_g)
    s_cp.wait()
    d_cp.wait()
    z_cp.wait()
    plsc.subcore_barrier()

    def gather(j, buf):
        pltpu.async_copy(
            hs_c.at[src_v.at[pl.ds(j * CHUNK, CHUNK)]], buf, sem_g)

    for t in range(NBUF - 1):
        gather(t, bufs[t])

    def wait_scatter(buf):
        pltpu.make_async_copy(buf, acc.at[pl.ds(0, CHUNK)], sem_s).wait()

    def ebody(i, carry):
        j0 = NBUF * i
        for t in range(NBUF):
            j = j0 + t
            buf = bufs[t]
            prev = bufs[(t + NBUF - 1) % NBUF]
            pltpu.make_async_copy(hs_c, buf, sem_g).wait()
            if t == 0:
                @pl.when(i > 0)
                def _():
                    wait_scatter(prev)
            else:
                wait_scatter(prev)

            @pl.when(j + NBUF - 1 < n_chunks)
            def _():
                gather(j + NBUF - 1, prev)

            pltpu.async_copy(buf, acc.at[dst_v.at[j]], sem_s, add=True)
        return carry

    lax.fori_loop(0, n_chunks // NBUF, ebody, 0)
    wait_scatter(bufs[(NBUF - 1) % NBUF])
    plsc.subcore_barrier()
    pltpu.sync_copy(
        acc.at[pl.ds(s * rows_per_tile, rows_per_tile)],
        out_hbm.at[c, pl.ds(s * rows_per_tile, rows_per_tile)],
    )


def _make_agg_kernel(n_pad, n_chunks, half):
    mesh = plsc.VectorSubcoreMesh(core_axis_name="c", subcore_axis_name="s")
    body = functools.partial(_agg_body, n_pad, n_chunks, half)
    rowbuf = pltpu.VMEM((CHUNK, half), jnp.float32)
    return pl.kernel(
        body,
        out_type=jax.ShapeDtypeStruct((NC, n_pad, half), jnp.float32),
        mesh=mesh,
        compiler_params=pltpu.CompilerParams(
            needs_layout_passes=False, use_tc_tiling_on_sc=False),
        scratch_types=[
            pltpu.VMEM((NS * n_chunks * CHUNK // NS,), jnp.int32),
            pltpu.VMEM((n_chunks, CHUNK), jnp.int32),
            rowbuf, rowbuf, rowbuf, rowbuf, rowbuf,
            pltpu.VMEM_SHARED((n_pad, half), jnp.float32),
            pltpu.SemaphoreType.DMA,
            pltpu.SemaphoreType.DMA,
        ],
    )


def _scalar_agg_body(n_nodes, n_pad, e_w,
                     z_hbm, src_hbm, dst_hbm, out_hbm,
                     z_v, src_v, dst_v, acc):
    zero16 = jnp.full((LANES,), 0.0, jnp.float32)
    c = lax.axis_index("c")
    s = lax.axis_index("s")
    w = c * NS + s
    pltpu.sync_copy(z_hbm, z_v)
    pltpu.sync_copy(src_hbm.at[w], src_v)
    pltpu.sync_copy(dst_hbm.at[w], dst_v)

    def zbody(i, carry):
        for u in range(4):
            acc[pl.ds((4 * i + u) * LANES, LANES)] = zero16
        return carry

    lax.fori_loop(0, n_pad // (4 * LANES), zbody, 0)

    def ebody(i, carry):
        for u in range(4):
            si = src_v[pl.ds((4 * i + u) * LANES, LANES)]
            di = dst_v[pl.ds((4 * i + u) * LANES, LANES)]
            vals = plsc.load_gather(z_v, [si])
            plsc.addupdate_scatter(acc, [di], vals)
        return carry

    lax.fori_loop(0, e_w // (4 * LANES), ebody, 0)
    pltpu.sync_copy(acc, out_hbm.at[w])


def _make_scalar_agg_kernel(n_nodes, n_pad, e_w):
    mesh = plsc.VectorSubcoreMesh(core_axis_name="c", subcore_axis_name="s")
    body = functools.partial(_scalar_agg_body, n_nodes, n_pad, e_w)
    return pl.kernel(
        body,
        out_type=jax.ShapeDtypeStruct((NW, n_pad), jnp.float32),
        mesh=mesh,
        compiler_params=pltpu.CompilerParams(needs_layout_passes=False),
        scratch_types=[
            pltpu.VMEM((n_nodes,), jnp.float32),
            pltpu.VMEM((e_w,), jnp.int32),
            pltpu.VMEM((e_w,), jnp.int32),
            pltpu.VMEM((n_pad,), jnp.float32),
        ],
    )



def _dinv_from_partials(degp, n):
    deg = jnp.sum(degp[:, :n], axis=0) + 1.0
    return lax.rsqrt(deg)


def _split_store(out_ref, r, half):
    out_ref[0] = r[:, :half]
    out_ref[1] = r[:, half:]


def _tc_first_body(half, n, degp_ref, x_ref, w_ref, hs_ref):
    dinv = _dinv_from_partials(degp_ref[...], n)
    h = jnp.dot(x_ref[...], w_ref[...], preferred_element_type=jnp.float32)
    _split_store(hs_ref, h * dinv[:, None], half)


def _tc_mid_body(half, n, split, degp_ref, agg_ref, hsp_ref, b_ref, w_ref,
                 out_ref):
    dinv = _dinv_from_partials(degp_ref[...], n)
    a = (jnp.concatenate([agg_ref[0][:n], agg_ref[1][:n]], axis=-1)
         + jnp.concatenate([hsp_ref[0], hsp_ref[1]], axis=-1))
    h = jnp.maximum(a * dinv[:, None] + b_ref[...], 0.0)
    r = (jnp.dot(h, w_ref[...], preferred_element_type=jnp.float32)
         * dinv[:, None])
    if split:
        _split_store(out_ref, r, half)
    else:
        out_ref[...] = r


def _tc_final_body(n, degp_ref, accs_ref, z_ref, b_ref, out_ref):
    dinv = _dinv_from_partials(degp_ref[...], n)
    a = jnp.sum(accs_ref[...][:, :n], axis=0) + z_ref[...][:, 0]
    out_ref[...] = (dinv * a)[:, None] + b_ref[...]



def kernel(x, edge_index, W1, b1, W2, b2, W3, b3):
    n_nodes, in_dim = x.shape
    hid = W1.shape[1]
    half = hid // 2
    n_edges = edge_index.shape[1]
    n_chunks, e_pad, n_pad = _pad_sizes(n_edges, n_nodes)
    e_w = e_pad // NW
    pad = e_pad - n_edges

    src = jnp.concatenate([edge_index[0], jnp.zeros((pad,), jnp.int32)])
    dst = jnp.concatenate(
        [edge_index[1], jnp.full((pad,), n_nodes, jnp.int32)])
    dst2d = dst.reshape(e_pad // CHUNK, CHUNK)
    src1d = src.reshape(NW, e_w)
    dst1d = dst.reshape(NW, e_w)
    zeros_blk = jnp.zeros((n_pad // NS, half), jnp.float32)

    degree_k = _make_degree_kernel(n_pad, e_w)
    agg_k = _make_agg_kernel(n_pad, n_chunks, half)
    scalar_k = _make_scalar_agg_kernel(n_nodes, n_pad, e_w)

    degp = degree_k(dst1d)

    hs1 = pl.pallas_call(
        functools.partial(_tc_first_body, half, n_nodes),
        out_shape=jax.ShapeDtypeStruct((NC, n_nodes, half), jnp.float32),
    )(degp, x, W1)
    agg1 = agg_k(hs1, src, dst2d, zeros_blk)
    hs2 = pl.pallas_call(
        functools.partial(_tc_mid_body, half, n_nodes, True),
        out_shape=jax.ShapeDtypeStruct((NC, n_nodes, half), jnp.float32),
    )(degp, agg1, hs1, b1.reshape(1, hid), W2)
    agg2 = agg_k(hs2, src, dst2d, zeros_blk)
    z = pl.pallas_call(
        functools.partial(_tc_mid_body, half, n_nodes, False),
        out_shape=jax.ShapeDtypeStruct((n_nodes, 1), jnp.float32),
    )(degp, agg2, hs2, b2.reshape(1, hid), W3)
    accs = scalar_k(z.reshape(n_nodes), src1d, dst1d)
    out = pl.pallas_call(
        functools.partial(_tc_final_body, n_nodes),
        out_shape=jax.ShapeDtypeStruct((n_nodes, 1), jnp.float32),
    )(degp, accs, z, b3.reshape(1, 1))
    return out

# --- scband reference (transcript-rebuilt; emitter-appended) ---
"""Pipeline reference for scband-degree-gnn-30124900614368 (READ-ONLY COPY).

The authoritative reference and input builder live on the scoring server;
editing this copy changes nothing except your own understanding.
"""

import jax, jax.numpy as jnp
import numpy as np

N = 10000
E = 320000
IN_DIM = 128
HID = 128


def _glorot(key, shape):
    fan_in, fan_out = shape[0], shape[1]
    limit = np.sqrt(6.0 / (fan_in + fan_out))
    return jax.random.uniform(key, shape, dtype=jnp.float32, minval=-limit, maxval=limit)


def setup_inputs(seed: int = 0) -> dict:
    key = jax.random.key(seed)
    ks = jax.random.split(key, 8)
    x = jax.random.normal(ks[0], (N, IN_DIM), dtype=jnp.float32)
    edge_index = jax.random.randint(ks[1], (2, E), 0, N, dtype=jnp.int32)
    W1 = _glorot(ks[2], (IN_DIM, HID))
    b1 = jnp.zeros((HID,), dtype=jnp.float32)
    W2 = _glorot(ks[3], (HID, HID))
    b2 = jnp.zeros((HID,), dtype=jnp.float32)
    W3 = _glorot(ks[4], (HID, 1))
    b3 = jnp.zeros((1,), dtype=jnp.float32)
    return {"x": x, "edge_index": edge_index, "W1": W1, "b1": b1, "W2": W2, "b2": b2, "W3": W3, "b3": b3}


def _gcn_norm(edge_index, num_nodes):
    # PyG GCNConv default: add self-loops, symmetric normalization D^-1/2 A D^-1/2
    loop = jnp.arange(num_nodes, dtype=edge_index.dtype)
    src = jnp.concatenate([edge_index[0], loop])
    dst = jnp.concatenate([edge_index[1], loop])
    deg = jnp.zeros((num_nodes,), dtype=jnp.float32).at[dst].add(1.0)
    dinv = jnp.where(deg > 0, 1.0 / jnp.sqrt(deg), 0.0)
    norm = dinv[src] * dinv[dst]
    return src, dst, norm


def _gcn_conv(x, src, dst, norm, W, b, num_nodes):
    h = x @ W
    msg = h[src] * norm[:, None]
    out = jnp.zeros((num_nodes, W.shape[1]), dtype=h.dtype).at[dst].add(msg)
    return out + b


def reference(x, edge_index, W1, b1, W2, b2, W3, b3):
    num_nodes = x.shape[0]
    src, dst, norm = _gcn_norm(edge_index, num_nodes)
    h = _gcn_conv(x, src, dst, norm, W1, b1, num_nodes)
    h = jax.nn.relu(h)
    # dropout is identity in eval mode
    h = _gcn_conv(h, src, dst, norm, W2, b2, num_nodes)
    h = jax.nn.relu(h)
    out = _gcn_conv(h, src, dst, norm, W3, b3, num_nodes)
    return out

if __name__ == "__main__":
    import jax
    _d = setup_inputs()
    print(jax.jit(kernel)(*tuple(_d.values())))

</pallas_src>

<mosaic_0001>
#map = affine_map<(d0, d1) -> (0, 0)>
module attributes {stable_mosaic.version = 14 : i64} {
  func.func @_degree_body(%arg0: i32, %arg1: i32, %arg2: memref<32x10240xi32, #tpu.memory_space<hbm>>, %arg3: memref<32x10112xf32, #tpu.memory_space<hbm>>, %arg4: memref<10240xi32, #tpu.memory_space<vmem>>, %arg5: memref<10112xf32, #tpu.memory_space<vmem>>) attributes {dimension_semantics = [#tpu.dimension_semantics<core_parallel>, #tpu.dimension_semantics<subcore_parallel>], iteration_bounds = array<i64: 2, 16>, scalar_prefetch = 0 : i64, scratch_operands = 2 : i64, tpu.core_type = #tpu.core_type<sc_vector_subcore>, window_params = [{transform_indices = #map}, {transform_indices = #map}]} {
    %mul3A = arith.constant 16 : i32
    %mul3A_0 = arith.muli %arg0, %mul3A : i32
    %add3A = arith.addi %mul3A_0, %arg1 : i32
    %broadcast_in_dim3A = arith.constant 1.000000e+00 : f32
    %broadcast_in_dim3A_1 = vector.broadcast %broadcast_in_dim3A : f32 to vector<16xf32>
    %broadcast_in_dim3A_2 = arith.constant 0.000000e+00 : f32
    %broadcast_in_dim3A_3 = vector.broadcast %broadcast_in_dim3A_2 : f32 to vector<16xf32>
    "tpu.region"() ({
      %run_scoped3A = tpu.sem_alloc : memref<!tpu.dma_semaphore, #tpu.memory_space<semaphore_mem>>
      %dma_start3A = arith.constant 0 : i32
      %dma_start3A_15 = tpu.memref_slice %arg2[%add3A, %dma_start3A] : memref<32x10240xi32, #tpu.memory_space<hbm>> -> memref<1x10240xi32, #tpu.memory_space<hbm>>
      %dma_start3A_16 = tpu.memref_squeeze %dma_start3A_15 : memref<1x10240xi32, #tpu.memory_space<hbm>> -> memref<10240xi32, #tpu.memory_space<hbm>>
      %dma_start3A_17 = arith.constant 0 : i32
      %dma_start3A_18 = tpu.memref_slice %arg2[%add3A, %dma_start3A_17] : memref<32x10240xi32, #tpu.memory_space<hbm>> -> memref<1x10240xi32, #tpu.memory_space<hbm>>
      %dma_start3A_19 = tpu.memref_squeeze %dma_start3A_18 : memref<1x10240xi32, #tpu.memory_space<hbm>> -> memref<10240xi32, #tpu.memory_space<hbm>>
      tpu.enqueue_dma source(%dma_start3A_19 : memref<10240xi32, #tpu.memory_space<hbm>>) target(%arg4 : memref<10240xi32, #tpu.memory_space<vmem>>) target_semaphore(%run_scoped3A : memref<!tpu.dma_semaphore, #tpu.memory_space<semaphore_mem>>)
      %dma_wait3A = arith.constant 0 : i32
      %dma_wait3A_20 = tpu.memref_slice %arg2[%add3A, %dma_wait3A] : memref<32x10240xi32, #tpu.memory_space<hbm>> -> memref<1x10240xi32, #tpu.memory_space<hbm>>
      %dma_wait3A_21 = tpu.memref_squeeze %dma_wait3A_20 : memref<1x10240xi32, #tpu.memory_space<hbm>> -> memref<10240xi32, #tpu.memory_space<hbm>>
      %dma_wait3A_22 = arith.constant 0 : i32
      %dma_wait3A_23 = tpu.memref_slice %arg2[%add3A, %dma_wait3A_22] : memref<32x10240xi32, #tpu.memory_space<hbm>> -> memref<1x10240xi32, #tpu.memory_space<hbm>>
      %dma_wait3A_24 = tpu.memref_squeeze %dma_wait3A_23 : memref<1x10240xi32, #tpu.memory_space<hbm>> -> memref<10240xi32, #tpu.memory_space<hbm>>
      tpu.wait_dma2 semaphore(%run_scoped3A : memref<!tpu.dma_semaphore, #tpu.memory_space<semaphore_mem>>) src(%dma_wait3A_24 : memref<10240xi32, #tpu.memory_space<hbm>>) dst(%arg4 : memref<10240xi32, #tpu.memory_space<vmem>>)
      tpu.yield
    }) : () -> ()
    %scan3A = arith.constant 0 : i32
    %scan3A_4 = arith.constant 0 : i32
    %scan3A_5 = arith.constant 158 : i32
    %scan3A_6 = arith.addi %scan3A_4, %scan3A_5 : i32
    %scan3A_7 = arith.constant 1 : i32
    scf.for %scan3A_15 = %scan3A_4 to %scan3A_6 step %scan3A_7  : i32 {
      %mul3A_16 = arith.constant 4 : i32
      %mul3A_17 = arith.muli %mul3A_16, %scan3A_15 : i32
      %add3A_18 = arith.constant 0 : i32
      %add3A_19 = arith.addi %mul3A_17, %add3A_18 : i32
      %mul3A_20 = arith.constant 16 : i32
      %mul3A_21 = arith.muli %add3A_19, %mul3A_20 : i32
      %swap3A = arith.index_cast %mul3A_21 : i32 to index
      %swap3A_22 = tpu.vector_load %arg5[%swap3A] {strides = array<i32>} : memref<10112xf32, #tpu.memory_space<vmem>>, vector<16xf32>,
      tpu.vector_store %arg5[%swap3A], %broadcast_in_dim3A_3 {strides = array<i32>} : memref<10112xf32, #tpu.memory_space<vmem>>, vector<16xf32>,
      %mul3A_23 = arith.constant 4 : i32
      %mul3A_24 = arith.muli %mul3A_23, %scan3A_15 : i32
      %add3A_25 = arith.constant 1 : i32
      %add3A_26 = arith.addi %mul3A_24, %add3A_25 : i32
      %mul3A_27 = arith.constant 16 : i32
      %mul3A_28 = arith.muli %add3A_26, %mul3A_27 : i32
      %swap3A_29 = arith.index_cast %mul3A_28 : i32 to index
      %swap3A_30 = tpu.vector_load %arg5[%swap3A_29] {strides = array<i32>} : memref<10112xf32, #tpu.memory_space<vmem>>, vector<16xf32>,
      tpu.vector_store %arg5[%swap3A_29], %broadcast_in_dim3A_3 {strides = array<i32>} : memref<10112xf32, #tpu.memory_space<vmem>>, vector<16xf32>,
      %mul3A_31 = arith.constant 4 : i32
      %mul3A_32 = arith.muli %mul3A_31, %scan3A_15 : i32
      %add3A_33 = arith.constant 2 : i32
      %add3A_34 = arith.addi %mul3A_32, %add3A_33 : i32
      %mul3A_35 = arith.constant 16 : i32
      %mul3A_36 = arith.muli %add3A_34, %mul3A_35 : i32
      %swap3A_37 = arith.index_cast %mul3A_36 : i32 to index
      %swap3A_38 = tpu.vector_load %arg5[%swap3A_37] {strides = array<i32>} : memref<10112xf32, #tpu.memory_space<vmem>>, vector<16xf32>,
      tpu.vector_store %arg5[%swap3A_37], %broadcast_in_dim3A_3 {strides = array<i32>} : memref<10112xf32, #tpu.memory_space<vmem>>, vector<16xf32>,
      %mul3A_39 = arith.constant 4 : i32
      %mul3A_40 = arith.muli %mul3A_39, %scan3A_15 : i32
      %add3A_41 = arith.constant 3 : i32
      %add3A_42 = arith.addi %mul3A_40, %add3A_41 : i32
      %mul3A_43 = arith.constant 16 : i32
      %mul3A_44 = arith.muli %add3A_42, %mul3A_43 : i32
      %swap3A_45 = arith.index_cast %mul3A_44 : i32 to index
      %swap3A_46 = tpu.vector_load %arg5[%swap3A_45] {strides = array<i32>} : memref<10112xf32, #tpu.memory_space<vmem>>, vector<16xf32>,
      tpu.vector_store %arg5[%swap3A_45], %broadcast_in_dim3A_3 {strides = array<i32>} : memref<10112xf32, #tpu.memory_space<vmem>>, vector<16xf32>,
    }
    %scan3A_8 = arith.constant 158 : i32
    %scan3A_9 = arith.constant 0 : i32
    %scan3A_10 = arith.constant 0 : i32
    %scan3A_11 = arith.constant 160 : i32
    %scan3A_12 = arith.addi %scan3A_10, %scan3A_11 : i32
    %scan3A_13 = arith.constant 1 : i32
    scf.for %scan3A_15 = %scan3A_10 to %scan3A_12 step %scan3A_13  : i32 {
      %mul3A_16 = arith.constant 4 : i32
      %mul3A_17 = arith.muli %mul3A_16, %scan3A_15 : i32
      %add3A_18 = arith.constant 0 : i32
      %add3A_19 = arith.addi %mul3A_17, %add3A_18 : i32
      %mul3A_20 = arith.constant 16 : i32
      %mul3A_21 = arith.muli %add3A_19, %mul3A_20 : i32
      %get3A = arith.index_cast %mul3A_21 : i32 to index
      %get3A_22 = tpu.vector_load %arg4[%get3A] {strides = array<i32>} : memref<10240xi32, #tpu.memory_space<vmem>>, vector<16xi32>,
      tpu.vector_store_idx %arg5[%get3A_22], %broadcast_in_dim3A_1 {add = true} : memref<10112xf32, #tpu.memory_space<vmem>>[vector<16xi32>], vector<16xf32>,
      %mul3A_23 = arith.constant 4 : i32
      %mul3A_24 = arith.muli %mul3A_23, %scan3A_15 : i32
      %add3A_25 = arith.constant 1 : i32
      %add3A_26 = arith.addi %mul3A_24, %add3A_25 : i32
      %mul3A_27 = arith.constant 16 : i32
      %mul3A_28 = arith.muli %add3A_26, %mul3A_27 : i32
      %get3A_29 = arith.index_cast %mul3A_28 : i32 to index
      %get3A_30 = tpu.vector_load %arg4[%get3A_29] {strides = array<i32>} : memref<10240xi32, #tpu.memory_space<vmem>>, vector<16xi32>,
      tpu.vector_store_idx %arg5[%get3A_30], %broadcast_in_dim3A_1 {add = true} : memref<10112xf32, #tpu.memory_space<vmem>>[vector<16xi32>], vector<16xf32>,
      %mul3A_31 = arith.constant 4 : i32
      %mul3A_32 = arith.muli %mul3A_31, %scan3A_15 : i32
      %add3A_33 = arith.constant 2 : i32
      %add3A_34 = arith.addi %mul3A_32, %add3A_33 : i32
      %mul3A_35 = arith.constant 16 : i32
      %mul3A_36 = arith.muli %add3A_34, %mul3A_35 : i32
      %get3A_37 = arith.index_cast %mul3A_36 : i32 to index
      %get3A_38 = tpu.vector_load %arg4[%get3A_37] {strides = array<i32>} : memref<10240xi32, #tpu.memory_space<vmem>>, vector<16xi32>,
      tpu.vector_store_idx %arg5[%get3A_38], %broadcast_in_dim3A_1 {add = true} : memref<10112xf32, #tpu.memory_space<vmem>>[vector<16xi32>], vector<16xf32>,
      %mul3A_39 = arith.constant 4 : i32
      %mul3A_40 = arith.muli %mul3A_39, %scan3A_15 : i32
      %add3A_41 = arith.constant 3 : i32
      %add3A_42 = arith.addi %mul3A_40, %add3A_41 : i32
      %mul3A_43 = arith.constant 16 : i32
      %mul3A_44 = arith.muli %add3A_42, %mul3A_43 : i32
      %get3A_45 = arith.index_cast %mul3A_44 : i32 to index
      %get3A_46 = tpu.vector_load %arg4[%get3A_45] {strides = array<i32>} : memref<10240xi32, #tpu.memory_space<vmem>>, vector<16xi32>,
      tpu.vector_store_idx %arg5[%get3A_46], %broadcast_in_dim3A_1 {add = true} : memref<10112xf32, #tpu.memory_space<vmem>>[vector<16xi32>], vector<16xf32>,
    }
    %scan3A_14 = arith.constant 160 : i32
    "tpu.region"() ({
      %run_scoped3A = tpu.sem_alloc : memref<!tpu.dma_semaphore, #tpu.memory_space<semaphore_mem>>
      %dma_start3A = arith.constant 0 : i32
      %dma_start3A_15 = tpu.memref_slice %arg3[%add3A, %dma_start3A] : memref<32x10112xf32, #tpu.memory_space<hbm>> -> memref<1x10112xf32, #tpu.memory_space<hbm>>
      %dma_start3A_16 = tpu.memref_squeeze %dma_start3A_15 : memref<1x10112xf32, #tpu.memory_space<hbm>> -> memref<10112xf32, #tpu.memory_space<hbm>>
      %dma_start3A_17 = arith.constant 0 : i32
      %dma_start3A_18 = tpu.memref_slice %arg3[%add3A, %dma_start3A_17] : memref<32x10112xf32, #tpu.memory_space<hbm>> -> memref<1x10112xf32, #tpu.memory_space<hbm>>
      %dma_start3A_19 = tpu.memref_squeeze %dma_start3A_18 : memref<1x10112xf32, #tpu.memory_space<hbm>> -> memref<10112xf32, #tpu.memory_space<hbm>>
      tpu.enqueue_dma source(%arg5 : memref<10112xf32, #tpu.memory_space<vmem>>) target(%dma_start3A_19 : memref<10112xf32, #tpu.memory_space<hbm>>) target_semaphore(%run_scoped3A : memref<!tpu.dma_semaphore, #tpu.memory_space<semaphore_mem>>)
      %dma_wait3A = arith.constant 0 : i32
      %dma_wait3A_20 = tpu.memref_slice %arg3[%add3A, %dma_wait3A] : memref<32x10112xf32, #tpu.memory_space<hbm>> -> memref<1x10112xf32, #tpu.memory_space<hbm>>
      %dma_wait3A_21 = tpu.memref_squeeze %dma_wait3A_20 : memref<1x10112xf32, #tpu.memory_space<hbm>> -> memref<10112xf32, #tpu.memory_space<hbm>>
      %dma_wait3A_22 = arith.constant 0 : i32
      %dma_wait3A_23 = tpu.memref_slice %arg3[%add3A, %dma_wait3A_22] : memref<32x10112xf32, #tpu.memory_space<hbm>> -> memref<1x10112xf32, #tpu.memory_space<hbm>>
      %dma_wait3A_24 = tpu.memref_squeeze %dma_wait3A_23 : memref<1x10112xf32, #tpu.memory_space<hbm>> -> memref<10112xf32, #tpu.memory_space<hbm>>
      tpu.wait_dma2 semaphore(%run_scoped3A : memref<!tpu.dma_semaphore, #tpu.memory_space<semaphore_mem>>) src(%arg5 : memref<10112xf32, #tpu.memory_space<vmem>>) dst(%dma_wait3A_24 : memref<10112xf32, #tpu.memory_space<hbm>>)
      tpu.yield
    }) : () -> ()
    return
  }
}

#map = affine_map<(d0, d1) -> (0, 0, 0)>
#map1 = affine_map<(d0, d1) -> (0)>
#map2 = affine_map<(d0, d1) -> (0, 0)>
module attributes {stable_mosaic.version = 14 : i64} {
  func.func @_agg_body(%arg0: i32, %arg1: i32, %arg2: memref<2x10000x64xf32, #tpu.memory_space<hbm>>, %arg3: memref<327680xi32, #tpu.memory_space<hbm>>, %arg4: memref<2560x128xi32, #tpu.memory_space<hbm>>, %arg5: memref<632x64xf32, #tpu.memory_space<hbm>>, %arg6: memref<2x10112x64xf32, #tpu.memory_space<hbm>>, %arg7: memref<20480xi32, #tpu.memory_space<vmem>>, %arg8: memref<160x128xi32, #tpu.memory_space<vmem>>, %arg9: memref<128x64xf32, #tpu.memory_space<vmem>>, %arg10: memref<128x64xf32, #tpu.memory_space<vmem>>, %arg11: memref<128x64xf32, #tpu.memory_space<vmem>>, %arg12: memref<128x64xf32, #tpu.memory_space<vmem>>, %arg13: memref<128x64xf32, #tpu.memory_space<vmem>>, %arg14: memref<10112x64xf32, #tpu.memory_space<vmem_shared>>, %arg15: memref<!tpu.dma_semaphore, #tpu.memory_space<semaphore_mem>>, %arg16: memref<!tpu.dma_semaphore, #tpu.memory_space<semaphore_mem>>) attributes {dimension_semantics = [#tpu.dimension_semantics<core_parallel>, #tpu.dimension_semantics<subcore_parallel>], iteration_bounds = array<i64: 2, 16>, scalar_prefetch = 0 : i64, scratch_operands = 10 : i64, tpu.core_type = #tpu.core_type<sc_vector_subcore>, window_params = [{transform_indices = #map}, {transform_indices = #map1}, {transform_indices = #map2}, {transform_indices = #map2}, {transform_indices = #map}]} {
    %mul3A = arith.constant 632 : i32
    %mul3A_0 = arith.muli %arg1, %mul3A : i32
    %dma_start3A = arith.constant 0 : i32
    %dma_start3A_1 = tpu.memref_slice %arg14[%mul3A_0, %dma_start3A] : memref<10112x64xf32, #tpu.memory_space<vmem_shared>> -> memref<632x64xf32, #tpu.memory_space<vmem_shared>>
    tpu.enqueue_dma source(%arg5 : memref<632x64xf32, #tpu.memory_space<hbm>>) target(%dma_start3A_1 : memref<632x64xf32, #tpu.memory_space<vmem_shared>>) target_semaphore(%arg16 : memref<!tpu.dma_semaphore, #tpu.memory_space<semaphore_mem>>)
    %mul3A_2 = arith.constant 20480 : i32
    %mul3A_3 = arith.muli %arg1, %mul3A_2 : i32
    %dma_start3A_4 = tpu.memref_slice %arg3[%mul3A_3] : memref<327680xi32, #tpu.memory_space<hbm>> -> memref<20480xi32, #tpu.memory_space<hbm>>
    %dma_start3A_5 = tpu.memref_slice %arg3[%mul3A_3] : memref<327680xi32, #tpu.memory_space<hbm>> -> memref<20480xi32, #tpu.memory_space<hbm>>
    tpu.enqueue_dma source(%dma_start3A_5 : memref<20480xi32, #tpu.memory_space<hbm>>) target(%arg7 : memref<20480xi32, #tpu.memory_space<vmem>>) target_semaphore(%arg15 : memref<!tpu.dma_semaphore, #tpu.memory_space<semaphore_mem>>)
    %mul3A_6 = arith.constant 160 : i32
    %mul3A_7 = arith.muli %arg1, %mul3A_6 : i32
    %dma_start3A_8 = arith.constant 0 : i32
    %dma_start3A_9 = tpu.memref_slice %arg4[%mul3A_7, %dma_start3A_8] : memref<2560x128xi32, #tpu.memory_space<hbm>> -> memref<160x128xi32, #tpu.memory_space<hbm>>
    %dma_start3A_10 = arith.constant 0 : i32
    %dma_start3A_11 = tpu.memref_slice %arg4[%mul3A_7, %dma_start3A_10] : memref<2560x128xi32, #tpu.memory_space<hbm>> -> memref<160x128xi32, #tpu.memory_space<hbm>>
    tpu.enqueue_dma source(%dma_start3A_11 : memref<160x128xi32, #tpu.memory_space<hbm>>) target(%arg8 : memref<160x128xi32, #tpu.memory_space<vmem>>) target_semaphore(%arg15 : memref<!tpu.dma_semaphore, #tpu.memory_space<semaphore_mem>>)
    %dma_wait3A = tpu.memref_slice %arg3[%mul3A_3] : memref<327680xi32, #tpu.memory_space<hbm>> -> memref<20480xi32, #tpu.memory_space<hbm>>
    %dma_wait3A_12 = tpu.memref_slice %arg3[%mul3A_3] : memref<327680xi32, #tpu.memory_space<hbm>> -> memref<20480xi32, #tpu.memory_space<hbm>>
    tpu.wait_dma2 semaphore(%arg15 : memref<!tpu.dma_semaphore, #tpu.memory_space<semaphore_mem>>) src(%dma_wait3A_12 : memref<20480xi32, #tpu.memory_space<hbm>>) dst(%arg7 : memref<20480xi32, #tpu.memory_space<vmem>>)
    %dma_wait3A_13 = arith.constant 0 : i32
    %dma_wait3A_14 = tpu.memref_slice %arg4[%mul3A_7, %dma_wait3A_13] : memref<2560x128xi32, #tpu.memory_space<hbm>> -> memref<160x128xi32, #tpu.memory_space<hbm>>
    %dma_wait3A_15 = arith.constant 0 : i32
    %dma_wait3A_16 = tpu.memref_slice %arg4[%mul3A_7, %dma_wait3A_15] : memref<2560x128xi32, #tpu.memory_space<hbm>> -> memref<160x128xi32, #tpu.memory_space<hbm>>
    tpu.wait_dma2 semaphore(%arg15 : memref<!tpu.dma_semaphore, #tpu.memory_space<semaphore_mem>>) src(%dma_wait3A_16 : memref<160x128xi32, #tpu.memory_space<hbm>>) dst(%arg8 : memref<160x128xi32, #tpu.memory_space<vmem>>)
    %dma_wait3A_17 = arith.constant 0 : i32
    %dma_wait3A_18 = tpu.memref_slice %arg14[%mul3A_0, %dma_wait3A_17] : memref<10112x64xf32, #tpu.memory_space<vmem_shared>> -> memref<632x64xf32, #tpu.memory_space<vmem_shared>>
    tpu.wait_dma2 semaphore(%arg16 : memref<!tpu.dma_semaphore, #tpu.memory_space<semaphore_mem>>) src(%arg5 : memref<632x64xf32, #tpu.memory_space<hbm>>) dst(%dma_wait3A_18 : memref<632x64xf32, #tpu.memory_space<vmem_shared>>)
    %barrier3A = arith.constant 0 : index
    tpu.barrier barrier_id(%barrier3A)
    %dma_start3A_19 = arith.constant 0 : i32
    %dma_start3A_20 = tpu.memref_slice %arg7[%dma_start3A_19] : memref<20480xi32, #tpu.memory_space<vmem>> -> memref<128xi32, #tpu.memory_space<vmem>>
    %dma_start3A_21 = arith.constant 0 : i32
    %dma_start3A_22 = arith.constant 0 : i32
    %dma_start3A_23 = tpu.memref_slice %arg2[%arg0, %dma_start3A_21, %dma_start3A_22] : memref<2x10000x64xf32, #tpu.memory_space<hbm>> -> memref<1x10000x64xf32, #tpu.memory_space<hbm>>
    %dma_start3A_24 = tpu.memref_squeeze %dma_start3A_23 : memref<1x10000x64xf32, #tpu.memory_space<hbm>> -> memref<10000x64xf32, #tpu.memory_space<hbm>>
    %dma_start3A_25 = arith.constant 0 : i32
    %dma_start3A_26 = arith.constant 0 : i32
    %dma_start3A_27 = tpu.memref_slice %dma_start3A_24[%dma_start3A_25, %dma_start3A_26] : memref<10000x64xf32, #tpu.memory_space<hbm>> -> memref<10000x64xf32, #tpu.memory_space<hbm>>
    tpu.enqueue_indirect_dma source(%dma_start3A_27 : memref<10000x64xf32, #tpu.memory_space<hbm>>) target(%arg9 : memref<128x64xf32, #tpu.memory_space<vmem>>) offsets(%dma_start3A_20 : memref<128xi32, #tpu.memory_space<vmem>>) semaphore(%arg15 : memref<!tpu.dma_semaphore, #tpu.memory_space<semaphore_mem>>)
    %dma_start3A_28 = arith.constant 128 : i32
    %dma_start3A_29 = tpu.memref_slice %arg7[%dma_start3A_28] : memref<20480xi32, #tpu.memory_space<vmem>> -> memref<128xi32, #tpu.memory_space<vmem>>
    %dma_start3A_30 = arith.constant 0 : i32
    %dma_start3A_31 = arith.constant 0 : i32
    %dma_start3A_32 = tpu.memref_slice %arg2[%arg0, %dma_start3A_30, %dma_start3A_31] : memref<2x10000x64xf32, #tpu.memory_space<hbm>> -> memref<1x10000x64xf32, #tpu.memory_space<hbm>>
    %dma_start3A_33 = tpu.memref_squeeze %dma_start3A_32 : memref<1x10000x64xf32, #tpu.memory_space<hbm>> -> memref<10000x64xf32, #tpu.memory_space<hbm>>
    %dma_start3A_34 = arith.constant 0 : i32
    %dma_start3A_35 = arith.constant 0 : i32
    %dma_start3A_36 = tpu.memref_slice %dma_start3A_33[%dma_start3A_34, %dma_start3A_35] : memref<10000x64xf32, #tpu.memory_space<hbm>> -> memref<10000x64xf32, #tpu.memory_space<hbm>>
    tpu.enqueue_indirect_dma source(%dma_start3A_36 : memref<10000x64xf32, #tpu.memory_space<hbm>>) target(%arg10 : memref<128x64xf32, #tpu.memory_space<vmem>>) offsets(%dma_start3A_29 : memref<128xi32, #tpu.memory_space<vmem>>) semaphore(%arg15 : memref<!tpu.dma_semaphore, #tpu.memory_space<semaphore_mem>>)
    %dma_start3A_37 = arith.constant 256 : i32
    %dma_start3A_38 = tpu.memref_slice %arg7[%dma_start3A_37] : memref<20480xi32, #tpu.memory_space<vmem>> -> memref<128xi32, #tpu.memory_space<vmem>>
    %dma_start3A_39 = arith.constant 0 : i32
    %dma_start3A_40 = arith.constant 0 : i32
    %dma_start3A_41 = tpu.memref_slice %arg2[%arg0, %dma_start3A_39, %dma_start3A_40] : memref<2x10000x64xf32, #tpu.memory_space<hbm>> -> memref<1x10000x64xf32, #tpu.memory_space<hbm>>
    %dma_start3A_42 = tpu.memref_squeeze %dma_start3A_41 : memref<1x10000x64xf32, #tpu.memory_space<hbm>> -> memref<10000x64xf32, #tpu.memory_space<hbm>>
    %dma_start3A_43 = arith.constant 0 : i32
    %dma_start3A_44 = arith.constant 0 : i32
    %dma_start3A_45 = tpu.memref_slice %dma_start3A_42[%dma_start3A_43, %dma_start3A_44] : memref<10000x64xf32, #tpu.memory_space<hbm>> -> memref<10000x64xf32, #tpu.memory_space<hbm>>
    tpu.enqueue_indirect_dma source(%dma_start3A_45 : memref<10000x64xf32, #tpu.memory_space<hbm>>) target(%arg11 : memref<128x64xf32, #tpu.memory_space<vmem>>) offsets(%dma_start3A_38 : memref<128xi32, #tpu.memory_space<vmem>>) semaphore(%arg15 : memref<!tpu.dma_semaphore, #tpu.memory_space<semaphore_mem>>)
    %dma_start3A_46 = arith.constant 384 : i32
    %dma_start3A_47 = tpu.memref_slice %arg7[%dma_start3A_46] : memref<20480xi32, #tpu.memory_space<vmem>> -> memref<128xi32, #tpu.memory_space<vmem>>
    %dma_start3A_48 = arith.constant 0 : i32
    %dma_start3A_49 = arith.constant 0 : i32
    %dma_start3A_50 = tpu.memref_slice %arg2[%arg0, %dma_start3A_48, %dma_start3A_49] : memref<2x10000x64xf32, #tpu.memory_space<hbm>> -> memref<1x10000x64xf32, #tpu.memory_space<hbm>>
    %dma_start3A_51 = tpu.memref_squeeze %dma_start3A_50 : memref<1x10000x64xf32, #tpu.memory_space<hbm>> -> memref<10000x64xf32, #tpu.memory_space<hbm>>
    %dma_start3A_52 = arith.constant 0 : i32
    %dma_start3A_53 = arith.constant 0 : i32
    %dma_start3A_54 = tpu.memref_slice %dma_start3A_51[%dma_start3A_52, %dma_start3A_53] : memref<10000x64xf32, #tpu.memory_space<hbm>> -> memref<10000x64xf32, #tpu.memory_space<hbm>>
    tpu.enqueue_indirect_dma source(%dma_start3A_54 : memref<10000x64xf32, #tpu.memory_space<hbm>>) target(%arg12 : memref<128x64xf32, #tpu.memory_space<vmem>>) offsets(%dma_start3A_47 : memref<128xi32, #tpu.memory_space<vmem>>) semaphore(%arg15 : memref<!tpu.dma_semaphore, #tpu.memory_space<semaphore_mem>>)
    %scan3A = arith.constant 0 : i32
    %scan3A_55 = arith.constant 0 : i32
    %scan3A_56 = arith.constant 32 : i32
    %scan3A_57 = arith.addi %scan3A_55, %scan3A_56 : i32
    %scan3A_58 = arith.constant 1 : i32
    scf.for %scan3A_71 = %scan3A_55 to %scan3A_57 step %scan3A_58  : i32 {
      %mul3A_72 = arith.constant 5 : i32
      %mul3A_73 = arith.muli %mul3A_72, %scan3A_71 : i32
      %add3A = arith.constant 0 : i32
      %add3A_74 = arith.addi %mul3A_73, %add3A : i32
      %dma_wait3A_75 = arith.constant 0 : i32
      %dma_wait3A_76 = arith.constant 0 : i32
      %dma_wait3A_77 = tpu.memref_slice %arg2[%arg0, %dma_wait3A_75, %dma_wait3A_76] : memref<2x10000x64xf32, #tpu.memory_space<hbm>> -> memref<1x10000x64xf32, #tpu.memory_space<hbm>>
      %dma_wait3A_78 = tpu.memref_squeeze %dma_wait3A_77 : memref<1x10000x64xf32, #tpu.memory_space<hbm>> -> memref<10000x64xf32, #tpu.memory_space<hbm>>
      %dma_wait3A_79 = arith.constant 0 : i32
      %dma_wait3A_80 = arith.constant 0 : i32
      %dma_wait3A_81 = tpu.memref_slice %arg2[%arg0, %dma_wait3A_79, %dma_wait3A_80] : memref<2x10000x64xf32, #tpu.memory_space<hbm>> -> memref<1x10000x64xf32, #tpu.memory_space<hbm>>
      %dma_wait3A_82 = tpu.memref_squeeze %dma_wait3A_81 : memref<1x10000x64xf32, #tpu.memory_space<hbm>> -> memref<10000x64xf32, #tpu.memory_space<hbm>>
      tpu.wait_dma2 semaphore(%arg15 : memref<!tpu.dma_semaphore, #tpu.memory_space<semaphore_mem>>) src(%dma_wait3A_82 : memref<10000x64xf32, #tpu.memory_space<hbm>>) dst(%arg9 : memref<128x64xf32, #tpu.memory_space<vmem>>)
      %gt3A = arith.constant 0 : i32
      %gt3A_83 = arith.cmpi sgt, %scan3A_71, %gt3A : i32
      %convert_element_type3A = arith.extui %gt3A_83 : i1 to i32
      %cond3A = arith.constant 0 : i32
      %cond3A_84 = arith.cmpi ne, %convert_element_type3A, %cond3A : i32
      scf.if %cond3A_84 {
        %dma_wait3A_222 = arith.constant 0 : i32
        %dma_wait3A_223 = arith.constant 0 : i32
        %dma_wait3A_224 = tpu.memref_slice %arg14[%dma_wait3A_222, %dma_wait3A_223] : memref<10112x64xf32, #tpu.memory_space<vmem_shared>> -> memref<128x64xf32, #tpu.memory_space<vmem_shared>>
        %dma_wait3A_225 = arith.constant 0 : i32
        %dma_wait3A_226 = arith.constant 0 : i32
        %dma_wait3A_227 = tpu.memref_slice %arg14[%dma_wait3A_225, %dma_wait3A_226] : memref<10112x64xf32, #tpu.memory_space<vmem_shared>> -> memref<128x64xf32, #tpu.memory_space<vmem_shared>>
        tpu.wait_dma2 semaphore(%arg16 : memref<!tpu.dma_semaphore, #tpu.memory_space<semaphore_mem>>) src(%arg13 : memref<128x64xf32, #tpu.memory_space<vmem>>) dst(%dma_wait3A_227 : memref<128x64xf32, #tpu.memory_space<vmem_shared>>)
      } else {
      }
      %add3A_85 = arith.constant 5 : i32
      %add3A_86 = arith.addi %add3A_74, %add3A_85 : i32
      %sub3A = arith.constant 1 : i32
      %sub3A_87 = arith.subi %add3A_86, %sub3A : i32
      %lt3A = arith.constant 160 : i32
      %lt3A_88 = arith.cmpi slt, %sub3A_87, %lt3A : i32
      %convert_element_type3A_89 = arith.extui %lt3A_88 : i1 to i32
      %cond3A_90 = arith.constant 0 : i32
      %cond3A_91 = arith.cmpi ne, %convert_element_type3A_89, %cond3A_90 : i32
      scf.if %cond3A_91 {
        %add3A_222 = arith.constant 5 : i32
        %add3A_223 = arith.addi %add3A_74, %add3A_222 : i32
        %sub3A_224 = arith.constant 1 : i32
        %sub3A_225 = arith.subi %add3A_223, %sub3A_224 : i32
        %mul3A_226 = arith.constant 128 : i32
        %mul3A_227 = arith.muli %sub3A_225, %mul3A_226 : i32
        %dma_start3A_228 = tpu.memref_slice %arg7[%mul3A_227] : memref<20480xi32, #tpu.memory_space<vmem>> -> memref<128xi32, #tpu.memory_space<vmem>>
        %dma_start3A_229 = arith.constant 0 : i32
        %dma_start3A_230 = arith.constant 0 : i32
        %dma_start3A_231 = tpu.memref_slice %arg2[%arg0, %dma_start3A_229, %dma_start3A_230] : memref<2x10000x64xf32, #tpu.memory_space<hbm>> -> memref<1x10000x64xf32, #tpu.memory_space<hbm>>
        %dma_start3A_232 = tpu.memref_squeeze %dma_start3A_231 : memref<1x10000x64xf32, #tpu.memory_space<hbm>> -> memref<10000x64xf32, #tpu.memory_space<hbm>>
        %dma_start3A_233 = arith.constant 0 : i32
        %dma_start3A_234 = arith.constant 0 : i32
        %dma_start3A_235 = tpu.memref_slice %dma_start3A_232[%dma_start3A_233, %dma_start3A_234] : memref<10000x64xf32, #tpu.memory_space<hbm>> -> memref<10000x64xf32, #tpu.memory_space<hbm>>
        tpu.enqueue_indirect_dma source(%dma_start3A_235 : memref<10000x64xf32, #tpu.memory_space<hbm>>) target(%arg13 : memref<128x64xf32, #tpu.memory_space<vmem>>) offsets(%dma_start3A_228 : memref<128xi32, #tpu.memory_space<vmem>>) semaphore(%arg15 : memref<!tpu.dma_semaphore, #tpu.memory_space<semaphore_mem>>)
      } else {
      }
      %dma_start3A_92 = arith.constant 0 : i32
      %dma_start3A_93 = tpu.memref_slice %arg8[%add3A_74, %dma_start3A_92] : memref<160x128xi32, #tpu.memory_space<vmem>> -> memref<1x128xi32, #tpu.memory_space<vmem>>
      %dma_start3A_94 = tpu.memref_squeeze %dma_start3A_93 : memref<1x128xi32, #tpu.memory_space<vmem>> -> memref<128xi32, #tpu.memory_space<vmem>>
      %dma_start3A_95 = arith.constant 0 : i32
      %dma_start3A_96 = arith.constant 0 : i32
      %dma_start3A_97 = tpu.memref_slice %arg14[%dma_start3A_95, %dma_start3A_96] : memref<10112x64xf32, #tpu.memory_space<vmem_shared>> -> memref<10112x64xf32, #tpu.memory_space<vmem_shared>>
      tpu.enqueue_indirect_dma source(%arg9 : memref<128x64xf32, #tpu.memory_space<vmem>>) target(%dma_start3A_97 : memref<10112x64xf32, #tpu.memory_space<vmem_shared>>) offsets(%dma_start3A_94 : memref<128xi32, #tpu.memory_space<vmem>>) semaphore(%arg16 : memref<!tpu.dma_semaphore, #tpu.memory_space<semaphore_mem>>) {add = true}
      %add3A_98 = arith.constant 1 : i32
      %add3A_99 = arith.addi %mul3A_73, %add3A_98 : i32
      %dma_wait3A_100 = arith.constant 0 : i32
      %dma_wait3A_101 = arith.constant 0 : i32
      %dma_wait3A_102 = tpu.memref_slice %arg2[%arg0, %dma_wait3A_100, %dma_wait3A_101] : memref<2x10000x64xf32, #tpu.memory_space<hbm>> -> memref<1x10000x64xf32, #tpu.memory_space<hbm>>
      %dma_wait3A_103 = tpu.memref_squeeze %dma_wait3A_102 : memref<1x10000x64xf32, #tpu.memory_space<hbm>> -> memref<10000x64xf32, #tpu.memory_space<hbm>>
      %dma_wait3A_104 = arith.constant 0 : i32
      %dma_wait3A_105 = arith.constant 0 : i32
      %dma_wait3A_106 = tpu.memref_slice %arg2[%arg0, %dma_wait3A_104, %dma_wait3A_105] : memref<2x10000x64xf32, #tpu.memory_space<hbm>> -> memref<1x10000x64xf32, #tpu.memory_space<hbm>>
      %dma_wait3A_107 = tpu.memref_squeeze %dma_wait3A_106 : memref<1x10000x64xf32, #tpu.memory_space<hbm>> -> memref<10000x64xf32, #tpu.memory_space<hbm>>
      tpu.wait_dma2 semaphore(%arg15 : memref<!tpu.dma_semaphore, #tpu.memory_space<semaphore_mem>>) src(%dma_wait3A_107 : memref<10000x64xf32, #tpu.memory_space<hbm>>) dst(%arg10 : memref<128x64xf32, #tpu.memory_space<vmem>>)
      %dma_wait3A_108 = arith.constant 0 : i32
      %dma_wait3A_109 = arith.constant 0 : i32
      %dma_wait3A_110 = tpu.memref_slice %arg14[%dma_wait3A_108, %dma_wait3A_109] : memref<10112x64xf32, #tpu.memory_space<vmem_shared>> -> memref<128x64xf32, #tpu.memory_space<vmem_shared>>
      %dma_wait3A_111 = arith.constant 0 : i32
      %dma_wait3A_112 = arith.constant 0 : i32
      %dma_wait3A_113 = tpu.memref_slice %arg14[%dma_wait3A_111, %dma_wait3A_112] : memref<10112x64xf32, #tpu.memory_space<vmem_shared>> -> memref<128x64xf32, #tpu.memory_space<vmem_shared>>
      tpu.wait_dma2 semaphore(%arg16 : memref<!tpu.dma_semaphore, #tpu.memory_space<semaphore_mem>>) src(%arg9 : memref<128x64xf32, #tpu.memory_space<vmem>>) dst(%dma_wait3A_113 : memref<128x64xf32, #tpu.memory_space<vmem_shared>>)
      %add3A_114 = arith.constant 5 : i32
      %add3A_115 = arith.addi %add3A_99, %add3A_114 : i32
      %sub3A_116 = arith.constant 1 : i32
      %sub3A_117 = arith.subi %add3A_115, %sub3A_116 : i32
      %lt3A_118 = arith.constant 160 : i32
      %lt3A_119 = arith.cmpi slt, %sub3A_117, %lt3A_118 : i32
      %convert_element_type3A_120 = arith.extui %lt3A_119 : i1 to i32
      %cond3A_121 = arith.constant 0 : i32
      %cond3A_122 = arith.cmpi ne, %convert_element_type3A_120, %cond3A_121 : i32
      scf.if %cond3A_122 {
        %add3A_222 = arith.constant 5 : i32
        %add3A_223 = arith.addi %add3A_99, %add3A_222 : i32
        %sub3A_224 = arith.constant 1 : i32
        %sub3A_225 = arith.subi %add3A_223, %sub3A_224 : i32
        %mul3A_226 = arith.constant 128 : i32
        %mul3A_227 = arith.muli %sub3A_225, %mul3A_226 : i32
        %dma_start3A_228 = tpu.memref_slice %arg7[%mul3A_227] : memref<20480xi32, #tpu.memory_space<vmem>> -> memref<128xi32, #tpu.memory_space<vmem>>
        %dma_start3A_229 = arith.constant 0 : i32
        %dma_start3A_230 = arith.constant 0 : i32
        %dma_start3A_231 = tpu.memref_slice %arg2[%arg0, %dma_start3A_229, %dma_start3A_230] : memref<2x10000x64xf32, #tpu.memory_space<hbm>> -> memref<1x10000x64xf32, #tpu.memory_space<hbm>>
        %dma_start3A_232 = tpu.memref_squeeze %dma_start3A_231 : memref<1x10000x64xf32, #tpu.memory_space<hbm>> -> memref<10000x64xf32, #tpu.memory_space<hbm>>
        %dma_start3A_233 = arith.constant 0 : i32
        %dma_start3A_234 = arith.constant 0 : i32
        %dma_start3A_235 = tpu.memref_slice %dma_start3A_232[%dma_start3A_233, %dma_start3A_234] : memref<10000x64xf32, #tpu.memory_space<hbm>> -> memref<10000x64xf32, #tpu.memory_space<hbm>>
        tpu.enqueue_indirect_dma source(%dma_start3A_235 : memref<10000x64xf32, #tpu.memory_space<hbm>>) target(%arg9 : memref<128x64xf32, #tpu.memory_space<vmem>>) offsets(%dma_start3A_228 : memref<128xi32, #tpu.memory_space<vmem>>) semaphore(%arg15 : memref<!tpu.dma_semaphore, #tpu.memory_space<semaphore_mem>>)
      } else {
      }
      %dma_start3A_123 = arith.constant 0 : i32
      %dma_start3A_124 = tpu.memref_slice %arg8[%add3A_99, %dma_start3A_123] : memref<160x128xi32, #tpu.memory_space<vmem>> -> memref<1x128xi32, #tpu.memory_space<vmem>>
      %dma_start3A_125 = tpu.memref_squeeze %dma_start3A_124 : memref<1x128xi32, #tpu.memory_space<vmem>> -> memref<128xi32, #tpu.memory_space<vmem>>
      %dma_start3A_126 = arith.constant 0 : i32
      %dma_start3A_127 = arith.constant 0 : i32
      %dma_start3A_128 = tpu.memref_slice %arg14[%dma_start3A_126, %dma_start3A_127] : memref<10112x64xf32, #tpu.memory_space<vmem_shared>> -> memref<10112x64xf32, #tpu.memory_space<vmem_shared>>
      tpu.enqueue_indirect_dma source(%arg10 : memref<128x64xf32, #tpu.memory_space<vmem>>) target(%dma_start3A_128 : memref<10112x64xf32, #tpu.memory_space<vmem_shared>>) offsets(%dma_start3A_125 : memref<128xi32, #tpu.memory_space<vmem>>) semaphore(%arg16 : memref<!tpu.dma_semaphore, #tpu.memory_space<semaphore_mem>>) {add = true}
      %add3A_129 = arith.constant 2 : i32
      %add3A_130 = arith.addi %mul3A_73, %add3A_129 : i32
      %dma_wait3A_131 = arith.constant 0 : i32
      %dma_wait3A_132 = arith.constant 0 : i32
      %dma_wait3A_133 = tpu.memref_slice %arg2[%arg0, %dma_wait3A_131, %dma_wait3A_132] : memref<2x10000x64xf32, #tpu.memory_space<hbm>> -> memref<1x10000x64xf32, #tpu.memory_space<hbm>>
      %dma_wait3A_134 = tpu.memref_squeeze %dma_wait3A_133 : memref<1x10000x64xf32, #tpu.memory_space<hbm>> -> memref<10000x64xf32, #tpu.memory_space<hbm>>
      %dma_wait3A_135 = arith.constant 0 : i32
      %dma_wait3A_136 = arith.constant 0 : i32
      %dma_wait3A_137 = tpu.memref_slice %arg2[%arg0, %dma_wait3A_135, %dma_wait3A_136] : memref<2x10000x64xf32, #tpu.memory_space<hbm>> -> memref<1x10000x64xf32, #tpu.memory_space<hbm>>
      %dma_wait3A_138 = tpu.memref_squeeze %dma_wait3A_137 : memref<1x10000x64xf32, #tpu.memory_space<hbm>> -> memref<10000x64xf32, #tpu.memory_space<hbm>>
      tpu.wait_dma2 semaphore(%arg15 : memref<!tpu.dma_semaphore, #tpu.memory_space<semaphore_mem>>) src(%dma_wait3A_138 : memref<10000x64xf32, #tpu.memory_space<hbm>>) dst(%arg11 : memref<128x64xf32, #tpu.memory_space<vmem>>)
      %dma_wait3A_139 = arith.constant 0 : i32
      %dma_wait3A_140 = arith.constant 0 : i32
      %dma_wait3A_141 = tpu.memref_slice %arg14[%dma_wait3A_139, %dma_wait3A_140] : memref<10112x64xf32, #tpu.memory_space<vmem_shared>> -> memref<128x64xf32, #tpu.memory_space<vmem_shared>>
      %dma_wait3A_142 = arith.constant 0 : i32
      %dma_wait3A_143 = arith.constant 0 : i32
      %dma_wait3A_144 = tpu.memref_slice %arg14[%dma_wait3A_142, %dma_wait3A_143] : memref<10112x64xf32, #tpu.memory_space<vmem_shared>> -> memref<128x64xf32, #tpu.memory_space<vmem_shared>>
      tpu.wait_dma2 semaphore(%arg16 : memref<!tpu.dma_semaphore, #tpu.memory_space<semaphore_mem>>) src(%arg10 : memref<128x64xf32, #tpu.memory_space<vmem>>) dst(%dma_wait3A_144 : memref<128x64xf32, #tpu.memory_space<vmem_shared>>)
      %add3A_145 = arith.constant 5 : i32
      %add3A_146 = arith.addi %add3A_130, %add3A_145 : i32
      %sub3A_147 = arith.constant 1 : i32
      %sub3A_148 = arith.subi %add3A_146, %sub3A_147 : i32
      %lt3A_149 = arith.constant 160 : i32
      %lt3A_150 = arith.cmpi slt, %sub3A_148, %lt3A_149 : i32
      %convert_element_type3A_151 = arith.extui %lt3A_150 : i1 to i32
      %cond3A_152 = arith.constant 0 : i32
      %cond3A_153 = arith.cmpi ne, %convert_element_type3A_151, %cond3A_152 : i32
      scf.if %cond3A_153 {
        %add3A_222 = arith.constant 5 : i32
        %add3A_223 = arith.addi %add3A_130, %add3A_222 : i32
        %sub3A_224 = arith.constant 1 : i32
        %sub3A_225 = arith.subi %add3A_223, %sub3A_224 : i32
        %mul3A_226 = arith.constant 128 : i32
        %mul3A_227 = arith.muli %sub3A_225, %mul3A_226 : i32
        %dma_start3A_228 = tpu.memref_slice %arg7[%mul3A_227] : memref<20480xi32, #tpu.memory_space<vmem>> -> memref<128xi32, #tpu.memory_space<vmem>>
        %dma_start3A_229 = arith.constant 0 : i32
        %dma_start3A_230 = arith.constant 0 : i32
        %dma_start3A_231 = tpu.memref_slice %arg2[%arg0, %dma_start3A_229, %dma_start3A_230] : memref<2x10000x64xf32, #tpu.memory_space<hbm>> -> memref<1x10000x64xf32, #tpu.memory_space<hbm>>
        %dma_start3A_232 = tpu.memref_squeeze %dma_start3A_231 : memref<1x10000x64xf32, #tpu.memory_space<hbm>> -> memref<10000x64xf32, #tpu.memory_space<hbm>>
        %dma_start3A_233 = arith.constant 0 : i32
        %dma_start3A_234 = arith.constant 0 : i32
        %dma_start3A_235 = tpu.memref_slice %dma_start3A_232[%dma_start3A_233, %dma_start3A_234] : memref<10000x64xf32, #tpu.memory_space<hbm>> -> memref<10000x64xf32, #tpu.memory_space<hbm>>
        tpu.enqueue_indirect_dma source(%dma_start3A_235 : memref<10000x64xf32, #tpu.memory_space<hbm>>) target(%arg10 : memref<128x64xf32, #tpu.memory_space<vmem>>) offsets(%dma_start3A_228 : memref<128xi32, #tpu.memory_space<vmem>>) semaphore(%arg15 : memref<!tpu.dma_semaphore, #tpu.memory_space<semaphore_mem>>)
      } else {
      }
      %dma_start3A_154 = arith.constant 0 : i32
      %dma_start3A_155 = tpu.memref_slice %arg8[%add3A_130, %dma_start3A_154] : memref<160x128xi32, #tpu.memory_space<vmem>> -> memref<1x128xi32, #tpu.memory_space<vmem>>
      %dma_start3A_156 = tpu.memref_squeeze %dma_start3A_155 : memref<1x128xi32, #tpu.memory_space<vmem>> -> memref<128xi32, #tpu.memory_space<vmem>>
      %dma_start3A_157 = arith.constant 0 : i32
      %dma_start3A_158 = arith.constant 0 : i32
      %dma_start3A_159 = tpu.memref_slice %arg14[%dma_start3A_157, %dma_start3A_158] : memref<10112x64xf32, #tpu.memory_space<vmem_shared>> -> memref<10112x64xf32, #tpu.memory_space<vmem_shared>>
      tpu.enqueue_indirect_dma source(%arg11 : memref<128x64xf32, #tpu.memory_space<vmem>>) target(%dma_start3A_159 : memref<10112x64xf32, #tpu.memory_space<vmem_shared>>) offsets(%dma_start3A_156 : memref<128xi32, #tpu.memory_space<vmem>>) semaphore(%arg16 : memref<!tpu.dma_semaphore, #tpu.memory_space<semaphore_mem>>) {add = true}
      %add3A_160 = arith.constant 3 : i32
      %add3A_161 = arith.addi %mul3A_73, %add3A_160 : i32
      %dma_wait3A_162 = arith.constant 0 : i32
      %dma_wait3A_163 = arith.constant 0 : i32
      %dma_wait3A_164 = tpu.memref_slice %arg2[%arg0, %dma_wait3A_162, %dma_wait3A_163] : memref<2x10000x64xf32, #tpu.memory_space<hbm>> -> memref<1x10000x64xf32, #tpu.memory_space<hbm>>
      %dma_wait3A_165 = tpu.memref_squeeze %dma_wait3A_164 : memref<1x10000x64xf32, #tpu.memory_space<hbm>> -> memref<10000x64xf32, #tpu.memory_space<hbm>>
      %dma_wait3A_166 = arith.constant 0 : i32
      %dma_wait3A_167 = arith.constant 0 : i32
      %dma_wait3A_168 = tpu.memref_slice %arg2[%arg0, %dma_wait3A_166, %dma_wait3A_167] : memref<2x10000x64xf32, #tpu.memory_space<hbm>> -> memref<1x10000x64xf32, #tpu.memory_space<hbm>>
      %dma_wait3A_169 = tpu.memref_squeeze %dma_wait3A_168 : memref<1x10000x64xf32, #tpu.memory_space<hbm>> -> memref<10000x64xf32, #tpu.memory_space<hbm>>
      tpu.wait_dma2 semaphore(%arg15 : memref<!tpu.dma_semaphore, #tpu.memory_space<semaphore_mem>>) src(%dma_wait3A_169 : memref<10000x64xf32, #tpu.memory_space<hbm>>) dst(%arg12 : memref<128x64xf32, #tpu.memory_space<vmem>>)
      %dma_wait3A_170 = arith.constant 0 : i32
      %dma_wait3A_171 = arith.constant 0 : i32
      %dma_wait3A_172 = tpu.memref_slice %arg14[%dma_wait3A_170, %dma_wait3A_171] : memref<10112x64xf32, #tpu.memory_space<vmem_shared>> -> memref<128x64xf32, #tpu.memory_space<vmem_shared>>
      %dma_wait3A_173 = arith.constant 0 : i32
      %dma_wait3A_174 = arith.constant 0 : i32
      %dma_wait3A_175 = tpu.memref_slice %arg14[%dma_wait3A_173, %dma_wait3A_174] : memref<10112x64xf32, #tpu.memory_space<vmem_shared>> -> memref<128x64xf32, #tpu.memory_space<vmem_shared>>
      tpu.wait_dma2 semaphore(%arg16 : memref<!tpu.dma_semaphore, #tpu.memory_space<semaphore_mem>>) src(%arg11 : memref<128x64xf32, #tpu.memory_space<vmem>>) dst(%dma_wait3A_175 : memref<128x64xf32, #tpu.memory_space<vmem_shared>>)
      %add3A_176 = arith.constant 5 : i32
      %add3A_177 = arith.addi %add3A_161, %add3A_176 : i32
      %sub3A_178 = arith.constant 1 : i32
      %sub3A_179 = arith.subi %add3A_177, %sub3A_178 : i32
      %lt3A_180 = arith.constant 160 : i32
      %lt3A_181 = arith.cmpi slt, %sub3A_179, %lt3A_180 : i32
      %convert_element_type3A_182 = arith.extui %lt3A_181 : i1 to i32
      %cond3A_183 = arith.constant 0 : i32
      %cond3A_184 = arith.cmpi ne, %convert_element_type3A_182, %cond3A_183 : i32
      scf.if %cond3A_184 {
        %add3A_222 = arith.constant 5 : i32
        %add3A_223 = arith.addi %add3A_161, %add3A_222 : i32
        %sub3A_224 = arith.constant 1 : i32
        %sub3A_225 = arith.subi %add3A_223, %sub3A_224 : i32
        %mul3A_226 = arith.constant 128 : i32
        %mul3A_227 = arith.muli %sub3A_225, %mul3A_226 : i32
        %dma_start3A_228 = tpu.memref_slice %arg7[%mul3A_227] : memref<20480xi32, #tpu.memory_space<vmem>> -> memref<128xi32, #tpu.memory_space<vmem>>
        %dma_start3A_229 = arith.constant 0 : i32
        %dma_start3A_230 = arith.constant 0 : i32
        %dma_start3A_231 = tpu.memref_slice %arg2[%arg0, %dma_start3A_229, %dma_start3A_230] : memref<2x10000x64xf32, #tpu.memory_space<hbm>> -> memref<1x10000x64xf32, #tpu.memory_space<hbm>>
        %dma_start3A_232 = tpu.memref_squeeze %dma_start3A_231 : memref<1x10000x64xf32, #tpu.memory_space<hbm>> -> memref<10000x64xf32, #tpu.memory_space<hbm>>
        %dma_start3A_233 = arith.constant 0 : i32
        %dma_start3A_234 = arith.constant 0 : i32
        %dma_start3A_235 = tpu.memref_slice %dma_start3A_232[%dma_start3A_233, %dma_start3A_234] : memref<10000x64xf32, #tpu.memory_space<hbm>> -> memref<10000x64xf32, #tpu.memory_space<hbm>>
        tpu.enqueue_indirect_dma source(%dma_start3A_235 : memref<10000x64xf32, #tpu.memory_space<hbm>>) target(%arg11 : memref<128x64xf32, #tpu.memory_space<vmem>>) offsets(%dma_start3A_228 : memref<128xi32, #tpu.memory_space<vmem>>) semaphore(%arg15 : memref<!tpu.dma_semaphore, #tpu.memory_space<semaphore_mem>>)
      } else {
      }
      %dma_start3A_185 = arith.constant 0 : i32
      %dma_start3A_186 = tpu.memref_slice %arg8[%add3A_161, %dma_start3A_185] : memref<160x128xi32, #tpu.memory_space<vmem>> -> memref<1x128xi32, #tpu.memory_space<vmem>>
      %dma_start3A_187 = tpu.memref_squeeze %dma_start3A_186 : memref<1x128xi32, #tpu.memory_space<vmem>> -> memref<128xi32, #tpu.memory_space<vmem>>
      %dma_start3A_188 = arith.constant 0 : i32
      %dma_start3A_189 = arith.constant 0 : i32
      %dma_start3A_190 = tpu.memref_slice %arg14[%dma_start3A_188, %dma_start3A_189] : memref<10112x64xf32, #tpu.memory_space<vmem_shared>> -> memref<10112x64xf32, #tpu.memory_space<vmem_shared>>
      tpu.enqueue_indirect_dma source(%arg12 : memref<128x64xf32, #tpu.memory_space<vmem>>) target(%dma_start3A_190 : memref<10112x64xf32, #tpu.memory_space<vmem_shared>>) offsets(%dma_start3A_187 : memref<128xi32, #tpu.memory_space<vmem>>) semaphore(%arg16 : memref<!tpu.dma_semaphore, #tpu.memory_space<semaphore_mem>>) {add = true}
      %add3A_191 = arith.constant 4 : i32
      %add3A_192 = arith.addi %mul3A_73, %add3A_191 : i32
      %dma_wait3A_193 = arith.constant 0 : i32
      %dma_wait3A_194 = arith.constant 0 : i32
      %dma_wait3A_195 = tpu.memref_slice %arg2[%arg0, %dma_wait3A_193, %dma_wait3A_194] : memref<2x10000x64xf32, #tpu.memory_space<hbm>> -> memref<1x10000x64xf32, #tpu.memory_space<hbm>>
      %dma_wait3A_196 = tpu.memref_squeeze %dma_wait3A_195 : memref<1x10000x64xf32, #tpu.memory_space<hbm>> -> memref<10000x64xf32, #tpu.memory_space<hbm>>
      %dma_wait3A_197 = arith.constant 0 : i32
      %dma_wait3A_198 = arith.constant 0 : i32
      %dma_wait3A_199 = tpu.memref_slice %arg2[%arg0, %dma_wait3A_197, %dma_wait3A_198] : memref<2x10000x64xf32, #tpu.memory_space<hbm>> -> memref<1x10000x64xf32, #tpu.memory_space<hbm>>
      %dma_wait3A_200 = tpu.memref_squeeze %dma_wait3A_199 : memref<1x10000x64xf32, #tpu.memory_space<hbm>> -> memref<10000x64xf32, #tpu.memory_space<hbm>>
      tpu.wait_dma2 semaphore(%arg15 : memref<!tpu.dma_semaphore, #tpu.memory_space<semaphore_mem>>) src(%dma_wait3A_200 : memref<10000x64xf32, #tpu.memory_space<hbm>>) dst(%arg13 : memref<128x64xf32, #tpu.memory_space<vmem>>)
      %dma_wait3A_201 = arith.constant 0 : i32
      %dma_wait3A_202 = arith.constant 0 : i32
      %dma_wait3A_203 = tpu.memref_slice %arg14[%dma_wait3A_201, %dma_wait3A_202] : memref<10112x64xf32, #tpu.memory_space<vmem_shared>> -> memref<128x64xf32, #tpu.memory_space<vmem_shared>>
      %dma_wait3A_204 = arith.constant 0 : i32
      %dma_wait3A_205 = arith.constant 0 : i32
      %dma_wait3A_206 = tpu.memref_slice %arg14[%dma_wait3A_204, %dma_wait3A_205] : memref<10112x64xf32, #tpu.memory_space<vmem_shared>> -> memref<128x64xf32, #tpu.memory_space<vmem_shared>>
      tpu.wait_dma2 semaphore(%arg16 : memref<!tpu.dma_semaphore, #tpu.memory_space<semaphore_mem>>) src(%arg12 : memref<128x64xf32, #tpu.memory_space<vmem>>) dst(%dma_wait3A_206 : memref<128x64xf32, #tpu.memory_space<vmem_shared>>)
      %add3A_207 = arith.constant 5 : i32
      %add3A_208 = arith.addi %add3A_192, %add3A_207 : i32
      %sub3A_209 = arith.constant 1 : i32
      %sub3A_210 = arith.subi %add3A_208, %sub3A_209 : i32
      %lt3A_211 = arith.constant 160 : i32
      %lt3A_212 = arith.cmpi slt, %sub3A_210, %lt3A_211 : i32
      %convert_element_type3A_213 = arith.extui %lt3A_212 : i1 to i32
      %cond3A_214 = arith.constant 0 : i32
      %cond3A_215 = arith.cmpi ne, %convert_element_type3A_213, %cond3A_214 : i32
      scf.if %cond3A_215 {
        %add3A_222 = arith.constant 5 : i32
        %add3A_223 = arith.addi %add3A_192, %add3A_222 : i32
        %sub3A_224 = arith.constant 1 : i32
        %sub3A_225 = arith.subi %add3A_223, %sub3A_224 : i32
        %mul3A_226 = arith.constant 128 : i32
        %mul3A_227 = arith.muli %sub3A_225, %mul3A_226 : i32
        %dma_start3A_228 = tpu.memref_slice %arg7[%mul3A_227] : memref<20480xi32, #tpu.memory_space<vmem>> -> memref<128xi32, #tpu.memory_space<vmem>>
        %dma_start3A_229 = arith.constant 0 : i32
        %dma_start3A_230 = arith.constant 0 : i32
        %dma_start3A_231 = tpu.memref_slice %arg2[%arg0, %dma_start3A_229, %dma_start3A_230] : memref<2x10000x64xf32, #tpu.memory_space<hbm>> -> memref<1x10000x64xf32, #tpu.memory_space<hbm>>
        %dma_start3A_232 = tpu.memref_squeeze %dma_start3A_231 : memref<1x10000x64xf32, #tpu.memory_space<hbm>> -> memref<10000x64xf32, #tpu.memory_space<hbm>>
        %dma_start3A_233 = arith.constant 0 : i32
        %dma_start3A_234 = arith.constant 0 : i32
        %dma_start3A_235 = tpu.memref_slice %dma_start3A_232[%dma_start3A_233, %dma_start3A_234] : memref<10000x64xf32, #tpu.memory_space<hbm>> -> memref<10000x64xf32, #tpu.memory_space<hbm>>
        tpu.enqueue_indirect_dma source(%dma_start3A_235 : memref<10000x64xf32, #tpu.memory_space<hbm>>) target(%arg12 : memref<128x64xf32, #tpu.memory_space<vmem>>) offsets(%dma_start3A_228 : memref<128xi32, #tpu.memory_space<vmem>>) semaphore(%arg15 : memref<!tpu.dma_semaphore, #tpu.memory_space<semaphore_mem>>)
      } else {
      }
      %dma_start3A_216 = arith.constant 0 : i32
      %dma_start3A_217 = tpu.memref_slice %arg8[%add3A_192, %dma_start3A_216] : memref<160x128xi32, #tpu.memory_space<vmem>> -> memref<1x128xi32, #tpu.memory_space<vmem>>
      %dma_start3A_218 = tpu.memref_squeeze %dma_start3A_217 : memref<1x128xi32, #tpu.memory_space<vmem>> -> memref<128xi32, #tpu.memory_space<vmem>>
      %dma_start3A_219 = arith.constant 0 : i32
      %dma_start3A_220 = arith.constant 0 : i32
      %dma_start3A_221 = tpu.memref_slice %arg14[%dma_start3A_219, %dma_start3A_220] : memref<10112x64xf32, #tpu.memory_space<vmem_shared>> -> memref<10112x64xf32, #tpu.memory_space<vmem_shared>>
      tpu.enqueue_indirect_dma source(%arg13 : memref<128x64xf32, #tpu.memory_space<vmem>>) target(%dma_start3A_221 : memref<10112x64xf32, #tpu.memory_space<vmem_shared>>) offsets(%dma_start3A_218 : memref<128xi32, #tpu.memory_space<vmem>>) semaphore(%arg16 : memref<!tpu.dma_semaphore, #tpu.memory_space<semaphore_mem>>) {add = true}
    }
    %scan3A_59 = arith.constant 32 : i32
    %dma_wait3A_60 = arith.constant 0 : i32
    %dma_wait3A_61 = arith.constant 0 : i32
    %dma_wait3A_62 = tpu.memref_slice %arg14[%dma_wait3A_60, %dma_wait3A_61] : memref<10112x64xf32, #tpu.memory_space<vmem_shared>> -> memref<128x64xf32, #tpu.memory_space<vmem_shared>>
    %dma_wait3A_63 = arith.constant 0 : i32
    %dma_wait3A_64 = arith.constant 0 : i32
    %dma_wait3A_65 = tpu.memref_slice %arg14[%dma_wait3A_63, %dma_wait3A_64] : memref<10112x64xf32, #tpu.memory_space<vmem_shared>> -> memref<128x64xf32, #tpu.memory_space<vmem_shared>>
    tpu.wait_dma2 semaphore(%arg16 : memref<!tpu.dma_semaphore, #tpu.memory_space<semaphore_mem>>) src(%arg13 : memref<128x64xf32, #tpu.memory_space<vmem>>) dst(%dma_wait3A_65 : memref<128x64xf32, #tpu.memory_space<vmem_shared>>)
    %barrier3A_66 = arith.constant 0 : index
    tpu.barrier barrier_id(%barrier3A_66)
    %mul3A_67 = arith.constant 632 : i32
    %mul3A_68 = arith.muli %arg1, %mul3A_67 : i32
    %mul3A_69 = arith.constant 632 : i32
    %mul3A_70 = arith.muli %arg1, %mul3A_69 : i32
    "tpu.region"() ({
      %run_scoped3A = tpu.sem_alloc : memref<!tpu.dma_semaphore, #tpu.memory_space<semaphore_mem>>
      %dma_start3A_71 = arith.constant 0 : i32
      %dma_start3A_72 = tpu.memref_slice %arg6[%arg0, %mul3A_70, %dma_start3A_71] : memref<2x10112x64xf32, #tpu.memory_space<hbm>> -> memref<1x632x64xf32, #tpu.memory_space<hbm>>
      %dma_start3A_73 = tpu.memref_squeeze %dma_start3A_72 : memref<1x632x64xf32, #tpu.memory_space<hbm>> -> memref<632x64xf32, #tpu.memory_space<hbm>>
      %dma_start3A_74 = arith.constant 0 : i32
      %dma_start3A_75 = tpu.memref_slice %arg14[%mul3A_68, %dma_start3A_74] : memref<10112x64xf32, #tpu.memory_space<vmem_shared>> -> memref<632x64xf32, #tpu.memory_space<vmem_shared>>
      tpu.enqueue_dma source(%dma_start3A_75 : memref<632x64xf32, #tpu.memory_space<vmem_shared>>) target(%dma_start3A_73 : memref<632x64xf32, #tpu.memory_space<hbm>>) target_semaphore(%run_scoped3A : memref<!tpu.dma_semaphore, #tpu.memory_space<semaphore_mem>>)
      %dma_wait3A_76 = arith.constant 0 : i32
      %dma_wait3A_77 = tpu.memref_slice %arg6[%arg0, %mul3A_70, %dma_wait3A_76] : memref<2x10112x64xf32, #tpu.memory_space<hbm>> -> memref<1x632x64xf32, #tpu.memory_space<hbm>>
      %dma_wait3A_78 = tpu.memref_squeeze %dma_wait3A_77 : memref<1x632x64xf32, #tpu.memory_space<hbm>> -> memref<632x64xf32, #tpu.memory_space<hbm>>
      %dma_wait3A_79 = arith.constant 0 : i32
      %dma_wait3A_80 = tpu.memref_slice %arg14[%mul3A_68, %dma_wait3A_79] : memref<10112x64xf32, #tpu.memory_space<vmem_shared>> -> memref<632x64xf32, #tpu.memory_space<vmem_shared>>
      tpu.wait_dma2 semaphore(%run_scoped3A : memref<!tpu.dma_semaphore, #tpu.memory_space<semaphore_mem>>) src(%dma_wait3A_80 : memref<632x64xf32, #tpu.memory_space<vmem_shared>>) dst(%dma_wait3A_78 : memref<632x64xf32, #tpu.memory_space<hbm>>)
      tpu.yield
    }) : () -> ()
    return
  }
}

#map = affine_map<(d0, d1) -> (0)>
#map1 = affine_map<(d0, d1) -> (0, 0)>
module attributes {stable_mosaic.version = 14 : i64} {
  func.func @_scalar_agg_body(%arg0: i32, %arg1: i32, %arg2: memref<10000xf32, #tpu.memory_space<hbm>>, %arg3: memref<32x10240xi32, #tpu.memory_space<hbm>>, %arg4: memref<32x10240xi32, #tpu.memory_space<hbm>>, %arg5: memref<32x10112xf32, #tpu.memory_space<hbm>>, %arg6: memref<10000xf32, #tpu.memory_space<vmem>>, %arg7: memref<10240xi32, #tpu.memory_space<vmem>>, %arg8: memref<10240xi32, #tpu.memory_space<vmem>>, %arg9: memref<10112xf32, #tpu.memory_space<vmem>>) attributes {dimension_semantics = [#tpu.dimension_semantics<core_parallel>, #tpu.dimension_semantics<subcore_parallel>], iteration_bounds = array<i64: 2, 16>, scalar_prefetch = 0 : i64, scratch_operands = 4 : i64, tpu.core_type = #tpu.core_type<sc_vector_subcore>, window_params = [{transform_indices = #map}, {transform_indices = #map1}, {transform_indices = #map1}, {transform_indices = #map1}]} {
    %broadcast_in_dim3A = arith.constant 0.000000e+00 : f32
    %broadcast_in_dim3A_0 = vector.broadcast %broadcast_in_dim3A : f32 to vector<16xf32>
    %mul3A = arith.constant 16 : i32
    %mul3A_1 = arith.muli %arg0, %mul3A : i32
    %add3A = arith.addi %mul3A_1, %arg1 : i32
    "tpu.region"() ({
      %run_scoped3A = tpu.sem_alloc : memref<!tpu.dma_semaphore, #tpu.memory_space<semaphore_mem>>
      tpu.enqueue_dma source(%arg2 : memref<10000xf32, #tpu.memory_space<hbm>>) target(%arg6 : memref<10000xf32, #tpu.memory_space<vmem>>) target_semaphore(%run_scoped3A : memref<!tpu.dma_semaphore, #tpu.memory_space<semaphore_mem>>)
      tpu.wait_dma2 semaphore(%run_scoped3A : memref<!tpu.dma_semaphore, #tpu.memory_space<semaphore_mem>>) src(%arg2 : memref<10000xf32, #tpu.memory_space<hbm>>) dst(%arg6 : memref<10000xf32, #tpu.memory_space<vmem>>)
      tpu.yield
    }) : () -> ()
    "tpu.region"() ({
      %run_scoped3A = tpu.sem_alloc : memref<!tpu.dma_semaphore, #tpu.memory_space<semaphore_mem>>
      %dma_start3A = arith.constant 0 : i32
      %dma_start3A_13 = tpu.memref_slice %arg3[%add3A, %dma_start3A] : memref<32x10240xi32, #tpu.memory_space<hbm>> -> memref<1x10240xi32, #tpu.memory_space<hbm>>
      %dma_start3A_14 = tpu.memref_squeeze %dma_start3A_13 : memref<1x10240xi32, #tpu.memory_space<hbm>> -> memref<10240xi32, #tpu.memory_space<hbm>>
      %dma_start3A_15 = arith.constant 0 : i32
      %dma_start3A_16 = tpu.memref_slice %arg3[%add3A, %dma_start3A_15] : memref<32x10240xi32, #tpu.memory_space<hbm>> -> memref<1x10240xi32, #tpu.memory_space<hbm>>
      %dma_start3A_17 = tpu.memref_squeeze %dma_start3A_16 : memref<1x10240xi32, #tpu.memory_space<hbm>> -> memref<10240xi32, #tpu.memory_space<hbm>>
      tpu.enqueue_dma source(%dma_start3A_17 : memref<10240xi32, #tpu.memory_space<hbm>>) target(%arg7 : memref<10240xi32, #tpu.memory_space<vmem>>) target_semaphore(%run_scoped3A : memref<!tpu.dma_semaphore, #tpu.memory_space<semaphore_mem>>)
      %dma_wait3A = arith.constant 0 : i32
      %dma_wait3A_18 = tpu.memref_slice %arg3[%add3A, %dma_wait3A] : memref<32x10240xi32, #tpu.memory_space<hbm>> -> memref<1x10240xi32, #tpu.memory_space<hbm>>
      %dma_wait3A_19 = tpu.memref_squeeze %dma_wait3A_18 : memref<1x10240xi32, #tpu.memory_space<hbm>> -> memref<10240xi32, #tpu.memory_space<hbm>>
      %dma_wait3A_20 = arith.constant 0 : i32
      %dma_wait3A_21 = tpu.memref_slice %arg3[%add3A, %dma_wait3A_20] : memref<32x10240xi32, #tpu.memory_space<hbm>> -> memref<1x10240xi32, #tpu.memory_space<hbm>>
      %dma_wait3A_22 = tpu.memref_squeeze %dma_wait3A_21 : memref<1x10240xi32, #tpu.memory_space<hbm>> -> memref<10240xi32, #tpu.memory_space<hbm>>
      tpu.wait_dma2 semaphore(%run_scoped3A : memref<!tpu.dma_semaphore, #tpu.memory_space<semaphore_mem>>) src(%dma_wait3A_22 : memref<10240xi32, #tpu.memory_space<hbm>>) dst(%arg7 : memref<10240xi32, #tpu.memory_space<vmem>>)
      tpu.yield
    }) : () -> ()
    "tpu.region"() ({
      %run_scoped3A = tpu.sem_alloc : memref<!tpu.dma_semaphore, #tpu.memory_space<semaphore_mem>>
      %dma_start3A = arith.constant 0 : i32
      %dma_start3A_13 = tpu.memref_slice %arg4[%add3A, %dma_start3A] : memref<32x10240xi32, #tpu.memory_space<hbm>> -> memref<1x10240xi32, #tpu.memory_space<hbm>>
      %dma_start3A_14 = tpu.memref_squeeze %dma_start3A_13 : memref<1x10240xi32, #tpu.memory_space<hbm>> -> memref<10240xi32, #tpu.memory_space<hbm>>
      %dma_start3A_15 = arith.constant 0 : i32
      %dma_start3A_16 = tpu.memref_slice %arg4[%add3A, %dma_start3A_15] : memref<32x10240xi32, #tpu.memory_space<hbm>> -> memref<1x10240xi32, #tpu.memory_space<hbm>>
      %dma_start3A_17 = tpu.memref_squeeze %dma_start3A_16 : memref<1x10240xi32, #tpu.memory_space<hbm>> -> memref<10240xi32, #tpu.memory_space<hbm>>
      tpu.enqueue_dma source(%dma_start3A_17 : memref<10240xi32, #tpu.memory_space<hbm>>) target(%arg8 : memref<10240xi32, #tpu.memory_space<vmem>>) target_semaphore(%run_scoped3A : memref<!tpu.dma_semaphore, #tpu.memory_space<semaphore_mem>>)
      %dma_wait3A = arith.constant 0 : i32
      %dma_wait3A_18 = tpu.memref_slice %arg4[%add3A, %dma_wait3A] : memref<32x10240xi32, #tpu.memory_space<hbm>> -> memref<1x10240xi32, #tpu.memory_space<hbm>>
      %dma_wait3A_19 = tpu.memref_squeeze %dma_wait3A_18 : memref<1x10240xi32, #tpu.memory_space<hbm>> -> memref<10240xi32, #tpu.memory_space<hbm>>
      %dma_wait3A_20 = arith.constant 0 : i32
      %dma_wait3A_21 = tpu.memref_slice %arg4[%add3A, %dma_wait3A_20] : memref<32x10240xi32, #tpu.memory_space<hbm>> -> memref<1x10240xi32, #tpu.memory_space<hbm>>
      %dma_wait3A_22 = tpu.memref_squeeze %dma_wait3A_21 : memref<1x10240xi32, #tpu.memory_space<hbm>> -> memref<10240xi32, #tpu.memory_space<hbm>>
      tpu.wait_dma2 semaphore(%run_scoped3A : memref<!tpu.dma_semaphore, #tpu.memory_space<semaphore_mem>>) src(%dma_wait3A_22 : memref<10240xi32, #tpu.memory_space<hbm>>) dst(%arg8 : memref<10240xi32, #tpu.memory_space<vmem>>)
      tpu.yield
    }) : () -> ()
    %scan3A = arith.constant 0 : i32
    %scan3A_2 = arith.constant 0 : i32
    %scan3A_3 = arith.constant 158 : i32
    %scan3A_4 = arith.addi %scan3A_2, %scan3A_3 : i32
    %scan3A_5 = arith.constant 1 : i32
    scf.for %scan3A_13 = %scan3A_2 to %scan3A_4 step %scan3A_5  : i32 {
      %mul3A_14 = arith.constant 4 : i32
      %mul3A_15 = arith.muli %mul3A_14, %scan3A_13 : i32
      %add3A_16 = arith.constant 0 : i32
      %add3A_17 = arith.addi %mul3A_15, %add3A_16 : i32
      %mul3A_18 = arith.constant 16 : i32
      %mul3A_19 = arith.muli %add3A_17, %mul3A_18 : i32
      %swap3A = arith.index_cast %mul3A_19 : i32 to index
      %swap3A_20 = tpu.vector_load %arg9[%swap3A] {strides = array<i32>} : memref<10112xf32, #tpu.memory_space<vmem>>, vector<16xf32>,
      tpu.vector_store %arg9[%swap3A], %broadcast_in_dim3A_0 {strides = array<i32>} : memref<10112xf32, #tpu.memory_space<vmem>>, vector<16xf32>,
      %mul3A_21 = arith.constant 4 : i32
      %mul3A_22 = arith.muli %mul3A_21, %scan3A_13 : i32
      %add3A_23 = arith.constant 1 : i32
      %add3A_24 = arith.addi %mul3A_22, %add3A_23 : i32
      %mul3A_25 = arith.constant 16 : i32
      %mul3A_26 = arith.muli %add3A_24, %mul3A_25 : i32
      %swap3A_27 = arith.index_cast %mul3A_26 : i32 to index
      %swap3A_28 = tpu.vector_load %arg9[%swap3A_27] {strides = array<i32>} : memref<10112xf32, #tpu.memory_space<vmem>>, vector<16xf32>,
      tpu.vector_store %arg9[%swap3A_27], %broadcast_in_dim3A_0 {strides = array<i32>} : memref<10112xf32, #tpu.memory_space<vmem>>, vector<16xf32>,
      %mul3A_29 = arith.constant 4 : i32
      %mul3A_30 = arith.muli %mul3A_29, %scan3A_13 : i32
      %add3A_31 = arith.constant 2 : i32
      %add3A_32 = arith.addi %mul3A_30, %add3A_31 : i32
      %mul3A_33 = arith.constant 16 : i32
      %mul3A_34 = arith.muli %add3A_32, %mul3A_33 : i32
      %swap3A_35 = arith.index_cast %mul3A_34 : i32 to index
      %swap3A_36 = tpu.vector_load %arg9[%swap3A_35] {strides = array<i32>} : memref<10112xf32, #tpu.memory_space<vmem>>, vector<16xf32>,
      tpu.vector_store %arg9[%swap3A_35], %broadcast_in_dim3A_0 {strides = array<i32>} : memref<10112xf32, #tpu.memory_space<vmem>>, vector<16xf32>,
      %mul3A_37 = arith.constant 4 : i32
      %mul3A_38 = arith.muli %mul3A_37, %scan3A_13 : i32
      %add3A_39 = arith.constant 3 : i32
      %add3A_40 = arith.addi %mul3A_38, %add3A_39 : i32
      %mul3A_41 = arith.constant 16 : i32
      %mul3A_42 = arith.muli %add3A_40, %mul3A_41 : i32
      %swap3A_43 = arith.index_cast %mul3A_42 : i32 to index
      %swap3A_44 = tpu.vector_load %arg9[%swap3A_43] {strides = array<i32>} : memref<10112xf32, #tpu.memory_space<vmem>>, vector<16xf32>,
      tpu.vector_store %arg9[%swap3A_43], %broadcast_in_dim3A_0 {strides = array<i32>} : memref<10112xf32, #tpu.memory_space<vmem>>, vector<16xf32>,
    }
    %scan3A_6 = arith.constant 158 : i32
    %scan3A_7 = arith.constant 0 : i32
    %scan3A_8 = arith.constant 0 : i32
    %scan3A_9 = arith.constant 160 : i32
    %scan3A_10 = arith.addi %scan3A_8, %scan3A_9 : i32
    %scan3A_11 = arith.constant 1 : i32
    scf.for %scan3A_13 = %scan3A_8 to %scan3A_10 step %scan3A_11  : i32 {
      %mul3A_14 = arith.constant 4 : i32
      %mul3A_15 = arith.muli %mul3A_14, %scan3A_13 : i32
      %add3A_16 = arith.constant 0 : i32
      %add3A_17 = arith.addi %mul3A_15, %add3A_16 : i32
      %mul3A_18 = arith.constant 16 : i32
      %mul3A_19 = arith.muli %add3A_17, %mul3A_18 : i32
      %get3A = arith.index_cast %mul3A_19 : i32 to index
      %get3A_20 = tpu.vector_load %arg7[%get3A] {strides = array<i32>} : memref<10240xi32, #tpu.memory_space<vmem>>, vector<16xi32>,
      %mul3A_21 = arith.constant 4 : i32
      %mul3A_22 = arith.muli %mul3A_21, %scan3A_13 : i32
      %add3A_23 = arith.constant 0 : i32
      %add3A_24 = arith.addi %mul3A_22, %add3A_23 : i32
      %mul3A_25 = arith.constant 16 : i32
      %mul3A_26 = arith.muli %add3A_24, %mul3A_25 : i32
      %get3A_27 = arith.index_cast %mul3A_26 : i32 to index
      %get3A_28 = tpu.vector_load %arg8[%get3A_27] {strides = array<i32>} : memref<10240xi32, #tpu.memory_space<vmem>>, vector<16xi32>,
      %gather3A = tpu.vector_load_idx %arg6[%get3A_20] : memref<10000xf32, #tpu.memory_space<vmem>>[vector<16xi32>], vector<16xf32>,
      tpu.vector_store_idx %arg9[%get3A_28], %gather3A {add = true} : memref<10112xf32, #tpu.memory_space<vmem>>[vector<16xi32>], vector<16xf32>,
      %mul3A_29 = arith.constant 4 : i32
      %mul3A_30 = arith.muli %mul3A_29, %scan3A_13 : i32
      %add3A_31 = arith.constant 1 : i32
      %add3A_32 = arith.addi %mul3A_30, %add3A_31 : i32
      %mul3A_33 = arith.constant 16 : i32
      %mul3A_34 = arith.muli %add3A_32, %mul3A_33 : i32
      %get3A_35 = arith.index_cast %mul3A_34 : i32 to index
      %get3A_36 = tpu.vector_load %arg7[%get3A_35] {strides = array<i32>} : memref<10240xi32, #tpu.memory_space<vmem>>, vector<16xi32>,
      %mul3A_37 = arith.constant 4 : i32
      %mul3A_38 = arith.muli %mul3A_37, %scan3A_13 : i32
      %add3A_39 = arith.constant 1 : i32
      %add3A_40 = arith.addi %mul3A_38, %add3A_39 : i32
      %mul3A_41 = arith.constant 16 : i32
      %mul3A_42 = arith.muli %add3A_40, %mul3A_41 : i32
      %get3A_43 = arith.index_cast %mul3A_42 : i32 to index
      %get3A_44 = tpu.vector_load %arg8[%get3A_43] {strides = array<i32>} : memref<10240xi32, #tpu.memory_space<vmem>>, vector<16xi32>,
      %gather3A_45 = tpu.vector_load_idx %arg6[%get3A_36] : memref<10000xf32, #tpu.memory_space<vmem>>[vector<16xi32>], vector<16xf32>,
      tpu.vector_store_idx %arg9[%get3A_44], %gather3A_45 {add = true} : memref<10112xf32, #tpu.memory_space<vmem>>[vector<16xi32>], vector<16xf32>,
      %mul3A_46 = arith.constant 4 : i32
      %mul3A_47 = arith.muli %mul3A_46, %scan3A_13 : i32
      %add3A_48 = arith.constant 2 : i32
      %add3A_49 = arith.addi %mul3A_47, %add3A_48 : i32
      %mul3A_50 = arith.constant 16 : i32
      %mul3A_51 = arith.muli %add3A_49, %mul3A_50 : i32
      %get3A_52 = arith.index_cast %mul3A_51 : i32 to index
      %get3A_53 = tpu.vector_load %arg7[%get3A_52] {strides = array<i32>} : memref<10240xi32, #tpu.memory_space<vmem>>, vector<16xi32>,
      %mul3A_54 = arith.constant 4 : i32
      %mul3A_55 = arith.muli %mul3A_54, %scan3A_13 : i32
      %add3A_56 = arith.constant 2 : i32
      %add3A_57 = arith.addi %mul3A_55, %add3A_56 : i32
      %mul3A_58 = arith.constant 16 : i32
      %mul3A_59 = arith.muli %add3A_57, %mul3A_58 : i32
      %get3A_60 = arith.index_cast %mul3A_59 : i32 to index
      %get3A_61 = tpu.vector_load %arg8[%get3A_60] {strides = array<i32>} : memref<10240xi32, #tpu.memory_space<vmem>>, vector<16xi32>,
      %gather3A_62 = tpu.vector_load_idx %arg6[%get3A_53] : memref<10000xf32, #tpu.memory_space<vmem>>[vector<16xi32>], vector<16xf32>,
      tpu.vector_store_idx %arg9[%get3A_61], %gather3A_62 {add = true} : memref<10112xf32, #tpu.memory_space<vmem>>[vector<16xi32>], vector<16xf32>,
      %mul3A_63 = arith.constant 4 : i32
      %mul3A_64 = arith.muli %mul3A_63, %scan3A_13 : i32
      %add3A_65 = arith.constant 3 : i32
      %add3A_66 = arith.addi %mul3A_64, %add3A_65 : i32
      %mul3A_67 = arith.constant 16 : i32
      %mul3A_68 = arith.muli %add3A_66, %mul3A_67 : i32
      %get3A_69 = arith.index_cast %mul3A_68 : i32 to index
      %get3A_70 = tpu.vector_load %arg7[%get3A_69] {strides = array<i32>} : memref<10240xi32, #tpu.memory_space<vmem>>, vector<16xi32>,
      %mul3A_71 = arith.constant 4 : i32
      %mul3A_72 = arith.muli %mul3A_71, %scan3A_13 : i32
      %add3A_73 = arith.constant 3 : i32
      %add3A_74 = arith.addi %mul3A_72, %add3A_73 : i32
      %mul3A_75 = arith.constant 16 : i32
      %mul3A_76 = arith.muli %add3A_74, %mul3A_75 : i32
      %get3A_77 = arith.index_cast %mul3A_76 : i32 to index
      %get3A_78 = tpu.vector_load %arg8[%get3A_77] {strides = array<i32>} : memref<10240xi32, #tpu.memory_space<vmem>>, vector<16xi32>,
      %gather3A_79 = tpu.vector_load_idx %arg6[%get3A_70] : memref<10000xf32, #tpu.memory_space<vmem>>[vector<16xi32>], vector<16xf32>,
      tpu.vector_store_idx %arg9[%get3A_78], %gather3A_79 {add = true} : memref<10112xf32, #tpu.memory_space<vmem>>[vector<16xi32>], vector<16xf32>,
    }
    %scan3A_12 = arith.constant 160 : i32
    "tpu.region"() ({
      %run_scoped3A = tpu.sem_alloc : memref<!tpu.dma_semaphore, #tpu.memory_space<semaphore_mem>>
      %dma_start3A = arith.constant 0 : i32
      %dma_start3A_13 = tpu.memref_slice %arg5[%add3A, %dma_start3A] : memref<32x10112xf32, #tpu.memory_space<hbm>> -> memref<1x10112xf32, #tpu.memory_space<hbm>>
      %dma_start3A_14 = tpu.memref_squeeze %dma_start3A_13 : memref<1x10112xf32, #tpu.memory_space<hbm>> -> memref<10112xf32, #tpu.memory_space<hbm>>
      %dma_start3A_15 = arith.constant 0 : i32
      %dma_start3A_16 = tpu.memref_slice %arg5[%add3A, %dma_start3A_15] : memref<32x10112xf32, #tpu.memory_space<hbm>> -> memref<1x10112xf32, #tpu.memory_space<hbm>>
      %dma_start3A_17 = tpu.memref_squeeze %dma_start3A_16 : memref<1x10112xf32, #tpu.memory_space<hbm>> -> memref<10112xf32, #tpu.memory_space<hbm>>
      tpu.enqueue_dma source(%arg9 : memref<10112xf32, #tpu.memory_space<vmem>>) target(%dma_start3A_17 : memref<10112xf32, #tpu.memory_space<hbm>>) target_semaphore(%run_scoped3A : memref<!tpu.dma_semaphore, #tpu.memory_space<semaphore_mem>>)
      %dma_wait3A = arith.constant 0 : i32
      %dma_wait3A_18 = tpu.memref_slice %arg5[%add3A, %dma_wait3A] : memref<32x10112xf32, #tpu.memory_space<hbm>> -> memref<1x10112xf32, #tpu.memory_space<hbm>>
      %dma_wait3A_19 = tpu.memref_squeeze %dma_wait3A_18 : memref<1x10112xf32, #tpu.memory_space<hbm>> -> memref<10112xf32, #tpu.memory_space<hbm>>
      %dma_wait3A_20 = arith.constant 0 : i32
      %dma_wait3A_21 = tpu.memref_slice %arg5[%add3A, %dma_wait3A_20] : memref<32x10112xf32, #tpu.memory_space<hbm>> -> memref<1x10112xf32, #tpu.memory_space<hbm>>
      %dma_wait3A_22 = tpu.memref_squeeze %dma_wait3A_21 : memref<1x10112xf32, #tpu.memory_space<hbm>> -> memref<10112xf32, #tpu.memory_space<hbm>>
      tpu.wait_dma2 semaphore(%run_scoped3A : memref<!tpu.dma_semaphore, #tpu.memory_space<semaphore_mem>>) src(%arg9 : memref<10112xf32, #tpu.memory_space<vmem>>) dst(%dma_wait3A_22 : memref<10112xf32, #tpu.memory_space<hbm>>)
      tpu.yield
    }) : () -> ()
    return
  }
}

#map = affine_map<(d0, d1) -> (0, 0, 0)>
#map1 = affine_map<(d0, d1) -> (0)>
#map2 = affine_map<(d0, d1) -> (0, 0)>
module attributes {stable_mosaic.version = 14 : i64} {
  func.func @_agg_body(%arg0: i32, %arg1: i32, %arg2: memref<2x10000x64xf32, #tpu.memory_space<hbm>>, %arg3: memref<327680xi32, #tpu.memory_space<hbm>>, %arg4: memref<2560x128xi32, #tpu.memory_space<hbm>>, %arg5: memref<632x64xf32, #tpu.memory_space<hbm>>, %arg6: memref<2x10112x64xf32, #tpu.memory_space<hbm>>, %arg7: memref<20480xi32, #tpu.memory_space<vmem>>, %arg8: memref<160x128xi32, #tpu.memory_space<vmem>>, %arg9: memref<128x64xf32, #tpu.memory_space<vmem>>, %arg10: memref<128x64xf32, #tpu.memory_space<vmem>>, %arg11: memref<128x64xf32, #tpu.memory_space<vmem>>, %arg12: memref<128x64xf32, #tpu.memory_space<vmem>>, %arg13: memref<128x64xf32, #tpu.memory_space<vmem>>, %arg14: memref<10112x64xf32, #tpu.memory_space<vmem_shared>>, %arg15: memref<!tpu.dma_semaphore, #tpu.memory_space<semaphore_mem>>, %arg16: memref<!tpu.dma_semaphore, #tpu.memory_space<semaphore_mem>>) attributes {dimension_semantics = [#tpu.dimension_semantics<core_parallel>, #tpu.dimension_semantics<subcore_parallel>], iteration_bounds = array<i64: 2, 16>, scalar_prefetch = 0 : i64, scratch_operands = 10 : i64, tpu.core_type = #tpu.core_type<sc_vector_subcore>, window_params = [{transform_indices = #map}, {transform_indices = #map1}, {transform_indices = #map2}, {transform_indices = #map2}, {transform_indices = #map}]} {
    %mul3A = arith.constant 632 : i32
    %mul3A_0 = arith.muli %arg1, %mul3A : i32
    %dma_start3A = arith.constant 0 : i32
    %dma_start3A_1 = tpu.memref_slice %arg14[%mul3A_0, %dma_start3A] : memref<10112x64xf32, #tpu.memory_space<vmem_shared>> -> memref<632x64xf32, #tpu.memory_space<vmem_shared>>
    tpu.enqueue_dma source(%arg5 : memref<632x64xf32, #tpu.memory_space<hbm>>) target(%dma_start3A_1 : memref<632x64xf32, #tpu.memory_space<vmem_shared>>) target_semaphore(%arg16 : memref<!tpu.dma_semaphore, #tpu.memory_space<semaphore_mem>>)
    %mul3A_2 = arith.constant 20480 : i32
    %mul3A_3 = arith.muli %arg1, %mul3A_2 : i32
    %dma_start3A_4 = tpu.memref_slice %arg3[%mul3A_3] : memref<327680xi32, #tpu.memory_space<hbm>> -> memref<20480xi32, #tpu.memory_space<hbm>>
    %dma_start3A_5 = tpu.memref_slice %arg3[%mul3A_3] : memref<327680xi32, #tpu.memory_space<hbm>> -> memref<20480xi32, #tpu.memory_space<hbm>>
    tpu.enqueue_dma source(%dma_start3A_5 : memref<20480xi32, #tpu.memory_space<hbm>>) target(%arg7 : memref<20480xi32, #tpu.memory_space<vmem>>) target_semaphore(%arg15 : memref<!tpu.dma_semaphore, #tpu.memory_space<semaphore_mem>>)
    %mul3A_6 = arith.constant 160 : i32
    %mul3A_7 = arith.muli %arg1, %mul3A_6 : i32
    %dma_start3A_8 = arith.constant 0 : i32
    %dma_start3A_9 = tpu.memref_slice %arg4[%mul3A_7, %dma_start3A_8] : memref<2560x128xi32, #tpu.memory_space<hbm>> -> memref<160x128xi32, #tpu.memory_space<hbm>>
    %dma_start3A_10 = arith.constant 0 : i32
    %dma_start3A_11 = tpu.memref_slice %arg4[%mul3A_7, %dma_start3A_10] : memref<2560x128xi32, #tpu.memory_space<hbm>> -> memref<160x128xi32, #tpu.memory_space<hbm>>
    tpu.enqueue_dma source(%dma_start3A_11 : memref<160x128xi32, #tpu.memory_space<hbm>>) target(%arg8 : memref<160x128xi32, #tpu.memory_space<vmem>>) target_semaphore(%arg15 : memref<!tpu.dma_semaphore, #tpu.memory_space<semaphore_mem>>)
    %dma_wait3A = tpu.memref_slice %arg3[%mul3A_3] : memref<327680xi32, #tpu.memory_space<hbm>> -> memref<20480xi32, #tpu.memory_space<hbm>>
    %dma_wait3A_12 = tpu.memref_slice %arg3[%mul3A_3] : memref<327680xi32, #tpu.memory_space<hbm>> -> memref<20480xi32, #tpu.memory_space<hbm>>
    tpu.wait_dma2 semaphore(%arg15 : memref<!tpu.dma_semaphore, #tpu.memory_space<semaphore_mem>>) src(%dma_wait3A_12 : memref<20480xi32, #tpu.memory_space<hbm>>) dst(%arg7 : memref<20480xi32, #tpu.memory_space<vmem>>)
    %dma_wait3A_13 = arith.constant 0 : i32
    %dma_wait3A_14 = tpu.memref_slice %arg4[%mul3A_7, %dma_wait3A_13] : memref<2560x128xi32, #tpu.memory_space<hbm>> -> memref<160x128xi32, #tpu.memory_space<hbm>>
    %dma_wait3A_15 = arith.constant 0 : i32
    %dma_wait3A_16 = tpu.memref_slice %arg4[%mul3A_7, %dma_wait3A_15] : memref<2560x128xi32, #tpu.memory_space<hbm>> -> memref<160x128xi32, #tpu.memory_space<hbm>>
    tpu.wait_dma2 semaphore(%arg15 : memref<!tpu.dma_semaphore, #tpu.memory_space<semaphore_mem>>) src(%dma_wait3A_16 : memref<160x128xi32, #tpu.memory_space<hbm>>) dst(%arg8 : memref<160x128xi32, #tpu.memory_space<vmem>>)
    %dma_wait3A_17 = arith.constant 0 : i32
    %dma_wait3A_18 = tpu.memref_slice %arg14[%mul3A_0, %dma_wait3A_17] : memref<10112x64xf32, #tpu.memory_space<vmem_shared>> -> memref<632x64xf32, #tpu.memory_space<vmem_shared>>
    tpu.wait_dma2 semaphore(%arg16 : memref<!tpu.dma_semaphore, #tpu.memory_space<semaphore_mem>>) src(%arg5 : memref<632x64xf32, #tpu.memory_space<hbm>>) dst(%dma_wait3A_18 : memref<632x64xf32, #tpu.memory_space<vmem_shared>>)
    %barrier3A = arith.constant 0 : index
    tpu.barrier barrier_id(%barrier3A)
    %dma_start3A_19 = arith.constant 0 : i32
    %dma_start3A_20 = tpu.memref_slice %arg7[%dma_start3A_19] : memref<20480xi32, #tpu.memory_space<vmem>> -> memref<128xi32, #tpu.memory_space<vmem>>
    %dma_start3A_21 = arith.constant 0 : i32
    %dma_start3A_22 = arith.constant 0 : i32
    %dma_start3A_23 = tpu.memref_slice %arg2[%arg0, %dma_start3A_21, %dma_start3A_22] : memref<2x10000x64xf32, #tpu.memory_space<hbm>> -> memref<1x10000x64xf32, #tpu.memory_space<hbm>>
    %dma_start3A_24 = tpu.memref_squeeze %dma_start3A_23 : memref<1x10000x64xf32, #tpu.memory_space<hbm>> -> memref<10000x64xf32, #tpu.memory_space<hbm>>
    %dma_start3A_25 = arith.constant 0 : i32
    %dma_start3A_26 = arith.constant 0 : i32
    %dma_start3A_27 = tpu.memref_slice %dma_start3A_24[%dma_start3A_25, %dma_start3A_26] : memref<10000x64xf32, #tpu.memory_space<hbm>> -> memref<10000x64xf32, #tpu.memory_space<hbm>>
    tpu.enqueue_indirect_dma source(%dma_start3A_27 : memref<10000x64xf32, #tpu.memory_space<hbm>>) target(%arg9 : memref<128x64xf32, #tpu.memory_space<vmem>>) offsets(%dma_start3A_20 : memref<128xi32, #tpu.memory_space<vmem>>) semaphore(%arg15 : memref<!tpu.dma_semaphore, #tpu.memory_space<semaphore_mem>>)
    %dma_start3A_28 = arith.constant 128 : i32
    %dma_start3A_29 = tpu.memref_slice %arg7[%dma_start3A_28] : memref<20480xi32, #tpu.memory_space<vmem>> -> memref<128xi32, #tpu.memory_space<vmem>>
    %dma_start3A_30 = arith.constant 0 : i32
    %dma_start3A_31 = arith.constant 0 : i32
    %dma_start3A_32 = tpu.memref_slice %arg2[%arg0, %dma_start3A_30, %dma_start3A_31] : memref<2x10000x64xf32, #tpu.memory_space<hbm>> -> memref<1x10000x64xf32, #tpu.memory_space<hbm>>
    %dma_start3A_33 = tpu.memref_squeeze %dma_start3A_32 : memref<1x10000x64xf32, #tpu.memory_space<hbm>> -> memref<10000x64xf32, #tpu.memory_space<hbm>>
    %dma_start3A_34 = arith.constant 0 : i32
    %dma_start3A_35 = arith.constant 0 : i32
    %dma_start3A_36 = tpu.memref_slice %dma_start3A_33[%dma_start3A_34, %dma_start3A_35] : memref<10000x64xf32, #tpu.memory_space<hbm>> -> memref<10000x64xf32, #tpu.memory_space<hbm>>
    tpu.enqueue_indirect_dma source(%dma_start3A_36 : memref<10000x64xf32, #tpu.memory_space<hbm>>) target(%arg10 : memref<128x64xf32, #tpu.memory_space<vmem>>) offsets(%dma_start3A_29 : memref<128xi32, #tpu.memory_space<vmem>>) semaphore(%arg15 : memref<!tpu.dma_semaphore, #tpu.memory_space<semaphore_mem>>)
    %dma_start3A_37 = arith.constant 256 : i32
    %dma_start3A_38 = tpu.memref_slice %arg7[%dma_start3A_37] : memref<20480xi32, #tpu.memory_space<vmem>> -> memref<128xi32, #tpu.memory_space<vmem>>
    %dma_start3A_39 = arith.constant 0 : i32
    %dma_start3A_40 = arith.constant 0 : i32
    %dma_start3A_41 = tpu.memref_slice %arg2[%arg0, %dma_start3A_39, %dma_start3A_40] : memref<2x10000x64xf32, #tpu.memory_space<hbm>> -> memref<1x10000x64xf32, #tpu.memory_space<hbm>>
    %dma_start3A_42 = tpu.memref_squeeze %dma_start3A_41 : memref<1x10000x64xf32, #tpu.memory_space<hbm>> -> memref<10000x64xf32, #tpu.memory_space<hbm>>
    %dma_start3A_43 = arith.constant 0 : i32
    %dma_start3A_44 = arith.constant 0 : i32
    %dma_start3A_45 = tpu.memref_slice %dma_start3A_42[%dma_start3A_43, %dma_start3A_44] : memref<10000x64xf32, #tpu.memory_space<hbm>> -> memref<10000x64xf32, #tpu.memory_space<hbm>>
    tpu.enqueue_indirect_dma source(%dma_start3A_45 : memref<10000x64xf32, #tpu.memory_space<hbm>>) target(%arg11 : memref<128x64xf32, #tpu.memory_space<vmem>>) offsets(%dma_start3A_38 : memref<128xi32, #tpu.memory_space<vmem>>) semaphore(%arg15 : memref<!tpu.dma_semaphore, #tpu.memory_space<semaphore_mem>>)
    %dma_start3A_46 = arith.constant 384 : i32
    %dma_start3A_47 = tpu.memref_slice %arg7[%dma_start3A_46] : memref<20480xi32, #tpu.memory_space<vmem>> -> memref<128xi32, #tpu.memory_space<vmem>>
    %dma_start3A_48 = arith.constant 0 : i32
    %dma_start3A_49 = arith.constant 0 : i32
    %dma_start3A_50 = tpu.memref_slice %arg2[%arg0, %dma_start3A_48, %dma_start3A_49] : memref<2x10000x64xf32, #tpu.memory_space<hbm>> -> memref<1x10000x64xf32, #tpu.memory_space<hbm>>
    %dma_start3A_51 = tpu.memref_squeeze %dma_start3A_50 : memref<1x10000x64xf32, #tpu.memory_space<hbm>> -> memref<10000x64xf32, #tpu.memory_space<hbm>>
    %dma_start3A_52 = arith.constant 0 : i32
    %dma_start3A_53 = arith.constant 0 : i32
    %dma_start3A_54 = tpu.memref_slice %dma_start3A_51[%dma_start3A_52, %dma_start3A_53] : memref<10000x64xf32, #tpu.memory_space<hbm>> -> memref<10000x64xf32, #tpu.memory_space<hbm>>
    tpu.enqueue_indirect_dma source(%dma_start3A_54 : memref<10000x64xf32, #tpu.memory_space<hbm>>) target(%arg12 : memref<128x64xf32, #tpu.memory_space<vmem>>) offsets(%dma_start3A_47 : memref<128xi32, #tpu.memory_space<vmem>>) semaphore(%arg15 : memref<!tpu.dma_semaphore, #tpu.memory_space<semaphore_mem>>)
    %scan3A = arith.constant 0 : i32
    %scan3A_55 = arith.constant 0 : i32
    %scan3A_56 = arith.constant 32 : i32
    %scan3A_57 = arith.addi %scan3A_55, %scan3A_56 : i32
    %scan3A_58 = arith.constant 1 : i32
    scf.for %scan3A_71 = %scan3A_55 to %scan3A_57 step %scan3A_58  : i32 {
      %mul3A_72 = arith.constant 5 : i32
      %mul3A_73 = arith.muli %mul3A_72, %scan3A_71 : i32
      %add3A = arith.constant 0 : i32
      %add3A_74 = arith.addi %mul3A_73, %add3A : i32
      %dma_wait3A_75 = arith.constant 0 : i32
      %dma_wait3A_76 = arith.constant 0 : i32
      %dma_wait3A_77 = tpu.memref_slice %arg2[%arg0, %dma_wait3A_75, %dma_wait3A_76] : memref<2x10000x64xf32, #tpu.memory_space<hbm>> -> memref<1x10000x64xf32, #tpu.memory_space<hbm>>
      %dma_wait3A_78 = tpu.memref_squeeze %dma_wait3A_77 : memref<1x10000x64xf32, #tpu.memory_space<hbm>> -> memref<10000x64xf32, #tpu.memory_space<hbm>>
      %dma_wait3A_79 = arith.constant 0 : i32
      %dma_wait3A_80 = arith.constant 0 : i32
      %dma_wait3A_81 = tpu.memref_slice %arg2[%arg0, %dma_wait3A_79, %dma_wait3A_80] : memref<2x10000x64xf32, #tpu.memory_space<hbm>> -> memref<1x10000x64xf32, #tpu.memory_space<hbm>>
      %dma_wait3A_82 = tpu.memref_squeeze %dma_wait3A_81 : memref<1x10000x64xf32, #tpu.memory_space<hbm>> -> memref<10000x64xf32, #tpu.memory_space<hbm>>
      tpu.wait_dma2 semaphore(%arg15 : memref<!tpu.dma_semaphore, #tpu.memory_space<semaphore_mem>>) src(%dma_wait3A_82 : memref<10000x64xf32, #tpu.memory_space<hbm>>) dst(%arg9 : memref<128x64xf32, #tpu.memory_space<vmem>>)
      %gt3A = arith.constant 0 : i32
      %gt3A_83 = arith.cmpi sgt, %scan3A_71, %gt3A : i32
      %convert_element_type3A = arith.extui %gt3A_83 : i1 to i32
      %cond3A = arith.constant 0 : i32
      %cond3A_84 = arith.cmpi ne, %convert_element_type3A, %cond3A : i32
      scf.if %cond3A_84 {
        %dma_wait3A_222 = arith.constant 0 : i32
        %dma_wait3A_223 = arith.constant 0 : i32
        %dma_wait3A_224 = tpu.memref_slice %arg14[%dma_wait3A_222, %dma_wait3A_223] : memref<10112x64xf32, #tpu.memory_space<vmem_shared>> -> memref<128x64xf32, #tpu.memory_space<vmem_shared>>
        %dma_wait3A_225 = arith.constant 0 : i32
        %dma_wait3A_226 = arith.constant 0 : i32
        %dma_wait3A_227 = tpu.memref_slice %arg14[%dma_wait3A_225, %dma_wait3A_226] : memref<10112x64xf32, #tpu.memory_space<vmem_shared>> -> memref<128x64xf32, #tpu.memory_space<vmem_shared>>
        tpu.wait_dma2 semaphore(%arg16 : memref<!tpu.dma_semaphore, #tpu.memory_space<semaphore_mem>>) src(%arg13 : memref<128x64xf32, #tpu.memory_space<vmem>>) dst(%dma_wait3A_227 : memref<128x64xf32, #tpu.memory_space<vmem_shared>>)
      } else {
      }
      %add3A_85 = arith.constant 5 : i32
      %add3A_86 = arith.addi %add3A_74, %add3A_85 : i32
      %sub3A = arith.constant 1 : i32
      %sub3A_87 = arith.subi %add3A_86, %sub3A : i32
      %lt3A = arith.constant 160 : i32
      %lt3A_88 = arith.cmpi slt, %sub3A_87, %lt3A : i32
      %convert_element_type3A_89 = arith.extui %lt3A_88 : i1 to i32
      %cond3A_90 = arith.constant 0 : i32
      %cond3A_91 = arith.cmpi ne, %convert_element_type3A_89, %cond3A_90 : i32
      scf.if %cond3A_91 {
        %add3A_222 = arith.constant 5 : i32
        %add3A_223 = arith.addi %add3A_74, %add3A_222 : i32
        %sub3A_224 = arith.constant 1 : i32
        %sub3A_225 = arith.subi %add3A_223, %sub3A_224 : i32
        %mul3A_226 = arith.constant 128 : i32
        %mul3A_227 = arith.muli %sub3A_225, %mul3A_226 : i32
        %dma_start3A_228 = tpu.memref_slice %arg7[%mul3A_227] : memref<20480xi32, #tpu.memory_space<vmem>> -> memref<128xi32, #tpu.memory_space<vmem>>
        %dma_start3A_229 = arith.constant 0 : i32
        %dma_start3A_230 = arith.constant 0 : i32
        %dma_start3A_231 = tpu.memref_slice %arg2[%arg0, %dma_start3A_229, %dma_start3A_230] : memref<2x10000x64xf32, #tpu.memory_space<hbm>> -> memref<1x10000x64xf32, #tpu.memory_space<hbm>>
        %dma_start3A_232 = tpu.memref_squeeze %dma_start3A_231 : memref<1x10000x64xf32, #tpu.memory_space<hbm>> -> memref<10000x64xf32, #tpu.memory_space<hbm>>
        %dma_start3A_233 = arith.constant 0 : i32
        %dma_start3A_234 = arith.constant 0 : i32
        %dma_start3A_235 = tpu.memref_slice %dma_start3A_232[%dma_start3A_233, %dma_start3A_234] : memref<10000x64xf32, #tpu.memory_space<hbm>> -> memref<10000x64xf32, #tpu.memory_space<hbm>>
        tpu.enqueue_indirect_dma source(%dma_start3A_235 : memref<10000x64xf32, #tpu.memory_space<hbm>>) target(%arg13 : memref<128x64xf32, #tpu.memory_space<vmem>>) offsets(%dma_start3A_228 : memref<128xi32, #tpu.memory_space<vmem>>) semaphore(%arg15 : memref<!tpu.dma_semaphore, #tpu.memory_space<semaphore_mem>>)
      } else {
      }
      %dma_start3A_92 = arith.constant 0 : i32
      %dma_start3A_93 = tpu.memref_slice %arg8[%add3A_74, %dma_start3A_92] : memref<160x128xi32, #tpu.memory_space<vmem>> -> memref<1x128xi32, #tpu.memory_space<vmem>>
      %dma_start3A_94 = tpu.memref_squeeze %dma_start3A_93 : memref<1x128xi32, #tpu.memory_space<vmem>> -> memref<128xi32, #tpu.memory_space<vmem>>
      %dma_start3A_95 = arith.constant 0 : i32
      %dma_start3A_96 = arith.constant 0 : i32
      %dma_start3A_97 = tpu.memref_slice %arg14[%dma_start3A_95, %dma_start3A_96] : memref<10112x64xf32, #tpu.memory_space<vmem_shared>> -> memref<10112x64xf32, #tpu.memory_space<vmem_shared>>
      tpu.enqueue_indirect_dma source(%arg9 : memref<128x64xf32, #tpu.memory_space<vmem>>) target(%dma_start3A_97 : memref<10112x64xf32, #tpu.memory_space<vmem_shared>>) offsets(%dma_start3A_94 : memref<128xi32, #tpu.memory_space<vmem>>) semaphore(%arg16 : memref<!tpu.dma_semaphore, #tpu.memory_space<semaphore_mem>>) {add = true}
      %add3A_98 = arith.constant 1 : i32
      %add3A_99 = arith.addi %mul3A_73, %add3A_98 : i32
      %dma_wait3A_100 = arith.constant 0 : i32
      %dma_wait3A_101 = arith.constant 0 : i32
      %dma_wait3A_102 = tpu.memref_slice %arg2[%arg0, %dma_wait3A_100, %dma_wait3A_101] : memref<2x10000x64xf32, #tpu.memory_space<hbm>> -> memref<1x10000x64xf32, #tpu.memory_space<hbm>>
      %dma_wait3A_103 = tpu.memref_squeeze %dma_wait3A_102 : memref<1x10000x64xf32, #tpu.memory_space<hbm>> -> memref<10000x64xf32, #tpu.memory_space<hbm>>
      %dma_wait3A_104 = arith.constant 0 : i32
      %dma_wait3A_105 = arith.constant 0 : i32
      %dma_wait3A_106 = tpu.memref_slice %arg2[%arg0, %dma_wait3A_104, %dma_wait3A_105] : memref<2x10000x64xf32, #tpu.memory_space<hbm>> -> memref<1x10000x64xf32, #tpu.memory_space<hbm>>
      %dma_wait3A_107 = tpu.memref_squeeze %dma_wait3A_106 : memref<1x10000x64xf32, #tpu.memory_space<hbm>> -> memref<10000x64xf32, #tpu.memory_space<hbm>>
      tpu.wait_dma2 semaphore(%arg15 : memref<!tpu.dma_semaphore, #tpu.memory_space<semaphore_mem>>) src(%dma_wait3A_107 : memref<10000x64xf32, #tpu.memory_space<hbm>>) dst(%arg10 : memref<128x64xf32, #tpu.memory_space<vmem>>)
      %dma_wait3A_108 = arith.constant 0 : i32
      %dma_wait3A_109 = arith.constant 0 : i32
      %dma_wait3A_110 = tpu.memref_slice %arg14[%dma_wait3A_108, %dma_wait3A_109] : memref<10112x64xf32, #tpu.memory_space<vmem_shared>> -> memref<128x64xf32, #tpu.memory_space<vmem_shared>>
      %dma_wait3A_111 = arith.constant 0 : i32
      %dma_wait3A_112 = arith.constant 0 : i32
      %dma_wait3A_113 = tpu.memref_slice %arg14[%dma_wait3A_111, %dma_wait3A_112] : memref<10112x64xf32, #tpu.memory_space<vmem_shared>> -> memref<128x64xf32, #tpu.memory_space<vmem_shared>>
      tpu.wait_dma2 semaphore(%arg16 : memref<!tpu.dma_semaphore, #tpu.memory_space<semaphore_mem>>) src(%arg9 : memref<128x64xf32, #tpu.memory_space<vmem>>) dst(%dma_wait3A_113 : memref<128x64xf32, #tpu.memory_space<vmem_shared>>)
      %add3A_114 = arith.constant 5 : i32
      %add3A_115 = arith.addi %add3A_99, %add3A_114 : i32
      %sub3A_116 = arith.constant 1 : i32
      %sub3A_117 = arith.subi %add3A_115, %sub3A_116 : i32
      %lt3A_118 = arith.constant 160 : i32
      %lt3A_119 = arith.cmpi slt, %sub3A_117, %lt3A_118 : i32
      %convert_element_type3A_120 = arith.extui %lt3A_119 : i1 to i32
      %cond3A_121 = arith.constant 0 : i32
      %cond3A_122 = arith.cmpi ne, %convert_element_type3A_120, %cond3A_121 : i32
      scf.if %cond3A_122 {
        %add3A_222 = arith.constant 5 : i32
        %add3A_223 = arith.addi %add3A_99, %add3A_222 : i32
        %sub3A_224 = arith.constant 1 : i32
        %sub3A_225 = arith.subi %add3A_223, %sub3A_224 : i32
        %mul3A_226 = arith.constant 128 : i32
        %mul3A_227 = arith.muli %sub3A_225, %mul3A_226 : i32
        %dma_start3A_228 = tpu.memref_slice %arg7[%mul3A_227] : memref<20480xi32, #tpu.memory_space<vmem>> -> memref<128xi32, #tpu.memory_space<vmem>>
        %dma_start3A_229 = arith.constant 0 : i32
        %dma_start3A_230 = arith.constant 0 : i32
        %dma_start3A_231 = tpu.memref_slice %arg2[%arg0, %dma_start3A_229, %dma_start3A_230] : memref<2x10000x64xf32, #tpu.memory_space<hbm>> -> memref<1x10000x64xf32, #tpu.memory_space<hbm>>
        %dma_start3A_232 = tpu.memref_squeeze %dma_start3A_231 : memref<1x10000x64xf32, #tpu.memory_space<hbm>> -> memref<10000x64xf32, #tpu.memory_space<hbm>>
        %dma_start3A_233 = arith.constant 0 : i32
        %dma_start3A_234 = arith.constant 0 : i32
        %dma_start3A_235 = tpu.memref_slice %dma_start3A_232[%dma_start3A_233, %dma_start3A_234] : memref<10000x64xf32, #tpu.memory_space<hbm>> -> memref<10000x64xf32, #tpu.memory_space<hbm>>
        tpu.enqueue_indirect_dma source(%dma_start3A_235 : memref<10000x64xf32, #tpu.memory_space<hbm>>) target(%arg9 : memref<128x64xf32, #tpu.memory_space<vmem>>) offsets(%dma_start3A_228 : memref<128xi32, #tpu.memory_space<vmem>>) semaphore(%arg15 : memref<!tpu.dma_semaphore, #tpu.memory_space<semaphore_mem>>)
      } else {
      }
      %dma_start3A_123 = arith.constant 0 : i32
      %dma_start3A_124 = tpu.memref_slice %arg8[%add3A_99, %dma_start3A_123] : memref<160x128xi32, #tpu.memory_space<vmem>> -> memref<1x128xi32, #tpu.memory_space<vmem>>
      %dma_start3A_125 = tpu.memref_squeeze %dma_start3A_124 : memref<1x128xi32, #tpu.memory_space<vmem>> -> memref<128xi32, #tpu.memory_space<vmem>>
      %dma_start3A_126 = arith.constant 0 : i32
      %dma_start3A_127 = arith.constant 0 : i32
      %dma_start3A_128 = tpu.memref_slice %arg14[%dma_start3A_126, %dma_start3A_127] : memref<10112x64xf32, #tpu.memory_space<vmem_shared>> -> memref<10112x64xf32, #tpu.memory_space<vmem_shared>>
      tpu.enqueue_indirect_dma source(%arg10 : memref<128x64xf32, #tpu.memory_space<vmem>>) target(%dma_start3A_128 : memref<10112x64xf32, #tpu.memory_space<vmem_shared>>) offsets(%dma_start3A_125 : memref<128xi32, #tpu.memory_space<vmem>>) semaphore(%arg16 : memref<!tpu.dma_semaphore, #tpu.memory_space<semaphore_mem>>) {add = true}
      %add3A_129 = arith.constant 2 : i32
      %add3A_130 = arith.addi %mul3A_73, %add3A_129 : i32
      %dma_wait3A_131 = arith.constant 0 : i32
      %dma_wait3A_132 = arith.constant 0 : i32
      %dma_wait3A_133 = tpu.memref_slice %arg2[%arg0, %dma_wait3A_131, %dma_wait3A_132] : memref<2x10000x64xf32, #tpu.memory_space<hbm>> -> memref<1x10000x64xf32, #tpu.memory_space<hbm>>
      %dma_wait3A_134 = tpu.memref_squeeze %dma_wait3A_133 : memref<1x10000x64xf32, #tpu.memory_space<hbm>> -> memref<10000x64xf32, #tpu.memory_space<hbm>>
      %dma_wait3A_135 = arith.constant 0 : i32
      %dma_wait3A_136 = arith.constant 0 : i32
      %dma_wait3A_137 = tpu.memref_slice %arg2[%arg0, %dma_wait3A_135, %dma_wait3A_136] : memref<2x10000x64xf32, #tpu.memory_space<hbm>> -> memref<1x10000x64xf32, #tpu.memory_space<hbm>>
      %dma_wait3A_138 = tpu.memref_squeeze %dma_wait3A_137 : memref<1x10000x64xf32, #tpu.memory_space<hbm>> -> memref<10000x64xf32, #tpu.memory_space<hbm>>
      tpu.wait_dma2 semaphore(%arg15 : memref<!tpu.dma_semaphore, #tpu.memory_space<semaphore_mem>>) src(%dma_wait3A_138 : memref<10000x64xf32, #tpu.memory_space<hbm>>) dst(%arg11 : memref<128x64xf32, #tpu.memory_space<vmem>>)
      %dma_wait3A_139 = arith.constant 0 : i32
      %dma_wait3A_140 = arith.constant 0 : i32
      %dma_wait3A_141 = tpu.memref_slice %arg14[%dma_wait3A_139, %dma_wait3A_140] : memref<10112x64xf32, #tpu.memory_space<vmem_shared>> -> memref<128x64xf32, #tpu.memory_space<vmem_shared>>
      %dma_wait3A_142 = arith.constant 0 : i32
      %dma_wait3A_143 = arith.constant 0 : i32
      %dma_wait3A_144 = tpu.memref_slice %arg14[%dma_wait3A_142, %dma_wait3A_143] : memref<10112x64xf32, #tpu.memory_space<vmem_shared>> -> memref<128x64xf32, #tpu.memory_space<vmem_shared>>
      tpu.wait_dma2 semaphore(%arg16 : memref<!tpu.dma_semaphore, #tpu.memory_space<semaphore_mem>>) src(%arg10 : memref<128x64xf32, #tpu.memory_space<vmem>>) dst(%dma_wait3A_144 : memref<128x64xf32, #tpu.memory_space<vmem_shared>>)
      %add3A_145 = arith.constant 5 : i32
      %add3A_146 = arith.addi %add3A_130, %add3A_145 : i32
      %sub3A_147 = arith.constant 1 : i32
      %sub3A_148 = arith.subi %add3A_146, %sub3A_147 : i32
      %lt3A_149 = arith.constant 160 : i32
      %lt3A_150 = arith.cmpi slt, %sub3A_148, %lt3A_149 : i32
      %convert_element_type3A_151 = arith.extui %lt3A_150 : i1 to i32
      %cond3A_152 = arith.constant 0 : i32
      %cond3A_153 = arith.cmpi ne, %convert_element_type3A_151, %cond3A_152 : i32
      scf.if %cond3A_153 {
        %add3A_222 = arith.constant 5 : i32
        %add3A_223 = arith.addi %add3A_130, %add3A_222 : i32
        %sub3A_224 = arith.constant 1 : i32
        %sub3A_225 = arith.subi %add3A_223, %sub3A_224 : i32
        %mul3A_226 = arith.constant 128 : i32
        %mul3A_227 = arith.muli %sub3A_225, %mul3A_226 : i32
        %dma_start3A_228 = tpu.memref_slice %arg7[%mul3A_227] : memref<20480xi32, #tpu.memory_space<vmem>> -> memref<128xi32, #tpu.memory_space<vmem>>
        %dma_start3A_229 = arith.constant 0 : i32
        %dma_start3A_230 = arith.constant 0 : i32
        %dma_start3A_231 = tpu.memref_slice %arg2[%arg0, %dma_start3A_229, %dma_start3A_230] : memref<2x10000x64xf32, #tpu.memory_space<hbm>> -> memref<1x10000x64xf32, #tpu.memory_space<hbm>>
        %dma_start3A_232 = tpu.memref_squeeze %dma_start3A_231 : memref<1x10000x64xf32, #tpu.memory_space<hbm>> -> memref<10000x64xf32, #tpu.memory_space<hbm>>
        %dma_start3A_233 = arith.constant 0 : i32
        %dma_start3A_234 = arith.constant 0 : i32
        %dma_start3A_235 = tpu.memref_slice %dma_start3A_232[%dma_start3A_233, %dma_start3A_234] : memref<10000x64xf32, #tpu.memory_space<hbm>> -> memref<10000x64xf32, #tpu.memory_space<hbm>>
        tpu.enqueue_indirect_dma source(%dma_start3A_235 : memref<10000x64xf32, #tpu.memory_space<hbm>>) target(%arg10 : memref<128x64xf32, #tpu.memory_space<vmem>>) offsets(%dma_start3A_228 : memref<128xi32, #tpu.memory_space<vmem>>) semaphore(%arg15 : memref<!tpu.dma_semaphore, #tpu.memory_space<semaphore_mem>>)
      } else {
      }
      %dma_start3A_154 = arith.constant 0 : i32
      %dma_start3A_155 = tpu.memref_slice %arg8[%add3A_130, %dma_start3A_154] : memref<160x128xi32, #tpu.memory_space<vmem>> -> memref<1x128xi32, #tpu.memory_space<vmem>>
      %dma_start3A_156 = tpu.memref_squeeze %dma_start3A_155 : memref<1x128xi32, #tpu.memory_space<vmem>> -> memref<128xi32, #tpu.memory_space<vmem>>
      %dma_start3A_157 = arith.constant 0 : i32
      %dma_start3A_158 = arith.constant 0 : i32
      %dma_start3A_159 = tpu.memref_slice %arg14[%dma_start3A_157, %dma_start3A_158] : memref<10112x64xf32, #tpu.memory_space<vmem_shared>> -> memref<10112x64xf32, #tpu.memory_space<vmem_shared>>
      tpu.enqueue_indirect_dma source(%arg11 : memref<128x64xf32, #tpu.memory_space<vmem>>) target(%dma_start3A_159 : memref<10112x64xf32, #tpu.memory_space<vmem_shared>>) offsets(%dma_start3A_156 : memref<128xi32, #tpu.memory_space<vmem>>) semaphore(%arg16 : memref<!tpu.dma_semaphore, #tpu.memory_space<semaphore_mem>>) {add = true}
      %add3A_160 = arith.constant 3 : i32
      %add3A_161 = arith.addi %mul3A_73, %add3A_160 : i32
      %dma_wait3A_162 = arith.constant 0 : i32
      %dma_wait3A_163 = arith.constant 0 : i32
      %dma_wait3A_164 = tpu.memref_slice %arg2[%arg0, %dma_wait3A_162, %dma_wait3A_163] : memref<2x10000x64xf32, #tpu.memory_space<hbm>> -> memref<1x10000x64xf32, #tpu.memory_space<hbm>>
      %dma_wait3A_165 = tpu.memref_squeeze %dma_wait3A_164 : memref<1x10000x64xf32, #tpu.memory_space<hbm>> -> memref<10000x64xf32, #tpu.memory_space<hbm>>
      %dma_wait3A_166 = arith.constant 0 : i32
      %dma_wait3A_167 = arith.constant 0 : i32
      %dma_wait3A_168 = tpu.memref_slice %arg2[%arg0, %dma_wait3A_166, %dma_wait3A_167] : memref<2x10000x64xf32, #tpu.memory_space<hbm>> -> memref<1x10000x64xf32, #tpu.memory_space<hbm>>
      %dma_wait3A_169 = tpu.memref_squeeze %dma_wait3A_168 : memref<1x10000x64xf32, #tpu.memory_space<hbm>> -> memref<10000x64xf32, #tpu.memory_space<hbm>>
      tpu.wait_dma2 semaphore(%arg15 : memref<!tpu.dma_semaphore, #tpu.memory_space<semaphore_mem>>) src(%dma_wait3A_169 : memref<10000x64xf32, #tpu.memory_space<hbm>>) dst(%arg12 : memref<128x64xf32, #tpu.memory_space<vmem>>)
      %dma_wait3A_170 = arith.constant 0 : i32
      %dma_wait3A_171 = arith.constant 0 : i32
      %dma_wait3A_172 = tpu.memref_slice %arg14[%dma_wait3A_170, %dma_wait3A_171] : memref<10112x64xf32, #tpu.memory_space<vmem_shared>> -> memref<128x64xf32, #tpu.memory_space<vmem_shared>>
      %dma_wait3A_173 = arith.constant 0 : i32
      %dma_wait3A_174 = arith.constant 0 : i32
      %dma_wait3A_175 = tpu.memref_slice %arg14[%dma_wait3A_173, %dma_wait3A_174] : memref<10112x64xf32, #tpu.memory_space<vmem_shared>> -> memref<128x64xf32, #tpu.memory_space<vmem_shared>>
      tpu.wait_dma2 semaphore(%arg16 : memref<!tpu.dma_semaphore, #tpu.memory_space<semaphore_mem>>) src(%arg11 : memref<128x64xf32, #tpu.memory_space<vmem>>) dst(%dma_wait3A_175 : memref<128x64xf32, #tpu.memory_space<vmem_shared>>)
      %add3A_176 = arith.constant 5 : i32
      %add3A_177 = arith.addi %add3A_161, %add3A_176 : i32
      %sub3A_178 = arith.constant 1 : i32
      %sub3A_179 = arith.subi %add3A_177, %sub3A_178 : i32
      %lt3A_180 = arith.constant 160 : i32
      %lt3A_181 = arith.cmpi slt, %sub3A_179, %lt3A_180 : i32
      %convert_element_type3A_182 = arith.extui %lt3A_181 : i1 to i32
      %cond3A_183 = arith.constant 0 : i32
      %cond3A_184 = arith.cmpi ne, %convert_element_type3A_182, %cond3A_183 : i32
      scf.if %cond3A_184 {
        %add3A_222 = arith.constant 5 : i32
        %add3A_223 = arith.addi %add3A_161, %add3A_222 : i32
        %sub3A_224 = arith.constant 1 : i32
        %sub3A_225 = arith.subi %add3A_223, %sub3A_224 : i32
        %mul3A_226 = arith.constant 128 : i32
        %mul3A_227 = arith.muli %sub3A_225, %mul3A_226 : i32
        %dma_start3A_228 = tpu.memref_slice %arg7[%mul3A_227] : memref<20480xi32, #tpu.memory_space<vmem>> -> memref<128xi32, #tpu.memory_space<vmem>>
        %dma_start3A_229 = arith.constant 0 : i32
        %dma_start3A_230 = arith.constant 0 : i32
        %dma_start3A_231 = tpu.memref_slice %arg2[%arg0, %dma_start3A_229, %dma_start3A_230] : memref<2x10000x64xf32, #tpu.memory_space<hbm>> -> memref<1x10000x64xf32, #tpu.memory_space<hbm>>
        %dma_start3A_232 = tpu.memref_squeeze %dma_start3A_231 : memref<1x10000x64xf32, #tpu.memory_space<hbm>> -> memref<10000x64xf32, #tpu.memory_space<hbm>>
        %dma_start3A_233 = arith.constant 0 : i32
        %dma_start3A_234 = arith.constant 0 : i32
        %dma_start3A_235 = tpu.memref_slice %dma_start3A_232[%dma_start3A_233, %dma_start3A_234] : memref<10000x64xf32, #tpu.memory_space<hbm>> -> memref<10000x64xf32, #tpu.memory_space<hbm>>
        tpu.enqueue_indirect_dma source(%dma_start3A_235 : memref<10000x64xf32, #tpu.memory_space<hbm>>) target(%arg11 : memref<128x64xf32, #tpu.memory_space<vmem>>) offsets(%dma_start3A_228 : memref<128xi32, #tpu.memory_space<vmem>>) semaphore(%arg15 : memref<!tpu.dma_semaphore, #tpu.memory_space<semaphore_mem>>)
      } else {
      }
      %dma_start3A_185 = arith.constant 0 : i32
      %dma_start3A_186 = tpu.memref_slice %arg8[%add3A_161, %dma_start3A_185] : memref<160x128xi32, #tpu.memory_space<vmem>> -> memref<1x128xi32, #tpu.memory_space<vmem>>
      %dma_start3A_187 = tpu.memref_squeeze %dma_start3A_186 : memref<1x128xi32, #tpu.memory_space<vmem>> -> memref<128xi32, #tpu.memory_space<vmem>>
      %dma_start3A_188 = arith.constant 0 : i32
      %dma_start3A_189 = arith.constant 0 : i32
      %dma_start3A_190 = tpu.memref_slice %arg14[%dma_start3A_188, %dma_start3A_189] : memref<10112x64xf32, #tpu.memory_space<vmem_shared>> -> memref<10112x64xf32, #tpu.memory_space<vmem_shared>>
      tpu.enqueue_indirect_dma source(%arg12 : memref<128x64xf32, #tpu.memory_space<vmem>>) target(%dma_start3A_190 : memref<10112x64xf32, #tpu.memory_space<vmem_shared>>) offsets(%dma_start3A_187 : memref<128xi32, #tpu.memory_space<vmem>>) semaphore(%arg16 : memref<!tpu.dma_semaphore, #tpu.memory_space<semaphore_mem>>) {add = true}
      %add3A_191 = arith.constant 4 : i32
      %add3A_192 = arith.addi %mul3A_73, %add3A_191 : i32
      %dma_wait3A_193 = arith.constant 0 : i32
      %dma_wait3A_194 = arith.constant 0 : i32
      %dma_wait3A_195 = tpu.memref_slice %arg2[%arg0, %dma_wait3A_193, %dma_wait3A_194] : memref<2x10000x64xf32, #tpu.memory_space<hbm>> -> memref<1x10000x64xf32, #tpu.memory_space<hbm>>
      %dma_wait3A_196 = tpu.memref_squeeze %dma_wait3A_195 : memref<1x10000x64xf32, #tpu.memory_space<hbm>> -> memref<10000x64xf32, #tpu.memory_space<hbm>>
      %dma_wait3A_197 = arith.constant 0 : i32
      %dma_wait3A_198 = arith.constant 0 : i32
      %dma_wait3A_199 = tpu.memref_slice %arg2[%arg0, %dma_wait3A_197, %dma_wait3A_198] : memref<2x10000x64xf32, #tpu.memory_space<hbm>> -> memref<1x10000x64xf32, #tpu.memory_space<hbm>>
      %dma_wait3A_200 = tpu.memref_squeeze %dma_wait3A_199 : memref<1x10000x64xf32, #tpu.memory_space<hbm>> -> memref<10000x64xf32, #tpu.memory_space<hbm>>
      tpu.wait_dma2 semaphore(%arg15 : memref<!tpu.dma_semaphore, #tpu.memory_space<semaphore_mem>>) src(%dma_wait3A_200 : memref<10000x64xf32, #tpu.memory_space<hbm>>) dst(%arg13 : memref<128x64xf32, #tpu.memory_space<vmem>>)
      %dma_wait3A_201 = arith.constant 0 : i32
      %dma_wait3A_202 = arith.constant 0 : i32
      %dma_wait3A_203 = tpu.memref_slice %arg14[%dma_wait3A_201, %dma_wait3A_202] : memref<10112x64xf32, #tpu.memory_space<vmem_shared>> -> memref<128x64xf32, #tpu.memory_space<vmem_shared>>
      %dma_wait3A_204 = arith.constant 0 : i32
      %dma_wait3A_205 = arith.constant 0 : i32
      %dma_wait3A_206 = tpu.memref_slice %arg14[%dma_wait3A_204, %dma_wait3A_205] : memref<10112x64xf32, #tpu.memory_space<vmem_shared>> -> memref<128x64xf32, #tpu.memory_space<vmem_shared>>
      tpu.wait_dma2 semaphore(%arg16 : memref<!tpu.dma_semaphore, #tpu.memory_space<semaphore_mem>>) src(%arg12 : memref<128x64xf32, #tpu.memory_space<vmem>>) dst(%dma_wait3A_206 : memref<128x64xf32, #tpu.memory_space<vmem_shared>>)
      %add3A_207 = arith.constant 5 : i32
      %add3A_208 = arith.addi %add3A_192, %add3A_207 : i32
      %sub3A_209 = arith.constant 1 : i32
      %sub3A_210 = arith.subi %add3A_208, %sub3A_209 : i32
      %lt3A_211 = arith.constant 160 : i32
      %lt3A_212 = arith.cmpi slt, %sub3A_210, %lt3A_211 : i32
      %convert_element_type3A_213 = arith.extui %lt3A_212 : i1 to i32
      %cond3A_214 = arith.constant 0 : i32
      %cond3A_215 = arith.cmpi ne, %convert_element_type3A_213, %cond3A_214 : i32
      scf.if %cond3A_215 {
        %add3A_222 = arith.constant 5 : i32
        %add3A_223 = arith.addi %add3A_192, %add3A_222 : i32
        %sub3A_224 = arith.constant 1 : i32
        %sub3A_225 = arith.subi %add3A_223, %sub3A_224 : i32
        %mul3A_226 = arith.constant 128 : i32
        %mul3A_227 = arith.muli %sub3A_225, %mul3A_226 : i32
        %dma_start3A_228 = tpu.memref_slice %arg7[%mul3A_227] : memref<20480xi32, #tpu.memory_space<vmem>> -> memref<128xi32, #tpu.memory_space<vmem>>
        %dma_start3A_229 = arith.constant 0 : i32
        %dma_start3A_230 = arith.constant 0 : i32
        %dma_start3A_231 = tpu.memref_slice %arg2[%arg0, %dma_start3A_229, %dma_start3A_230] : memref<2x10000x64xf32, #tpu.memory_space<hbm>> -> memref<1x10000x64xf32, #tpu.memory_space<hbm>>
        %dma_start3A_232 = tpu.memref_squeeze %dma_start3A_231 : memref<1x10000x64xf32, #tpu.memory_space<hbm>> -> memref<10000x64xf32, #tpu.memory_space<hbm>>
        %dma_start3A_233 = arith.constant 0 : i32
        %dma_start3A_234 = arith.constant 0 : i32
        %dma_start3A_235 = tpu.memref_slice %dma_start3A_232[%dma_start3A_233, %dma_start3A_234] : memref<10000x64xf32, #tpu.memory_space<hbm>> -> memref<10000x64xf32, #tpu.memory_space<hbm>>
        tpu.enqueue_indirect_dma source(%dma_start3A_235 : memref<10000x64xf32, #tpu.memory_space<hbm>>) target(%arg12 : memref<128x64xf32, #tpu.memory_space<vmem>>) offsets(%dma_start3A_228 : memref<128xi32, #tpu.memory_space<vmem>>) semaphore(%arg15 : memref<!tpu.dma_semaphore, #tpu.memory_space<semaphore_mem>>)
      } else {
      }
      %dma_start3A_216 = arith.constant 0 : i32
      %dma_start3A_217 = tpu.memref_slice %arg8[%add3A_192, %dma_start3A_216] : memref<160x128xi32, #tpu.memory_space<vmem>> -> memref<1x128xi32, #tpu.memory_space<vmem>>
      %dma_start3A_218 = tpu.memref_squeeze %dma_start3A_217 : memref<1x128xi32, #tpu.memory_space<vmem>> -> memref<128xi32, #tpu.memory_space<vmem>>
      %dma_start3A_219 = arith.constant 0 : i32
      %dma_start3A_220 = arith.constant 0 : i32
      %dma_start3A_221 = tpu.memref_slice %arg14[%dma_start3A_219, %dma_start3A_220] : memref<10112x64xf32, #tpu.memory_space<vmem_shared>> -> memref<10112x64xf32, #tpu.memory_space<vmem_shared>>
      tpu.enqueue_indirect_dma source(%arg13 : memref<128x64xf32, #tpu.memory_space<vmem>>) target(%dma_start3A_221 : memref<10112x64xf32, #tpu.memory_space<vmem_shared>>) offsets(%dma_start3A_218 : memref<128xi32, #tpu.memory_space<vmem>>) semaphore(%arg16 : memref<!tpu.dma_semaphore, #tpu.memory_space<semaphore_mem>>) {add = true}
    }
    %scan3A_59 = arith.constant 32 : i32
    %dma_wait3A_60 = arith.constant 0 : i32
    %dma_wait3A_61 = arith.constant 0 : i32
    %dma_wait3A_62 = tpu.memref_slice %arg14[%dma_wait3A_60, %dma_wait3A_61] : memref<10112x64xf32, #tpu.memory_space<vmem_shared>> -> memref<128x64xf32, #tpu.memory_space<vmem_shared>>
    %dma_wait3A_63 = arith.constant 0 : i32
    %dma_wait3A_64 = arith.constant 0 : i32
    %dma_wait3A_65 = tpu.memref_slice %arg14[%dma_wait3A_63, %dma_wait3A_64] : memref<10112x64xf32, #tpu.memory_space<vmem_shared>> -> memref<128x64xf32, #tpu.memory_space<vmem_shared>>
    tpu.wait_dma2 semaphore(%arg16 : memref<!tpu.dma_semaphore, #tpu.memory_space<semaphore_mem>>) src(%arg13 : memref<128x64xf32, #tpu.memory_space<vmem>>) dst(%dma_wait3A_65 : memref<128x64xf32, #tpu.memory_space<vmem_shared>>)
    %barrier3A_66 = arith.constant 0 : index
    tpu.barrier barrier_id(%barrier3A_66)
    %mul3A_67 = arith.constant 632 : i32
    %mul3A_68 = arith.muli %arg1, %mul3A_67 : i32
    %mul3A_69 = arith.constant 632 : i32
    %mul3A_70 = arith.muli %arg1, %mul3A_69 : i32
    "tpu.region"() ({
      %run_scoped3A = tpu.sem_alloc : memref<!tpu.dma_semaphore, #tpu.memory_space<semaphore_mem>>
      %dma_start3A_71 = arith.constant 0 : i32
      %dma_start3A_72 = tpu.memref_slice %arg6[%arg0, %mul3A_70, %dma_start3A_71] : memref<2x10112x64xf32, #tpu.memory_space<hbm>> -> memref<1x632x64xf32, #tpu.memory_space<hbm>>
      %dma_start3A_73 = tpu.memref_squeeze %dma_start3A_72 : memref<1x632x64xf32, #tpu.memory_space<hbm>> -> memref<632x64xf32, #tpu.memory_space<hbm>>
      %dma_start3A_74 = arith.constant 0 : i32
      %dma_start3A_75 = tpu.memref_slice %arg14[%mul3A_68, %dma_start3A_74] : memref<10112x64xf32, #tpu.memory_space<vmem_shared>> -> memref<632x64xf32, #tpu.memory_space<vmem_shared>>
      tpu.enqueue_dma source(%dma_start3A_75 : memref<632x64xf32, #tpu.memory_space<vmem_shared>>) target(%dma_start3A_73 : memref<632x64xf32, #tpu.memory_space<hbm>>) target_semaphore(%run_scoped3A : memref<!tpu.dma_semaphore, #tpu.memory_space<semaphore_mem>>)
      %dma_wait3A_76 = arith.constant 0 : i32
      %dma_wait3A_77 = tpu.memref_slice %arg6[%arg0, %mul3A_70, %dma_wait3A_76] : memref<2x10112x64xf32, #tpu.memory_space<hbm>> -> memref<1x632x64xf32, #tpu.memory_space<hbm>>
      %dma_wait3A_78 = tpu.memref_squeeze %dma_wait3A_77 : memref<1x632x64xf32, #tpu.memory_space<hbm>> -> memref<632x64xf32, #tpu.memory_space<hbm>>
      %dma_wait3A_79 = arith.constant 0 : i32
      %dma_wait3A_80 = tpu.memref_slice %arg14[%mul3A_68, %dma_wait3A_79] : memref<10112x64xf32, #tpu.memory_space<vmem_shared>> -> memref<632x64xf32, #tpu.memory_space<vmem_shared>>
      tpu.wait_dma2 semaphore(%run_scoped3A : memref<!tpu.dma_semaphore, #tpu.memory_space<semaphore_mem>>) src(%dma_wait3A_80 : memref<632x64xf32, #tpu.memory_space<vmem_shared>>) dst(%dma_wait3A_78 : memref<632x64xf32, #tpu.memory_space<hbm>>)
      tpu.yield
    }) : () -> ()
    return
  }
}

module attributes {stable_mosaic.version = 14 : i64} {
  func.func @_tc_first_body(%arg0: memref<32x10112xf32, #tpu.memory_space<vmem>>, %arg1: memref<10000x128xf32, #tpu.memory_space<vmem>>, %arg2: memref<128x128xf32, #tpu.memory_space<vmem>>, %arg3: memref<2x10000x64xf32, #tpu.memory_space<vmem>>) attributes {dimension_semantics = [], scalar_prefetch = 0 : i64, scratch_operands = 0 : i64, tpu.core_type = #tpu.core_type<tc>} {
    %get3A = arith.constant 0 : index
    %get3A_0 = arith.constant 0 : index
    %get3A_1 = vector.load %arg0[%get3A, %get3A_0] : memref<32x10112xf32, #tpu.memory_space<vmem>>, vector<32x10112xf32>
    %slice3A = vector.extract_strided_slice %get3A_1 {offsets = [0, 0], sizes = [32, 10000], strides = [1, 1]} : vector<32x10112xf32> to vector<32x10000xf32>
    %reduce_sum3A = arith.constant dense<0.000000e+00> : vector<10000xf32>
    %reduce_sum3A_2 = vector.multi_reduction <add>, %slice3A, %reduce_sum3A [0] : vector<32x10000xf32> to vector<10000xf32>
    %add3A = arith.constant 1.000000e+00 : f32
    %add3A_3 = vector.broadcast %add3A : f32 to vector<10000xf32>
    %add3A_4 = arith.addf %reduce_sum3A_2, %add3A_3 : vector<10000xf32>
    %rsqrt3A = math.rsqrt %add3A_4 : vector<10000xf32>
    %get3A_5 = arith.constant 0 : index
    %get3A_6 = arith.constant 0 : index
    %get3A_7 = vector.load %arg1[%get3A_5, %get3A_6] : memref<10000x128xf32, #tpu.memory_space<vmem>>, vector<10000x128xf32>
    %get3A_8 = arith.constant 0 : index
    %get3A_9 = arith.constant 0 : index
    %get3A_10 = vector.load %arg2[%get3A_8, %get3A_9] : memref<128x128xf32, #tpu.memory_space<vmem>>, vector<128x128xf32>
    %dot_general3A = arith.constant dense<0.000000e+00> : vector<10000x128xf32>
    %dot_general3A_11 = tpu.matmul %get3A_7, %get3A_10, %dot_general3A {dimension_numbers = #tpu.dot_dimension_numbers<[1], [0], [0], [1], [0, 0, 1, 1], [], []>, transpose_lhs_hint = false} : vector<10000x128xf32>, vector<128x128xf32>, vector<10000x128xf32> -> vector<10000x128xf32>
    %broadcast_in_dim3A = vector.shape_cast %rsqrt3A : vector<10000xf32> to vector<10000x1xf32>
    %mul3A = vector.broadcast %broadcast_in_dim3A : vector<10000x1xf32> to vector<10000x128xf32>
    %mul3A_12 = arith.mulf %dot_general3A_11, %mul3A : vector<10000x128xf32>
    %slice3A_13 = vector.extract_strided_slice %mul3A_12 {offsets = [0, 0], sizes = [10000, 64], strides = [1, 1]} : vector<10000x128xf32> to vector<10000x64xf32>
    %swap3A = arith.constant 0 : index
    %swap3A_14 = arith.constant 0 : index
    %swap3A_15 = arith.constant 0 : index
    %swap3A_16 = vector.load %arg3[%swap3A, %swap3A_14, %swap3A_15] : memref<2x10000x64xf32, #tpu.memory_space<vmem>>, vector<1x10000x64xf32>
    %swap3A_17 = vector.shape_cast %swap3A_16 : vector<1x10000x64xf32> to vector<10000x64xf32>
    %swap3A_18 = vector.shape_cast %slice3A_13 : vector<10000x64xf32> to vector<1x10000x64xf32>
    tpu.vector_store %arg3[%swap3A, %swap3A_14, %swap3A_15], %swap3A_18 {strides = array<i32>} : memref<2x10000x64xf32, #tpu.memory_space<vmem>>, vector<1x10000x64xf32>,
    %slice3A_19 = vector.extract_strided_slice %mul3A_12 {offsets = [0, 64], sizes = [10000, 64], strides = [1, 1]} : vector<10000x128xf32> to vector<10000x64xf32>
    %swap3A_20 = arith.constant 1 : index
    %swap3A_21 = arith.constant 0 : index
    %swap3A_22 = arith.constant 0 : index
    %swap3A_23 = vector.load %arg3[%swap3A_20, %swap3A_21, %swap3A_22] : memref<2x10000x64xf32, #tpu.memory_space<vmem>>, vector<1x10000x64xf32>
    %swap3A_24 = vector.shape_cast %swap3A_23 : vector<1x10000x64xf32> to vector<10000x64xf32>
    %swap3A_25 = vector.shape_cast %slice3A_19 : vector<10000x64xf32> to vector<1x10000x64xf32>
    tpu.vector_store %arg3[%swap3A_20, %swap3A_21, %swap3A_22], %swap3A_25 {strides = array<i32>} : memref<2x10000x64xf32, #tpu.memory_space<vmem>>, vector<1x10000x64xf32>,
    return
  }
}

module attributes {stable_mosaic.version = 14 : i64} {
  func.func @_tc_mid_body(%arg0: memref<32x10112xf32, #tpu.memory_space<vmem>>, %arg1: memref<2x10112x64xf32, #tpu.memory_space<vmem>>, %arg2: memref<2x10000x64xf32, #tpu.memory_space<vmem>>, %arg3: memref<1x128xf32, #tpu.memory_space<vmem>>, %arg4: memref<128x128xf32, #tpu.memory_space<vmem>>, %arg5: memref<2x10000x64xf32, #tpu.memory_space<vmem>>) attributes {dimension_semantics = [], scalar_prefetch = 0 : i64, scratch_operands = 0 : i64, tpu.core_type = #tpu.core_type<tc>} {
    %get3A = arith.constant 0 : index
    %get3A_0 = arith.constant 0 : index
    %get3A_1 = vector.load %arg0[%get3A, %get3A_0] : memref<32x10112xf32, #tpu.memory_space<vmem>>, vector<32x10112xf32>
    %slice3A = vector.extract_strided_slice %get3A_1 {offsets = [0, 0], sizes = [32, 10000], strides = [1, 1]} : vector<32x10112xf32> to vector<32x10000xf32>
    %reduce_sum3A = arith.constant dense<0.000000e+00> : vector<10000xf32>
    %reduce_sum3A_2 = vector.multi_reduction <add>, %slice3A, %reduce_sum3A [0] : vector<32x10000xf32> to vector<10000xf32>
    %add3A = arith.constant 1.000000e+00 : f32
    %add3A_3 = vector.broadcast %add3A : f32 to vector<10000xf32>
    %add3A_4 = arith.addf %reduce_sum3A_2, %add3A_3 : vector<10000xf32>
    %rsqrt3A = math.rsqrt %add3A_4 : vector<10000xf32>
    %get3A_5 = arith.constant 0 : index
    %get3A_6 = arith.constant 0 : index
    %get3A_7 = arith.constant 0 : index
    %get3A_8 = vector.load %arg1[%get3A_5, %get3A_6, %get3A_7] : memref<2x10112x64xf32, #tpu.memory_space<vmem>>, vector<1x10112x64xf32>
    %get3A_9 = vector.shape_cast %get3A_8 : vector<1x10112x64xf32> to vector<10112x64xf32>
    %slice3A_10 = vector.extract_strided_slice %get3A_9 {offsets = [0, 0], sizes = [10000, 64], strides = [1, 1]} : vector<10112x64xf32> to vector<10000x64xf32>
    %get3A_11 = arith.constant 1 : index
    %get3A_12 = arith.constant 0 : index
    %get3A_13 = arith.constant 0 : index
    %get3A_14 = vector.load %arg1[%get3A_11, %get3A_12, %get3A_13] : memref<2x10112x64xf32, #tpu.memory_space<vmem>>, vector<1x10112x64xf32>
    %get3A_15 = vector.shape_cast %get3A_14 : vector<1x10112x64xf32> to vector<10112x64xf32>
    %slice3A_16 = vector.extract_strided_slice %get3A_15 {offsets = [0, 0], sizes = [10000, 64], strides = [1, 1]} : vector<10112x64xf32> to vector<10000x64xf32>
    %concatenate3A = tpu.concatenate %slice3A_10, %slice3A_16 in 1 : vector<10000x64xf32>, vector<10000x64xf32> -> vector<10000x128xf32>
    %get3A_17 = arith.constant 0 : index
    %get3A_18 = arith.constant 0 : index
    %get3A_19 = arith.constant 0 : index
    %get3A_20 = vector.load %arg2[%get3A_17, %get3A_18, %get3A_19] : memref<2x10000x64xf32, #tpu.memory_space<vmem>>, vector<1x10000x64xf32>
    %get3A_21 = vector.shape_cast %get3A_20 : vector<1x10000x64xf32> to vector<10000x64xf32>
    %get3A_22 = arith.constant 1 : index
    %get3A_23 = arith.constant 0 : index
    %get3A_24 = arith.constant 0 : index
    %get3A_25 = vector.load %arg2[%get3A_22, %get3A_23, %get3A_24] : memref<2x10000x64xf32, #tpu.memory_space<vmem>>, vector<1x10000x64xf32>
    %get3A_26 = vector.shape_cast %get3A_25 : vector<1x10000x64xf32> to vector<10000x64xf32>
    %concatenate3A_27 = tpu.concatenate %get3A_21, %get3A_26 in 1 : vector<10000x64xf32>, vector<10000x64xf32> -> vector<10000x128xf32>
    %add3A_28 = arith.addf %concatenate3A, %concatenate3A_27 : vector<10000x128xf32>
    %broadcast_in_dim3A = vector.shape_cast %rsqrt3A : vector<10000xf32> to vector<10000x1xf32>
    %mul3A = vector.broadcast %broadcast_in_dim3A : vector<10000x1xf32> to vector<10000x128xf32>
    %mul3A_29 = arith.mulf %add3A_28, %mul3A : vector<10000x128xf32>
    %get3A_30 = arith.constant 0 : index
    %get3A_31 = arith.constant 0 : index
    %get3A_32 = vector.load %arg3[%get3A_30, %get3A_31] : memref<1x128xf32, #tpu.memory_space<vmem>>, vector<1x128xf32>
    %add3A_33 = vector.broadcast %get3A_32 : vector<1x128xf32> to vector<10000x128xf32>
    %add3A_34 = arith.addf %mul3A_29, %add3A_33 : vector<10000x128xf32>
    %max3A = arith.constant 0.000000e+00 : f32
    %max3A_35 = vector.broadcast %max3A : f32 to vector<10000x128xf32>
    %max3A_36 = arith.maximumf %add3A_34, %max3A_35 : vector<10000x128xf32>
    %get3A_37 = arith.constant 0 : index
    %get3A_38 = arith.constant 0 : index
    %get3A_39 = vector.load %arg4[%get3A_37, %get3A_38] : memref<128x128xf32, #tpu.memory_space<vmem>>, vector<128x128xf32>
    %dot_general3A = arith.constant dense<0.000000e+00> : vector<10000x128xf32>
    %dot_general3A_40 = tpu.matmul %max3A_36, %get3A_39, %dot_general3A {dimension_numbers = #tpu.dot_dimension_numbers<[1], [0], [0], [1], [0, 0, 1, 1], [], []>, transpose_lhs_hint = false} : vector<10000x128xf32>, vector<128x128xf32>, vector<10000x128xf32> -> vector<10000x128xf32>
    %broadcast_in_dim3A_41 = vector.shape_cast %rsqrt3A : vector<10000xf32> to vector<10000x1xf32>
    %mul3A_42 = vector.broadcast %broadcast_in_dim3A_41 : vector<10000x1xf32> to vector<10000x128xf32>
    %mul3A_43 = arith.mulf %dot_general3A_40, %mul3A_42 : vector<10000x128xf32>
    %slice3A_44 = vector.extract_strided_slice %mul3A_43 {offsets = [0, 0], sizes = [10000, 64], strides = [1, 1]} : vector<10000x128xf32> to vector<10000x64xf32>
    %swap3A = arith.constant 0 : index
    %swap3A_45 = arith.constant 0 : index
    %swap3A_46 = arith.constant 0 : index
    %swap3A_47 = vector.load %arg5[%swap3A, %swap3A_45, %swap3A_46] : memref<2x10000x64xf32, #tpu.memory_space<vmem>>, vector<1x10000x64xf32>
    %swap3A_48 = vector.shape_cast %swap3A_47 : vector<1x10000x64xf32> to vector<10000x64xf32>
    %swap3A_49 = vector.shape_cast %slice3A_44 : vector<10000x64xf32> to vector<1x10000x64xf32>
    tpu.vector_store %arg5[%swap3A, %swap3A_45, %swap3A_46], %swap3A_49 {strides = array<i32>} : memref<2x10000x64xf32, #tpu.memory_space<vmem>>, vector<1x10000x64xf32>,
    %slice3A_50 = vector.extract_strided_slice %mul3A_43 {offsets = [0, 64], sizes = [10000, 64], strides = [1, 1]} : vector<10000x128xf32> to vector<10000x64xf32>
    %swap3A_51 = arith.constant 1 : index
    %swap3A_52 = arith.constant 0 : index
    %swap3A_53 = arith.constant 0 : index
    %swap3A_54 = vector.load %arg5[%swap3A_51, %swap3A_52, %swap3A_53] : memref<2x10000x64xf32, #tpu.memory_space<vmem>>, vector<1x10000x64xf32>
    %swap3A_55 = vector.shape_cast %swap3A_54 : vector<1x10000x64xf32> to vector<10000x64xf32>
    %swap3A_56 = vector.shape_cast %slice3A_50 : vector<10000x64xf32> to vector<1x10000x64xf32>
    tpu.vector_store %arg5[%swap3A_51, %swap3A_52, %swap3A_53], %swap3A_56 {strides = array<i32>} : memref<2x10000x64xf32, #tpu.memory_space<vmem>>, vector<1x10000x64xf32>,
    return
  }
}

module attributes {stable_mosaic.version = 14 : i64} {
  func.func @_tc_mid_body(%arg0: memref<32x10112xf32, #tpu.memory_space<vmem>>, %arg1: memref<2x10112x64xf32, #tpu.memory_space<vmem>>, %arg2: memref<2x10000x64xf32, #tpu.memory_space<vmem>>, %arg3: memref<1x128xf32, #tpu.memory_space<vmem>>, %arg4: memref<128x1xf32, #tpu.memory_space<vmem>>, %arg5: memref<10000x1xf32, #tpu.memory_space<vmem>>) attributes {dimension_semantics = [], scalar_prefetch = 0 : i64, scratch_operands = 0 : i64, tpu.core_type = #tpu.core_type<tc>} {
    %get3A = arith.constant 0 : index
    %get3A_0 = arith.constant 0 : index
    %get3A_1 = vector.load %arg0[%get3A, %get3A_0] : memref<32x10112xf32, #tpu.memory_space<vmem>>, vector<32x10112xf32>
    %slice3A = vector.extract_strided_slice %get3A_1 {offsets = [0, 0], sizes = [32, 10000], strides = [1, 1]} : vector<32x10112xf32> to vector<32x10000xf32>
    %reduce_sum3A = arith.constant dense<0.000000e+00> : vector<10000xf32>
    %reduce_sum3A_2 = vector.multi_reduction <add>, %slice3A, %reduce_sum3A [0] : vector<32x10000xf32> to vector<10000xf32>
    %add3A = arith.constant 1.000000e+00 : f32
    %add3A_3 = vector.broadcast %add3A : f32 to vector<10000xf32>
    %add3A_4 = arith.addf %reduce_sum3A_2, %add3A_3 : vector<10000xf32>
    %rsqrt3A = math.rsqrt %add3A_4 : vector<10000xf32>
    %get3A_5 = arith.constant 0 : index
    %get3A_6 = arith.constant 0 : index
    %get3A_7 = arith.constant 0 : index
    %get3A_8 = vector.load %arg1[%get3A_5, %get3A_6, %get3A_7] : memref<2x10112x64xf32, #tpu.memory_space<vmem>>, vector<1x10112x64xf32>
    %get3A_9 = vector.shape_cast %get3A_8 : vector<1x10112x64xf32> to vector<10112x64xf32>
    %slice3A_10 = vector.extract_strided_slice %get3A_9 {offsets = [0, 0], sizes = [10000, 64], strides = [1, 1]} : vector<10112x64xf32> to vector<10000x64xf32>
    %get3A_11 = arith.constant 1 : index
    %get3A_12 = arith.constant 0 : index
    %get3A_13 = arith.constant 0 : index
    %get3A_14 = vector.load %arg1[%get3A_11, %get3A_12, %get3A_13] : memref<2x10112x64xf32, #tpu.memory_space<vmem>>, vector<1x10112x64xf32>
    %get3A_15 = vector.shape_cast %get3A_14 : vector<1x10112x64xf32> to vector<10112x64xf32>
    %slice3A_16 = vector.extract_strided_slice %get3A_15 {offsets = [0, 0], sizes = [10000, 64], strides = [1, 1]} : vector<10112x64xf32> to vector<10000x64xf32>
    %concatenate3A = tpu.concatenate %slice3A_10, %slice3A_16 in 1 : vector<10000x64xf32>, vector<10000x64xf32> -> vector<10000x128xf32>
    %get3A_17 = arith.constant 0 : index
    %get3A_18 = arith.constant 0 : index
    %get3A_19 = arith.constant 0 : index
    %get3A_20 = vector.load %arg2[%get3A_17, %get3A_18, %get3A_19] : memref<2x10000x64xf32, #tpu.memory_space<vmem>>, vector<1x10000x64xf32>
    %get3A_21 = vector.shape_cast %get3A_20 : vector<1x10000x64xf32> to vector<10000x64xf32>
    %get3A_22 = arith.constant 1 : index
    %get3A_23 = arith.constant 0 : index
    %get3A_24 = arith.constant 0 : index
    %get3A_25 = vector.load %arg2[%get3A_22, %get3A_23, %get3A_24] : memref<2x10000x64xf32, #tpu.memory_space<vmem>>, vector<1x10000x64xf32>
    %get3A_26 = vector.shape_cast %get3A_25 : vector<1x10000x64xf32> to vector<10000x64xf32>
    %concatenate3A_27 = tpu.concatenate %get3A_21, %get3A_26 in 1 : vector<10000x64xf32>, vector<10000x64xf32> -> vector<10000x128xf32>
    %add3A_28 = arith.addf %concatenate3A, %concatenate3A_27 : vector<10000x128xf32>
    %broadcast_in_dim3A = vector.shape_cast %rsqrt3A : vector<10000xf32> to vector<10000x1xf32>
    %mul3A = vector.broadcast %broadcast_in_dim3A : vector<10000x1xf32> to vector<10000x128xf32>
    %mul3A_29 = arith.mulf %add3A_28, %mul3A : vector<10000x128xf32>
    %get3A_30 = arith.constant 0 : index
    %get3A_31 = arith.constant 0 : index
    %get3A_32 = vector.load %arg3[%get3A_30, %get3A_31] : memref<1x128xf32, #tpu.memory_space<vmem>>, vector<1x128xf32>
    %add3A_33 = vector.broadcast %get3A_32 : vector<1x128xf32> to vector<10000x128xf32>
    %add3A_34 = arith.addf %mul3A_29, %add3A_33 : vector<10000x128xf32>
    %max3A = arith.constant 0.000000e+00 : f32
    %max3A_35 = vector.broadcast %max3A : f32 to vector<10000x128xf32>
    %max3A_36 = arith.maximumf %add3A_34, %max3A_35 : vector<10000x128xf32>
    %get3A_37 = arith.constant 0 : index
    %get3A_38 = arith.constant 0 : index
    %get3A_39 = vector.load %arg4[%get3A_37, %get3A_38] : memref<128x1xf32, #tpu.memory_space<vmem>>, vector<128x1xf32>
    %dot_general3A = arith.constant dense<0.000000e+00> : vector<10000x1xf32>
    %dot_general3A_40 = tpu.matmul %max3A_36, %get3A_39, %dot_general3A {dimension_numbers = #tpu.dot_dimension_numbers<[1], [0], [0], [1], [0, 0, 1, 1], [], []>, transpose_lhs_hint = false} : vector<10000x128xf32>, vector<128x1xf32>, vector<10000x1xf32> -> vector<10000x1xf32>
    %broadcast_in_dim3A_41 = vector.shape_cast %rsqrt3A : vector<10000xf32> to vector<10000x1xf32>
    %mul3A_42 = arith.mulf %dot_general3A_40, %broadcast_in_dim3A_41 : vector<10000x1xf32>
    %swap3A = arith.constant 0 : index
    %swap3A_43 = arith.constant 0 : index
    %swap3A_44 = vector.load %arg5[%swap3A, %swap3A_43] : memref<10000x1xf32, #tpu.memory_space<vmem>>, vector<10000x1xf32>
    tpu.vector_store %arg5[%swap3A, %swap3A_43], %mul3A_42 {strides = array<i32>} : memref<10000x1xf32, #tpu.memory_space<vmem>>, vector<10000x1xf32>,
    return
  }
}

module attributes {stable_mosaic.version = 14 : i64} {
  func.func @_tc_final_body(%arg0: memref<32x10112xf32, #tpu.memory_space<vmem>>, %arg1: memref<32x10112xf32, #tpu.memory_space<vmem>>, %arg2: memref<10000x1xf32, #tpu.memory_space<vmem>>, %arg3: memref<1x1xf32, #tpu.memory_space<vmem>>, %arg4: memref<10000x1xf32, #tpu.memory_space<vmem>>) attributes {dimension_semantics = [], scalar_prefetch = 0 : i64, scratch_operands = 0 : i64, tpu.core_type = #tpu.core_type<tc>} {
    %get3A = arith.constant 0 : index
    %get3A_0 = arith.constant 0 : index
    %get3A_1 = vector.load %arg0[%get3A, %get3A_0] : memref<32x10112xf32, #tpu.memory_space<vmem>>, vector<32x10112xf32>
    %slice3A = vector.extract_strided_slice %get3A_1 {offsets = [0, 0], sizes = [32, 10000], strides = [1, 1]} : vector<32x10112xf32> to vector<32x10000xf32>
    %reduce_sum3A = arith.constant dense<0.000000e+00> : vector<10000xf32>
    %reduce_sum3A_2 = vector.multi_reduction <add>, %slice3A, %reduce_sum3A [0] : vector<32x10000xf32> to vector<10000xf32>
    %add3A = arith.constant 1.000000e+00 : f32
    %add3A_3 = vector.broadcast %add3A : f32 to vector<10000xf32>
    %add3A_4 = arith.addf %reduce_sum3A_2, %add3A_3 : vector<10000xf32>
    %rsqrt3A = math.rsqrt %add3A_4 : vector<10000xf32>
    %get3A_5 = arith.constant 0 : index
    %get3A_6 = arith.constant 0 : index
    %get3A_7 = vector.load %arg1[%get3A_5, %get3A_6] : memref<32x10112xf32, #tpu.memory_space<vmem>>, vector<32x10112xf32>
    %slice3A_8 = vector.extract_strided_slice %get3A_7 {offsets = [0, 0], sizes = [32, 10000], strides = [1, 1]} : vector<32x10112xf32> to vector<32x10000xf32>
    %reduce_sum3A_9 = arith.constant dense<0.000000e+00> : vector<10000xf32>
    %reduce_sum3A_10 = vector.multi_reduction <add>, %slice3A_8, %reduce_sum3A_9 [0] : vector<32x10000xf32> to vector<10000xf32>
    %get3A_11 = arith.constant 0 : index
    %get3A_12 = arith.constant 0 : index
    %get3A_13 = vector.load %arg2[%get3A_11, %get3A_12] : memref<10000x1xf32, #tpu.memory_space<vmem>>, vector<10000x1xf32>
    %squeeze3A = vector.shape_cast %get3A_13 : vector<10000x1xf32> to vector<10000xf32>
    %add3A_14 = arith.addf %reduce_sum3A_10, %squeeze3A : vector<10000xf32>
    %mul3A = arith.mulf %rsqrt3A, %add3A_14 : vector<10000xf32>
    %broadcast_in_dim3A = vector.shape_cast %mul3A : vector<10000xf32> to vector<10000x1xf32>
    %get3A_15 = arith.constant 0 : index
    %get3A_16 = arith.constant 0 : index
    %get3A_17 = vector.load %arg3[%get3A_15, %get3A_16] : memref<1x1xf32, #tpu.memory_space<vmem>>, vector<1x1xf32>
    %add3A_18 = vector.broadcast %get3A_17 : vector<1x1xf32> to vector<10000x1xf32>
    %add3A_19 = arith.addf %broadcast_in_dim3A, %add3A_18 : vector<10000x1xf32>
    %swap3A = arith.constant 0 : index
    %swap3A_20 = arith.constant 0 : index
    %swap3A_21 = vector.load %arg4[%swap3A, %swap3A_20] : memref<10000x1xf32, #tpu.memory_space<vmem>>, vector<10000x1xf32>
    tpu.vector_store %arg4[%swap3A, %swap3A_20], %add3A_19 {strides = array<i32>} : memref<10000x1xf32, #tpu.memory_space<vmem>>, vector<10000x1xf32>,
    return
  }
}

</mosaic_0001>

<sc_bundles>
// kernel: kernel.10.cloned.1.call-start
scs
__scs_entry_jumppad:
0x0: {  	(pc) =	sbr.rel $0x88, $3  }
0x1: {  	(tag) =	ssettag $0x0;
	lr =	simm.s32 $0x1  }
0x2: {  	[smem:$0x3F99] =	sst lr;
	_ =	strace $0xD0000000  }
0x3: {  	_ = 	snop  }
0x4: {  	_ = 	snop  }
0x5: {  	_ = 	snop  }
0x6: {  	_ = 	snop  }
0x7: {  	_ = 	snop  }
__scs_overlays_trampoline_lowered:
0x8: {  	[smem:$0x3FA8] =	sst s0  }
0x9: {  	[smem:$0x3FA9] =	sst s1  }
0xa: {  	[smem:$0x3FAA] =	sst s2  }
0xb: {  	[smem:$0x3FAB] =	sst s3  }
0xc: {  	[smem:$0x3FAC] =	sst s4  }
0xd: {  	[smem:$0x3FAD] =	sst s5  }
0xe: {  	[smem:$0x3FAE] =	sst s6  }
0xf: {  	[smem:$0x3FAF] =	sst s7  }
0x10: {  	[smem:$0x3FB0] =	sst s8  }
0x11: {  	[smem:$0x3FB1] =	sst s9;
	s0 =	simm.s32 @!p0 $0x0  }
0x12: {  	s1 =	sld [smem:$0x3F97];
	s0 =	simm.s32 @p0 $0x1  }
0x13: {  	[smem:$0x3FB2] =	sst s0;
	s0 =	simm.s32 @!p1 $0x0  }
0x14: {  	s2 =	sld [smem:$0x3F96];
	s0 =	simm.s32 @p1 $0x1  }
0x15: {  	[smem:$0x3FB3] =	sst s0;
	s0 =	simm.s32 @!p2 $0x0  }
0x16: {  	s3 =	sld [smem:$0x3FDB];
	s0 =	simm.s32 @p2 $0x1  }
0x17: {  	s4 =	simm.s32 $0x1BF5;
	[smem:$0x3FB5] =	sst s0  }
0x18: {  	s0 =	sld [smem:$0x3F98];
	_ =	swait.ge [sflag:s4], $0x0  }
0x19: {  	s7 =	sld [smem:$0x3F99]  }
0x1a: {  	s8 =	sadd.s32 $0xFFFFE003, lr  }
0x1b: {  	s9 =	sadd.s32 $0xFFFFFEF7, lr;
	s5 =	simm.s32 $0xFFFFFFFF;
	p2 =	slt.u32 s8, $0xFFFFF086  }
0x1c: {  	p1 =	slt.u32 s9, $0xF7A;
	s5 =	simm.s32 @!p2 $0x0  }
0x1d: {  	s5 =	simm.s32 @p1 $0x1;
	p0 =	seq.s32 s7, s2  }
0x1e: {  	s7 =	smul.u32 @!p0 $0xF7A, s2;
	p2 =	seq.s32 @!p0 s5, $0x0  }
0x1f: {  	s9 =	smul.u32 $0xF7A, s1;
	s8 =	simm.s32 @!p0 $0x1BF5;
	p2 =	por !p2, p0  }
0x20: {  	[sflag:s8] =	ssyncset.s32 @!p0 $0xFFFFF086;
	s6 =	sadd.s32 @!p0 s3, s7;
	s7 =	simm.s32 @!p0 $0x108  }
0x21: {  	s3 =	sadd.s32 s3, s9;
	s6 =	sadd.s32 @!p0 $0x88, s6;
	s7 =	simm.s32 @p2 $0x1082  }
0x22: {  	[simem:s7], [sflag:s8] =	dma.local @!p0 [hbm:s6], $0xF7A  }
0x23: {  	s9 =	sor.u32 $0xD0000000, s2;
	s6 =	simm.s32 $0x108;
	_ =	swait.ge @!p0 [sflag:s8], $0x0  }
0x24: {  	s3 =	sadd.s32 $0x88, s3;
	s6 =	simm.s32 @!p1 $0x1082;
	[sflag:s4] =	ssyncset.s32 $0xFFFFF086  }
0x25: {  	[simem:s6], [sflag:s4] =	dma.local [hbm:s3], $0xF7A  }
0x26: {  	[smem:$0x3F99] =	sst s1;
	(tag) =	ssettag s2;
	_ =	strace s9  }
0x27: {  	s1 =	sld [smem:$0x3FA9]  }
0x28: {  	s2 =	sld [smem:$0x3FAA]  }
0x29: {  	s4 =	sld [smem:$0x3FAC]  }
0x2a: {  	p0 =	seq.s32 s5, $0x0;
	s5 =	sld [smem:$0x3FAD]  }
0x2b: {  	s6 =	sld [smem:$0x3FAE]  }
0x2c: {  	s7 =	sld [smem:$0x3FAF]  }
0x2d: {  	s3 =	simm.s32 $0x108;
	s8 =	sld [smem:$0x3FB0]  }
0x2e: {  	s3 =	simm.s32 @!p0 $0x1082;
	s9 =	sld [smem:$0x3FB1]  }
0x2f: {  	lr =	sadd.s32 s0, s3;
	s0 =	sld [smem:$0x3FA8]  }
0x30: {  	s3 =	sld [smem:$0x3FAB]  }
0x31: {  	[smem:$0x3FB4] =	sst s10  }
0x32: {  	s10 =	sld [smem:$0x3FB2];
	_ =	sdelay $0x3  }
0x33: {  	p0 =	seq.s32 s10, $0x1;
	s10 =	sld [smem:$0x3FB4];
	_ =	sdelay $0x3  }
0x34: {  	[smem:$0x3FB4] =	sst s10  }
0x35: {  	s10 =	sld [smem:$0x3FB3];
	_ =	sdelay $0x3  }
0x36: {  	p1 =	seq.s32 s10, $0x1;
	s10 =	sld [smem:$0x3FB4];
	_ =	sdelay $0x3  }
0x37: {  	[smem:$0x3FB4] =	sst s10  }
0x38: {  	s10 =	sld [smem:$0x3FB5]  }
0x39: {  	_ = 	snop;
	(pc) =	sbr.ind lr, $3  }
0x3a: {  	_ = 	snop  }
0x3b: {  	_ = 	snop  }
0x3c: {  	p2 =	seq.s32 s10, $0x1;
	s10 =	sld [smem:$0x3FB4]  }
0x3d: {  	_ =	shalt  }
0x3e: {  	_ =	shalt  }
0x3f: {  	_ =	shalt  }
0x40: {  	_ =	shalt  }
0x41: {  	_ =	shalt  }
0x42: {  	_ =	shalt  }
0x43: {  	_ =	shalt  }
0x44: {  	_ =	shalt  }
0x45: {  	_ =	shalt  }
0x46: {  	_ =	shalt  }
0x47: {  	_ =	shalt  }
0x48: {  	_ =	shalt  }
0x49: {  	_ =	shalt  }
0x4a: {  	_ =	shalt  }
0x4b: {  	_ =	shalt  }
0x4c: {  	_ =	shalt  }
0x4d: {  	_ =	shalt  }
0x4e: {  	_ =	shalt  }
0x4f: {  	_ =	shalt  }
0x50: {  	_ =	shalt  }
0x51: {  	_ =	shalt  }
0x52: {  	_ =	shalt  }
0x53: {  	_ =	shalt  }
0x54: {  	_ =	shalt  }
0x55: {  	_ =	shalt  }
0x56: {  	_ =	shalt  }
0x57: {  	_ =	shalt  }
0x58: {  	_ =	shalt  }
0x59: {  	_ =	shalt  }
0x5a: {  	_ =	shalt  }
0x5b: {  	_ =	shalt  }
0x5c: {  	_ =	shalt  }
0x5d: {  	_ =	shalt  }
0x5e: {  	_ =	shalt  }
0x5f: {  	_ =	shalt  }
0x60: {  	_ =	shalt  }
0x61: {  	_ =	shalt  }
0x62: {  	_ =	shalt  }
0x63: {  	_ =	shalt  }
0x64: {  	_ =	shalt  }
0x65: {  	_ =	shalt  }
0x66: {  	_ =	shalt  }
0x67: {  	_ =	shalt  }
0x68: {  	_ =	shalt  }
0x69: {  	_ =	shalt  }
0x6a: {  	_ =	shalt  }
0x6b: {  	_ =	shalt  }
0x6c: {  	_ =	shalt  }
0x6d: {  	_ =	shalt  }
0x6e: {  	_ =	shalt  }
0x6f: {  	_ =	shalt  }
0x70: {  	_ =	shalt  }
0x71: {  	_ =	shalt  }
0x72: {  	_ =	shalt  }
0x73: {  	_ =	shalt  }
0x74: {  	_ =	shalt  }
0x75: {  	_ =	shalt  }
0x76: {  	_ =	shalt  }
0x77: {  	_ =	shalt  }
0x78: {  	_ =	shalt  }
0x79: {  	_ =	shalt  }
0x7a: {  	_ =	shalt  }
0x7b: {  	_ =	shalt  }
0x7c: {  	_ =	shalt  }
0x7d: {  	_ =	shalt  }
0x7e: {  	_ =	shalt  }
0x7f: {  	_ =	shalt  }
0x80: {  	_ =	shalt  }
0x81: {  	_ =	shalt  }
0x82: {  	_ =	shalt  }
0x83: {  	_ =	shalt  }
0x84: {  	_ =	shalt  }
0x85: {  	_ =	shalt  }
0x86: {  	_ =	shalt  }
0x87: {  	_ =	shalt  }
.Lfunc_end0:
.L_simem_size_0:
called_computation_lowered:
.L_overlay_start_0:
0x88: {  	s2 =	sld [smem:$0x3FD9]  }
0x89: {  	s3 =	sld [smem:$0x3FFE];
	_ =	sdelay $0x1  }
0x8a: {  	s1 =	srdreg.scid  }
0x8b: {  	s0 =	sand.u32 $0x1, s1  }
0x8c: {  	s16 =	sshll.u32 s0, $0xA;
	s2 =	sadd.s32 s3, s2  }
0x8d: {  	s2 =	sadd.s32 s2, s16  }
0x8e: {  	[smem:$0x3FC0] =	sst s2  }
0x8f: {  	_ = 	snop  }
0x90: {  	(tm) =	ssettm $0x1  }
0x91: {  	s17 =	sld [smem:$0x3FFB];
	_ =	sdelay $0x3  }
0x92: {  	_ =	strace s17  }
0x93: {  	s2 =	sld [smem:$0x3FFC];
	_ =	sdelay $0x3  }
0x94: {  	_ =	strace s2  }
0x95: {  	s2 =	sld [smem:$0x3FFD];
	_ =	sdelay $0x3  }
0x96: {  	_ =	strace s2  }
0x97: {  	_ =	strace $0x8FFFFFFF  }
0x98: {  	s18 =	sld [smem:$0x3FDB];
	_ =	sdelay $0x1  }
0x99: {  	s19 =	simm.s32 $_scs_section_size  }
0x9a: {  	s4 =	simm.s32 $_size__tile_overlayer_lowered;
	s5 =	simm.s32 $_tile_overlayer_lowered  }
0x9b: {  	s22 =	simm.s32 $0x1BFF;
	s21 =	sshll.u32 s5, $0x1;
	s2 =	sadd.s32 s19, s18  }
0x9c: {  	s6 =	simm.s32 $0x0;
	s20 =	sshll.u32 s4, $0x1;
	s4 =	sadd.s32 s21, s2  }
0x9d: {  	[timem:s6], [sflag:s22] =	dma.local [hbm:s4], s20  }
0x9e: {  	_ =	swait.ge [sflag:s22], s20  }
0x9f: {  	s3 =	ssub.s32 $0x0, s20;
	[sflag:s22] =	ssyncset.done $0x0  }
0xa0: {  	[sflag:s22] =	ssyncadd.s32 s3;
	_ =	sdelay $0x1  }
0xa1: {  	s23 =	simm.s32 $0x1B8B  }
0xa2: {  	_ =	swait.ge [sflag:s23], $0x1  }
0xa3: {  	[sflag:s23] =	ssyncset.done $0x0  }
0xa4: {  	s25 =	simm.s32 $0x1B8E;
	s24 =	sld [smem:$0x3FFE];
	[sflag:s23] =	ssyncadd.s32 $0xFFFFFFFF  }
0xa5: {  	s26 =	simm.s32 $execute0_lowered;
	[smem:$0x3FD2] =	sst s25  }
0xa6: {  	s4 =	sshll.u32 s26, $0x1;
	_ =	strace $0x80000046;
	[dreg:$0x1] =	wrdreg $0xFFFFFFFF  }
0xa7: {  	s28 =	simm.s32 $_size_execute0_lowered;
	s2 =	sadd.s32 s2, s4;
	[dreg:$0x0] =	wrdreg $0x0  }
0xa8: {  	s4 =	sshll.u32 s28, $0x1;
	[dreg:$0x2] =	wrdreg s2  }
0xa9: {  	[dreg:$0x3] =	wrdreg s4  }
0xaa: {  	[dreg:$0x4] =	wrdreg $0xC0  }
0xab: {  	_ =	task [dreg:s6], $0x5FFFF  }
0xac: {  	[dreg:$0x1] =	wrdreg $0xFFFFFFFF  }
0xad: {  	[dreg:$0x0] =	wrdreg $0x60  }
0xae: {  	[dreg:$0x2] =	wrdreg s24  }
0xaf: {  	[dreg:$0x3] =	wrdreg $0x9  }
0xb0: {  	_ =	task.clear_ibuf [dreg:s6], $0x4FFFF;
	_ =	strace $0x90000046  }
0xb1: {  	s29 =	simm.s32 $0x9;
	_ =	strace $0x80000048  }
0xb2: {  	_ =	swait.ge [sflag:s29], $0x1  }
0xb3: {  	[sflag:s29] =	ssyncadd.s32 $0xFFFFFFFF  }
0xb4: {  	_ =	strace $0x90000048  }
0xb5: {  	_ =	sfence  }
0xb6: {  	s30 =	sld [smem:$0x0];
	_ =	sdelay $0x2  }
0xb7: {  	s31 =	sshll.u32 s1, $0xD;
	s1 =	sshrl.u32 s1, $0x2  }
0xb8: {  	s3 =	sand.u32 $0x4000, s31;
	s1 =	sadd.s32 s1, s30  }
0xb9: {  	s0 =	sor.u32 s3, s0;
	s1 =	sshll.u32 s1, $0x11  }
0xba: {  	s0 =	sor.u32 s1, s0  }
0xbb: {  	s0 =	sadd.s32 $0x8F2B, s0  }
0xbc: {  	[sflag:s0] =	ssyncadd.remote.s32 $0x1  }
0xbd: {  	_ =	sfence.sel $0xFFFF  }
0xbe: {  	[dreg:$0x0] =	wrdreg $0xFFFFFFFF;
	(pc) =	sbr.abs _section_cstart, $3  }
0xbf: {  	[dreg:$0x1] =	wrdreg $0xFFFFFFFF  }
0xc0: {  	_ =	task.clear_ibuf [dreg:s6], $0x2FFFF;
	_ =	strace $0x9FFFFFFF  }
0xc1: {  	(tm) =	ssettm $0x7FFFFFFF  }
tec
execute0_lowered:
.L_overlay_start_1:
0x0: {  	(tag) =	ssettag $0x1  }
0x1: {  	s0 =	srdreg.scid  }
0x2: {  	s3 =	sand.u32 $0x1, s0  }
0x3: {  	s4 =	rddreg [dreg:$0x0];
	s0 =	stileid.u32;
	s1 =	sshll.u32 s3, $0x4  }
0x4: {  	s2 =	simm.s32 $0x0;
	s8 =	simm.s32 $0x1;
	s1 =	sor.u32 s0, s1  }
0x5: {  	s9 =	simm.s32 $0x2800;
	s10 =	simm.s32 $0x0;
	s5 =	sshrl.u32 s1, $0x3  }
0x6: {  	[smem:$0x7FF] =	sst s2;
	s7 =	sshll.u32 s0, $0x7;
	s6 =	smul.u32 $0x14000, s5  }
0x7: {  	s3 =	ssub.s32 $0x2, s3;
	s7 =	sand.u32 $0x380, s7;
	s5 =	smul.u32 $0x13C00, s5  }
0x8: {  	s31 =	sshrl.u32 s3, $0x1;
	s1 =	rddreg [dreg:$0x1];
	s6 =	sor.u32 s7, s6  }
0x9: {  	_ =	strace $0x80000047;
	s5 =	sor.u32 s7, s5;
	s6 =	sshrl.u32 s6, $0x3  }
0xa: {  	s7 =	simm.s32 $0x400;
	s5 =	sshrl.u32 s5, $0x3;
	s6 =	sadd.s32 s6, s4  }
0xb: {  	s4 =	sadd.s32 s5, s4;
	s5 =	ssub.s32 s3, s31;
	s3 =	sadd.s32 $0xC000, s6  }
0xc: {  	v0 =	vimm.f32 $0.0e+00;
	v1 =	vimm.f32 $1.000000000e+00;
	s4 =	sadd.s32 $0x16000, s4;
	s5 =	smax.u32 s5, $0x1;
	s6 =	simm.s32 $0x80  }
.LBB2_1:
0xd: {  	[tilespmem:s2], [sflag:$0x1] =	stream.strided.gather [hbm4b:s3+s6], $0x2800, s7, s6, $0x38;
	[tilespmem:$0x4F80] =	vst v63  }
0xe: {  	_ =	swait.ge [sflag:s8], $0x2800  }
0xf: {  	[sflag:s8] =	ssyncset.done $0x0  }
0x10: {  	s11 =	simm.s32 $0x0;
	[sflag:s8] =	ssyncadd.s32 $0xFFFFD800  }
.LBB2_2:
0x11: {  	p0 =	sne.s32 s11, $0x9D00  }
.Ltmp0:
0x12: {  	s12 =	sshra.s32 s11, $0x2;
	(pc) =	sbr.rel @p0 .LBB2_2-.Ltmp0, $4  }
0x13: {  	[tilespmem:s12+$0x2800] =	vst v0  }
0x14: {  	[tilespmem:s12+$0x2810] =	vst v0  }
0x15: {  	[tilespmem:s12+$0x2820] =	vst v0  }
0x16: {  	s11 =	sadd.s32 $0x100, s11;
	[tilespmem:s12+$0x2830] =	vst v0  }
0x17: {  	s11 =	simm.s32 $0x0  }
.LBB2_4:
0x18: {  	s12 =	sshra.s32 s11, $0x2  }
0x19: {  	v2 =	vld [tilespmem:s12+$0x0];
	_ =	sdelay $0x7  }
0x1a: {  	[tilespmem:v2+s9+$0x0] =	vst.idx.add.f32.msk $0xffff, v1  }
0x1b: {  	v2 =	vld [tilespmem:s12+$0x10];
	_ =	sdelay $0x7  }
0x1c: {  	[tilespmem:v2+s9+$0x0] =	vst.idx.add.f32.msk $0xffff, v1  }
0x1d: {  	v2 =	vld [tilespmem:s12+$0x20];
	_ =	sdelay $0x7  }
0x1e: {  	[tilespmem:v2+s9+$0x0] =	vst.idx.add.f32.msk $0xffff, v1  }
0x1f: {  	v2 =	vld [tilespmem:s12+$0x30];
	_ =	sdelay $0x2  }
0x20: {  	p0 =	sne.s32 s11, $0x9F00  }
.Ltmp1:
0x21: {  	_ = 	snop;
	(pc) =	sbr.rel @p0 .LBB2_4-.Ltmp1, $2  }
0x22: {  	_ =	sdelay $0x2  }
0x23: {  	s11 =	sadd.s32 $0x100, s11;
	[tilespmem:v2+s9+$0x0] =	vst.idx.add.f32.msk $0xffff, v1  }
0x24: {  	s10 =	sadd.s32 $0x1, s10  }
0x25: {  	p0 =	sne.s32 s10, s5  }
.Ltmp2:
0x26: {  	_ = 	snop;
	(pc) =	sbr.rel @p0 .LBB2_1-.Ltmp2, $4  }
0x27: {  	[hbm4b:s4+s6] =	stream.strided.scatter [tilespmem:s9], [sflag:$0x1], $0x2780, s7, s6, $0x38;
	[tilespmem:$0x4F80] =	vst v63  }
0x28: {  	_ =	swait.ge [sflag:s8], $0x2780  }
0x29: {  	[sflag:s8] =	ssyncset.done $0x0  }
0x2a: {  	[sflag:s8] =	ssyncadd.s32 $0xFFFFD880  }
0x2b: {  	_ =	sfence.sel $0x180000  }
0x2c: {  	[bflag:$0x0] =	sbarrier.arrive $0xFFFF  }
0x2d: {  	p0 =	sne.s32 s0, $0x0;
	_ =	strace $0x90000047  }
0x2e: {  	s0 =	sadd.s32 @!p0 $0x100000, s1;
	[bflag:$0x2] =	sbarrier.arrive $0xFFFF  }
0x2f: {  	[sflag:s0] =	ssyncadd.tile.s32 @!p0 $0x1;
	_ =	shalt  }
.Lfunc_end2:
_tile_overlayer_lowered:
.L_overlay_start_2:
0x30: {  	(tag) =	ssettag $0x2  }
0x31: {  	s0 =	rddreg [dreg:$0x0];
	s2 =	stileid.u32  }
0x32: {  	s1 =	rddreg [dreg:$0x1];
	p0 =	sne.s32 s2, $0x0  }
0x33: {  	s3 =	rddreg [dreg:$0x2];
	[bflag:$0x3] =	sbarrier.arrive $0xFFFF;
	s2 =	simm.s32 @!p0 $0x1C01  }
0x34: {  	[timem:s3], [sflag:s2] =	dma.local @!p0 [hbm:s0], s1  }
0x35: {  	s0 =	simm.s32 @!p0 $0x1  }
0x36: {  	_ =	swait.ge @!p0 [sflag:s0], s1  }
0x37: {  	s1 =	ssub.s32 @!p0 $0x0, s1;
	[sflag:s0] =	ssyncset.done @!p0 $0x0  }
0x38: {  	[sflag:s0] =	ssyncadd.s32 @!p0 s1  }
0x39: {  	[bflag:$0x3] =	sbarrier.arrive $0xFFFF  }
0x3a: {  	_ =	shalt  }

// kernel: kernel.13.cloned.1.call-start
scs
__scs_entry_jumppad:
0x0: {  	(pc) =	sbr.rel $0x88, $3  }
0x1: {  	(tag) =	ssettag $0x0;
	lr =	simm.s32 $0x1  }
0x2: {  	[smem:$0x3F99] =	sst lr;
	_ =	strace $0xD0000000  }
0x3: {  	_ = 	snop  }
0x4: {  	_ = 	snop  }
0x5: {  	_ = 	snop  }
0x6: {  	_ = 	snop  }
0x7: {  	_ = 	snop  }
__scs_overlays_trampoline_lowered:
0x8: {  	[smem:$0x3FA8] =	sst s0  }
0x9: {  	[smem:$0x3FA9] =	sst s1  }
0xa: {  	[smem:$0x3FAA] =	sst s2  }
0xb: {  	[smem:$0x3FAB] =	sst s3  }
0xc: {  	[smem:$0x3FAC] =	sst s4  }
0xd: {  	[smem:$0x3FAD] =	sst s5  }
0xe: {  	[smem:$0x3FAE] =	sst s6  }
0xf: {  	[smem:$0x3FAF] =	sst s7  }
0x10: {  	[smem:$0x3FB0] =	sst s8  }
0x11: {  	[smem:$0x3FB1] =	sst s9;
	s0 =	simm.s32 @!p0 $0x0  }
0x12: {  	s1 =	sld [smem:$0x3F97];
	s0 =	simm.s32 @p0 $0x1  }
0x13: {  	[smem:$0x3FB2] =	sst s0;
	s0 =	simm.s32 @!p1 $0x0  }
0x14: {  	s2 =	sld [smem:$0x3F96];
	s0 =	simm.s32 @p1 $0x1  }
0x15: {  	[smem:$0x3FB3] =	sst s0;
	s0 =	simm.s32 @!p2 $0x0  }
0x16: {  	s3 =	sld [smem:$0x3FDB];
	s0 =	simm.s32 @p2 $0x1  }
0x17: {  	s4 =	simm.s32 $0x1BF5;
	[smem:$0x3FB5] =	sst s0  }
0x18: {  	s0 =	sld [smem:$0x3F98];
	_ =	swait.ge [sflag:s4], $0x0  }
0x19: {  	s7 =	sld [smem:$0x3F99]  }
0x1a: {  	s8 =	sadd.s32 $0xFFFFE003, lr  }
0x1b: {  	s9 =	sadd.s32 $0xFFFFFEF7, lr;
	s5 =	simm.s32 $0xFFFFFFFF;
	p2 =	slt.u32 s8, $0xFFFFF086  }
0x1c: {  	p1 =	slt.u32 s9, $0xF7A;
	s5 =	simm.s32 @!p2 $0x0  }
0x1d: {  	s5 =	simm.s32 @p1 $0x1;
	p0 =	seq.s32 s7, s2  }
0x1e: {  	s7 =	smul.u32 @!p0 $0xF7A, s2;
	p2 =	seq.s32 @!p0 s5, $0x0  }
0x1f: {  	s9 =	smul.u32 $0xF7A, s1;
	s8 =	simm.s32 @!p0 $0x1BF5;
	p2 =	por !p2, p0  }
0x20: {  	[sflag:s8] =	ssyncset.s32 @!p0 $0xFFFFF086;
	s6 =	sadd.s32 @!p0 s3, s7;
	s7 =	simm.s32 @!p0 $0x108  }
0x21: {  	s3 =	sadd.s32 s3, s9;
	s6 =	sadd.s32 @!p0 $0x88, s6;
	s7 =	simm.s32 @p2 $0x1082  }
0x22: {  	[simem:s7], [sflag:s8] =	dma.local @!p0 [hbm:s6], $0xF7A  }
0x23: {  	s9 =	sor.u32 $0xD0000000, s2;
	s6 =	simm.s32 $0x108;
	_ =	swait.ge @!p0 [sflag:s8], $0x0  }
0x24: {  	s3 =	sadd.s32 $0x88, s3;
	s6 =	simm.s32 @!p1 $0x1082;
	[sflag:s4] =	ssyncset.s32 $0xFFFFF086  }
0x25: {  	[simem:s6], [sflag:s4] =	dma.local [hbm:s3], $0xF7A  }
0x26: {  	[smem:$0x3F99] =	sst s1;
	(tag) =	ssettag s2;
	_ =	strace s9  }
0x27: {  	s1 =	sld [smem:$0x3FA9]  }
0x28: {  	s2 =	sld [smem:$0x3FAA]  }
0x29: {  	s4 =	sld [smem:$0x3FAC]  }
0x2a: {  	p0 =	seq.s32 s5, $0x0;
	s5 =	sld [smem:$0x3FAD]  }
0x2b: {  	s6 =	sld [smem:$0x3FAE]  }
0x2c: {  	s7 =	sld [smem:$0x3FAF]  }
0x2d: {  	s3 =	simm.s32 $0x108;
	s8 =	sld [smem:$0x3FB0]  }
0x2e: {  	s3 =	simm.s32 @!p0 $0x1082;
	s9 =	sld [smem:$0x3FB1]  }
0x2f: {  	lr =	sadd.s32 s0, s3;
	s0 =	sld [smem:$0x3FA8]  }
0x30: {  	s3 =	sld [smem:$0x3FAB]  }
0x31: {  	[smem:$0x3FB4] =	sst s10  }
0x32: {  	s10 =	sld [smem:$0x3FB2];
	_ =	sdelay $0x3  }
0x33: {  	p0 =	seq.s32 s10, $0x1;
	s10 =	sld [smem:$0x3FB4];
	_ =	sdelay $0x3  }
0x34: {  	[smem:$0x3FB4] =	sst s10  }
0x35: {  	s10 =	sld [smem:$0x3FB3];
	_ =	sdelay $0x3  }
0x36: {  	p1 =	seq.s32 s10, $0x1;
	s10 =	sld [smem:$0x3FB4];
	_ =	sdelay $0x3  }
0x37: {  	[smem:$0x3FB4] =	sst s10  }
0x38: {  	s10 =	sld [smem:$0x3FB5]  }
0x39: {  	_ = 	snop;
	(pc) =	sbr.ind lr, $3  }
0x3a: {  	_ = 	snop  }
0x3b: {  	_ = 	snop  }
0x3c: {  	p2 =	seq.s32 s10, $0x1;
	s10 =	sld [smem:$0x3FB4]  }
0x3d: {  	_ =	shalt  }
0x3e: {  	_ =	shalt  }
0x3f: {  	_ =	shalt  }
0x40: {  	_ =	shalt  }
0x41: {  	_ =	shalt  }
0x42: {  	_ =	shalt  }
0x43: {  	_ =	shalt  }
0x44: {  	_ =	shalt  }
0x45: {  	_ =	shalt  }
0x46: {  	_ =	shalt  }
0x47: {  	_ =	shalt  }
0x48: {  	_ =	shalt  }
0x49: {  	_ =	shalt  }
0x4a: {  	_ =	shalt  }
0x4b: {  	_ =	shalt  }
0x4c: {  	_ =	shalt  }
0x4d: {  	_ =	shalt  }
0x4e: {  	_ =	shalt  }
0x4f: {  	_ =	shalt  }
0x50: {  	_ =	shalt  }
0x51: {  	_ =	shalt  }
0x52: {  	_ =	shalt  }
0x53: {  	_ =	shalt  }
0x54: {  	_ =	shalt  }
0x55: {  	_ =	shalt  }
0x56: {  	_ =	shalt  }
0x57: {  	_ =	shalt  }
0x58: {  	_ =	shalt  }
0x59: {  	_ =	shalt  }
0x5a: {  	_ =	shalt  }
0x5b: {  	_ =	shalt  }
0x5c: {  	_ =	shalt  }
0x5d: {  	_ =	shalt  }
0x5e: {  	_ =	shalt  }
0x5f: {  	_ =	shalt  }
0x60: {  	_ =	shalt  }
0x61: {  	_ =	shalt  }
0x62: {  	_ =	shalt  }
0x63: {  	_ =	shalt  }
0x64: {  	_ =	shalt  }
0x65: {  	_ =	shalt  }
0x66: {  	_ =	shalt  }
0x67: {  	_ =	shalt  }
0x68: {  	_ =	shalt  }
0x69: {  	_ =	shalt  }
0x6a: {  	_ =	shalt  }
0x6b: {  	_ =	shalt  }
0x6c: {  	_ =	shalt  }
0x6d: {  	_ =	shalt  }
0x6e: {  	_ =	shalt  }
0x6f: {  	_ =	shalt  }
0x70: {  	_ =	shalt  }
0x71: {  	_ =	shalt  }
0x72: {  	_ =	shalt  }
0x73: {  	_ =	shalt  }
0x74: {  	_ =	shalt  }
0x75: {  	_ =	shalt  }
0x76: {  	_ =	shalt  }
0x77: {  	_ =	shalt  }
0x78: {  	_ =	shalt  }
0x79: {  	_ =	shalt  }
0x7a: {  	_ =	shalt  }
0x7b: {  	_ =	shalt  }
0x7c: {  	_ =	shalt  }
0x7d: {  	_ =	shalt  }
0x7e: {  	_ =	shalt  }
0x7f: {  	_ =	shalt  }
0x80: {  	_ =	shalt  }
0x81: {  	_ =	shalt  }
0x82: {  	_ =	shalt  }
0x83: {  	_ =	shalt  }
0x84: {  	_ =	shalt  }
0x85: {  	_ =	shalt  }
0x86: {  	_ =	shalt  }
0x87: {  	_ =	shalt  }
.Lfunc_end0:
.L_simem_size_0:
called_computation.1_lowered:
.L_overlay_start_0:
0x88: {  	s2 =	sld [smem:$0x3FD9]  }
0x89: {  	s3 =	sld [smem:$0x3FFE];
	_ =	sdelay $0x1  }
0x8a: {  	s1 =	srdreg.scid  }
0x8b: {  	s0 =	sand.u32 $0x1, s1  }
0x8c: {  	s16 =	sshll.u32 s0, $0xA;
	s2 =	sadd.s32 s3, s2  }
0x8d: {  	s2 =	sadd.s32 s2, s16  }
0x8e: {  	[smem:$0x3FC0] =	sst s2  }
0x8f: {  	_ = 	snop  }
0x90: {  	(tm) =	ssettm $0x1  }
0x91: {  	s17 =	sld [smem:$0x3FFB];
	_ =	sdelay $0x3  }
0x92: {  	_ =	strace s17  }
0x93: {  	s2 =	sld [smem:$0x3FFC];
	_ =	sdelay $0x3  }
0x94: {  	_ =	strace s2  }
0x95: {  	s2 =	sld [smem:$0x3FFD];
	_ =	sdelay $0x3  }
0x96: {  	_ =	strace s2  }
0x97: {  	_ =	strace $0x8FFFFFFF  }
0x98: {  	s18 =	sld [smem:$0x3FDB];
	_ =	sdelay $0x1  }
0x99: {  	s19 =	simm.s32 $_scs_section_size  }
0x9a: {  	s4 =	simm.s32 $_size__tile_overlayer_lowered;
	s5 =	simm.s32 $_tile_overlayer_lowered  }
0x9b: {  	s22 =	simm.s32 $0x1BFF;
	s21 =	sshll.u32 s5, $0x1;
	s2 =	sadd.s32 s19, s18  }
0x9c: {  	s6 =	simm.s32 $0x0;
	s20 =	sshll.u32 s4, $0x1;
	s4 =	sadd.s32 s21, s2  }
0x9d: {  	[timem:s6], [sflag:s22] =	dma.local [hbm:s4], s20  }
0x9e: {  	_ =	swait.ge [sflag:s22], s20  }
0x9f: {  	s3 =	ssub.s32 $0x0, s20;
	[sflag:s22] =	ssyncset.done $0x0  }
0xa0: {  	[sflag:s22] =	ssyncadd.s32 s3;
	_ =	sdelay $0x1  }
0xa1: {  	s23 =	simm.s32 $0x1B8B  }
0xa2: {  	_ =	swait.ge [sflag:s23], $0x1  }
0xa3: {  	[sflag:s23] =	ssyncset.done $0x0  }
0xa4: {  	s25 =	simm.s32 $0x1B8E;
	s24 =	sld [smem:$0x3FFE];
	[sflag:s23] =	ssyncadd.s32 $0xFFFFFFFF  }
0xa5: {  	s26 =	simm.s32 $execute0_lowered;
	[smem:$0x3FD2] =	sst s25  }
0xa6: {  	s4 =	sshll.u32 s26, $0x1;
	_ =	strace $0x80000049;
	[dreg:$0x1] =	wrdreg $0xFFFFFFFF  }
0xa7: {  	s28 =	simm.s32 $_size_execute0_lowered;
	s2 =	sadd.s32 s2, s4;
	[dreg:$0x0] =	wrdreg $0x0  }
0xa8: {  	s4 =	sshll.u32 s28, $0x1;
	[dreg:$0x2] =	wrdreg s2  }
0xa9: {  	[dreg:$0x3] =	wrdreg s4  }
0xaa: {  	[dreg:$0x4] =	wrdreg $0xC0  }
0xab: {  	_ =	task [dreg:s6], $0x5FFFF  }
0xac: {  	[dreg:$0x1] =	wrdreg $0xFFFFFFFF  }
0xad: {  	[dreg:$0x0] =	wrdreg $0x60  }
0xae: {  	[dreg:$0x2] =	wrdreg s24  }
0xaf: {  	[dreg:$0x3] =	wrdreg $0x140000  }
0xb0: {  	[dreg:$0x4] =	wrdreg $0x9  }
0xb1: {  	_ =	task.clear_ibuf [dreg:s6], $0x5FFFF;
	_ =	strace $0x90000049  }
0xb2: {  	s29 =	simm.s32 $0x9;
	_ =	strace $0x8000004B  }
0xb3: {  	_ =	swait.ge [sflag:s29], $0x1  }
0xb4: {  	[sflag:s29] =	ssyncadd.s32 $0xFFFFFFFF  }
0xb5: {  	_ =	strace $0x9000004B  }
0xb6: {  	_ =	sfence  }
0xb7: {  	s30 =	sld [smem:$0x0];
	_ =	sdelay $0x2  }
0xb8: {  	s31 =	sshll.u32 s1, $0xD;
	s1 =	sshrl.u32 s1, $0x2  }
0xb9: {  	s3 =	sand.u32 $0x4000, s31;
	s1 =	sadd.s32 s1, s30  }
0xba: {  	s0 =	sor.u32 s3, s0;
	s1 =	sshll.u32 s1, $0x11  }
0xbb: {  	s0 =	sor.u32 s1, s0  }
0xbc: {  	s0 =	sadd.s32 $0x8F2B, s0  }
0xbd: {  	[sflag:s0] =	ssyncadd.remote.s32 $0x1  }
0xbe: {  	_ =	sfence.sel $0xFFFF  }
0xbf: {  	[dreg:$0x0] =	wrdreg $0xFFFFFFFF;
	(pc) =	sbr.abs _section_cstart, $3  }
0xc0: {  	[dreg:$0x1] =	wrdreg $0xFFFFFFFF  }
0xc1: {  	_ =	task.clear_ibuf [dreg:s6], $0x2FFFF;
	_ =	strace $0x9FFFFFFF  }
0xc2: {  	(tm) =	ssettm $0x7FFFFFFF  }
0xc3: {  	_ =	shalt  }
tec
execute0_lowered:
.L_overlay_start_1:
0x0: {  	(tag) =	ssettag $0x1  }
0x1: {  	s0 =	srdreg.scid  }
0x2: {  	s1 =	rddreg [dreg:$0x0];
	s10 =	stileid.u32  }
0x3: {  	s2 =	rddreg [dreg:$0x1];
	s3 =	simm.s32 $0x0;
	s13 =	simm.s32 $0x5000  }
0x4: {  	s14 =	simm.s32 $0x1;
	s15 =	simm.s32 $0x2;
	s16 =	simm.s32 $0x80  }
0x5: {  	s17 =	simm.s32 $0xA000;
	s18 =	simm.s32 $0xC000;
	s20 =	simm.s32 $0xE000  }
0x6: {  	s22 =	simm.s32 $0x10000;
	s24 =	simm.s32 $0x12000;
	s5 =	smul.u32 $0xA00, s10  }
0x7: {  	s31 =	simm.s32 $0x5180;
	s0 =	sand.u32 $0x1, s0;
	s6 =	smul.u32 $0x9E00, s10  }
0x8: {  	s19 =	simm.s32 $0x3;
	s21 =	simm.s32 $0x0;
	s4 =	smul.u32 $0x13880, s0  }
0x9: {  	[smem:$0x7FF] =	sst s3;
	s7 =	smul.u32 $0x9E000, s0;
	s0 =	ssub.s32 $0x2, s0  }
0xa: {  	_ =	strace $0x8000004A;
	s8 =	sadd.s32 s5, s1;
	s30 =	sshrl.u32 s0, $0x1  }
0xb: {  	s12 =	sadd.s32 s6, s2;
	s9 =	sadd.s32 s4, s1;
	s29 =	sadd.s32 s6, s7  }
.Ltmp0:
0xc: {  	s4 =	sadd.s32 $0x16000, s1;
	s0 =	ssub.s32 s0, s30;
	(pc) =	sbr.rel .LBB2_1-.Ltmp0, $4  }
0xd: {  	s7 =	sadd.s32 $0x1FE00, s8;
	s8 =	sadd.s32 $0x2000, s8;
	s12 =	sshrl.u32 s12, $0x3  }
0xe: {  	s5 =	sshrl.u32 s29, $0x3;
	s9 =	sadd.s32 $0x78000, s9;
	s11 =	smax.u32 s0, $0x1  }
0xf: {  	s0 =	simm.s32 $0x5200;
	s1 =	sadd.s32 s5, s1;
	s5 =	sshll.u32 s10, $0x6  }
0x10: {  	s6 =	sor.u32 $0x1C02, s5;
	s10 =	sadd.s32 $0x9F200, s1;
	s1 =	simm.s32 $0x400  }
.LBB2_4:
0x11: {  	[spmem:s2] =	stream.indirect.scatter.add.f32 [tilespmem:s22], [sflag:$0x2], $0x40, s26, s16, $0xb8;
	[tilespmem:$0x1DE00] =	vst v63  }
0x12: {  	_ =	swait.ge [sflag:s14], $0x2000  }
0x13: {  	[sflag:s14] =	ssyncset.done $0x0  }
0x14: {  	[sflag:s14] =	ssyncadd.s32 $0xFFFFE000  }
0x15: {  	_ =	swait.ge [sflag:s15], $0x2000  }
0x16: {  	[sflag:s15] =	ssyncset.done $0x0  }
0x17: {  	s23 =	sadd.s32 $0x5480, s25;
	[sflag:s15] =	ssyncadd.s32 $0xFFFFE000  }
0x18: {  	[spmem:s2] =	stream.indirect.scatter.add.f32 [tilespmem:s24], [sflag:$0x2], $0x40, s23, s16, $0xb8;
	[tilespmem:$0x1DE00] =	vst v63  }
0x19: {  	_ =	swait.ge [sflag:s15], $0x2000  }
0x1a: {  	s21 =	sadd.s32 $0x1, s21;
	[sflag:s15] =	ssyncset.done $0x0  }
0x1b: {  	p0 =	sne.s32 s21, s11;
	[sflag:s15] =	ssyncadd.s32 $0xFFFFE000  }
.Ltmp1:
0x1c: {  	s30 =	sor.u32 $0x1C03, s5;
	[bflag:$0x0] =	sbarrier.arrive $0xFFFF;
	(pc) =	sbr.rel @!p0 .LBB2_5-.Ltmp1, $4  }
0x1d: {  	[hbm:s10], [sflag:s30] =	dma.local [spmem:s12], $0x13C0  }
0x1e: {  	_ =	swait.ge [sflag:s19], $0x13C0  }
0x1f: {  	[sflag:s19] =	ssyncset.done $0x0  }
0x20: {  	[sflag:s19] =	ssyncadd.s32 $0xFFFFEC40  }
.LBB2_1:
0x21: {  	[spmem:s12], [sflag:s6] =	dma.local [hbm:s4], $0x13C0  }
0x22: {  	[tilespmem:s3], [sflag:$0x1] =	stream.linear.gather [hbm4b:s7+s3], $0x5000, $0x38;
	[tilespmem:$0x1DE00] =	vst v63  }
0x23: {  	_ = 	snop  }
0x24: {  	[tilespmem:s13], [sflag:$0x1] =	stream.linear.gather [hbm4b:s8+s3], $0x5000, $0x38;
	[tilespmem:$0x1DE00] =	vst v63  }
0x25: {  	_ =	swait.ge [sflag:s14], $0x5000  }
0x26: {  	[sflag:s14] =	ssyncset.done $0x0  }
0x27: {  	[sflag:s14] =	ssyncadd.s32 $0xFFFFB000  }
0x28: {  	_ =	swait.ge [sflag:s14], $0x5000  }
0x29: {  	[sflag:s14] =	ssyncset.done $0x0  }
0x2a: {  	[sflag:s14] =	ssyncadd.s32 $0xFFFFB000  }
0x2b: {  	_ =	swait.ge [sflag:s15], $0x13C0  }
0x2c: {  	[sflag:s15] =	ssyncset.done $0x0  }
0x2d: {  	[sflag:s15] =	ssyncadd.s32 $0xFFFFEC40  }
0x2e: {  	[bflag:$0x0] =	sbarrier.arrive $0xFFFF  }
0x2f: {  	[tilespmem:s17], [sflag:$0x1] =	stream.indirect.gather [hbm4b:s9+s16], $0x40, s3, s16, $0xb8;
	[tilespmem:$0x1DE00] =	vst v63  }
0x30: {  	_ = 	snop  }
0x31: {  	[tilespmem:s18], [sflag:$0x1] =	stream.indirect.gather [hbm4b:s9+s16], $0x40, s16, s16, $0xb8;
	[tilespmem:$0x1DE00] =	vst v63  }
0x32: {  	s23 =	simm.s32 $0x100  }
0x33: {  	[tilespmem:s20], [sflag:$0x1] =	stream.indirect.gather [hbm4b:s9+s16], $0x40, s23, s16, $0xb8;
	[tilespmem:$0x1DE00] =	vst v63  }
0x34: {  	s29 =	simm.s32 $0x180  }
0x35: {  	[tilespmem:s22], [sflag:$0x1] =	stream.indirect.gather [hbm4b:s9+s16], $0x40, s29, s16, $0xb8;
	[tilespmem:$0x1DE00] =	vst v63  }
0x36: {  	_ =	swait.ge [sflag:s14], $0x2000  }
0x37: {  	[sflag:s14] =	ssyncset.done $0x0  }
0x38: {  	s30 =	simm.s32 $0x200;
	[sflag:s14] =	ssyncadd.s32 $0xFFFFE000  }
0x39: {  	[tilespmem:s24], [sflag:$0x1] =	stream.indirect.gather [hbm4b:s9+s16], $0x40, s30, s16, $0xb8;
	[tilespmem:$0x1DE00] =	vst v63  }
0x3a: {  	_ = 	snop  }
0x3b: {  	[spmem:s2] =	stream.indirect.scatter.add.f32 [tilespmem:s17], [sflag:$0x2], $0x40, s13, s16, $0xb8;
	[tilespmem:$0x1DE00] =	vst v63  }
0x3c: {  	_ =	swait.ge [sflag:s14], $0x2000  }
0x3d: {  	[sflag:s14] =	ssyncset.done $0x0  }
0x3e: {  	[sflag:s14] =	ssyncadd.s32 $0xFFFFE000  }
0x3f: {  	_ =	swait.ge [sflag:s15], $0x2000  }
0x40: {  	[sflag:s15] =	ssyncset.done $0x0  }
0x41: {  	s25 =	simm.s32 $0x280;
	[sflag:s15] =	ssyncadd.s32 $0xFFFFE000  }
0x42: {  	[tilespmem:s17], [sflag:$0x1] =	stream.indirect.gather [hbm4b:s9+s16], $0x40, s25, s16, $0xb8;
	[tilespmem:$0x1DE00] =	vst v63  }
0x43: {  	s26 =	simm.s32 $0x5080  }
0x44: {  	[spmem:s2] =	stream.indirect.scatter.add.f32 [tilespmem:s18], [sflag:$0x2], $0x40, s26, s16, $0xb8;
	[tilespmem:$0x1DE00] =	vst v63  }
0x45: {  	_ =	swait.ge [sflag:s14], $0x2000  }
0x46: {  	[sflag:s14] =	ssyncset.done $0x0  }
0x47: {  	[sflag:s14] =	ssyncadd.s32 $0xFFFFE000  }
0x48: {  	_ =	swait.ge [sflag:s15], $0x2000  }
0x49: {  	[sflag:s15] =	ssyncset.done $0x0  }
0x4a: {  	s28 =	simm.s32 $0x300;
	[sflag:s15] =	ssyncadd.s32 $0xFFFFE000  }
0x4b: {  	[tilespmem:s18], [sflag:$0x1] =	stream.indirect.gather [hbm4b:s9+s16], $0x40, s28, s16, $0xb8;
	[tilespmem:$0x1DE00] =	vst v63  }
0x4c: {  	s29 =	simm.s32 $0x5100  }
0x4d: {  	[spmem:s2] =	stream.indirect.scatter.add.f32 [tilespmem:s20], [sflag:$0x2], $0x40, s29, s16, $0xb8;
	[tilespmem:$0x1DE00] =	vst v63  }
0x4e: {  	_ =	swait.ge [sflag:s14], $0x2000  }
0x4f: {  	[sflag:s14] =	ssyncset.done $0x0  }
0x50: {  	[sflag:s14] =	ssyncadd.s32 $0xFFFFE000  }
0x51: {  	_ =	swait.ge [sflag:s15], $0x2000  }
0x52: {  	[sflag:s15] =	ssyncset.done $0x0  }
0x53: {  	s30 =	simm.s32 $0x380;
	[sflag:s15] =	ssyncadd.s32 $0xFFFFE000  }
0x54: {  	[tilespmem:s20], [sflag:$0x1] =	stream.indirect.gather [hbm4b:s9+s16], $0x40, s30, s16, $0xb8;
	[tilespmem:$0x1DE00] =	vst v63  }
0x55: {  	_ = 	snop  }
0x56: {  	[spmem:s2] =	stream.indirect.scatter.add.f32 [tilespmem:s22], [sflag:$0x2], $0x40, s31, s16, $0xb8;
	[tilespmem:$0x1DE00] =	vst v63  }
0x57: {  	_ =	swait.ge [sflag:s14], $0x2000  }
0x58: {  	[sflag:s14] =	ssyncset.done $0x0  }
0x59: {  	[sflag:s14] =	ssyncadd.s32 $0xFFFFE000  }
0x5a: {  	_ =	swait.ge [sflag:s15], $0x2000  }
0x5b: {  	[sflag:s15] =	ssyncset.done $0x0  }
0x5c: {  	[sflag:s15] =	ssyncadd.s32 $0xFFFFE000  }
0x5d: {  	[tilespmem:s22], [sflag:$0x1] =	stream.indirect.gather [hbm4b:s9+s16], $0x40, s1, s16, $0xb8;
	[tilespmem:$0x1DE00] =	vst v63  }
0x5e: {  	s23 =	simm.s32 $0x0  }
0x5f: {  	[spmem:s2] =	stream.indirect.scatter.add.f32 [tilespmem:s24], [sflag:$0x2], $0x40, s0, s16, $0xb8;
	[tilespmem:$0x1DE00] =	vst v63  }
.LBB2_2:
0x60: {  	_ =	swait.ge [sflag:s14], $0x2000  }
0x61: {  	[sflag:s14] =	ssyncset.done $0x0  }
0x62: {  	[sflag:s14] =	ssyncadd.s32 $0xFFFFE000  }
0x63: {  	_ =	swait.ge [sflag:s15], $0x2000  }
0x64: {  	s25 =	sshra.s32 s23, $0x2;
	[sflag:s15] =	ssyncset.done $0x0  }
0x65: {  	s26 =	sadd.s32 $0x480, s25;
	[sflag:s15] =	ssyncadd.s32 $0xFFFFE000  }
0x66: {  	[tilespmem:s24], [sflag:$0x1] =	stream.indirect.gather [hbm4b:s9+s16], $0x40, s26, s16, $0xb8;
	[tilespmem:$0x1DE00] =	vst v63  }
0x67: {  	s29 =	sadd.s32 $0x5280, s25  }
0x68: {  	[spmem:s2] =	stream.indirect.scatter.add.f32 [tilespmem:s17], [sflag:$0x2], $0x40, s29, s16, $0xb8;
	[tilespmem:$0x1DE00] =	vst v63  }
0x69: {  	_ =	swait.ge [sflag:s14], $0x2000  }
0x6a: {  	[sflag:s14] =	ssyncset.done $0x0  }
0x6b: {  	[sflag:s14] =	ssyncadd.s32 $0xFFFFE000  }
0x6c: {  	p0 =	seq.s32 s23, $0x12C00;
	_ =	swait.ge [sflag:s15], $0x2000  }
0x6d: {  	s28 =	simm.s32 @p0 $0x80;
	s26 =	sshra.s32 @p0 s23, $0x2;
	[sflag:s15] =	ssyncset.done $0x0  }
0x6e: {  	s26 =	sadd.s32 @p0 $0x5300, s26;
	s29 =	simm.s32 @p0 $0xC000;
	[sflag:s15] =	ssyncadd.s32 $0xFFFFE000  }
0x6f: {  	[spmem:s2] =	stream.indirect.scatter.add.f32 @p0 [tilespmem:s29], [sflag:$0x2], $0x40, s26, s28, $0xb8;
	[tilespmem:$0x1DE00] =	vst v63  }
0x70: {  	s26 =	simm.s32 @p0 $0x1  }
0x71: {  	_ =	swait.ge @p0 [sflag:s26], $0x2000  }
0x72: {  	[sflag:s26] =	ssyncset.done @p0 $0x0  }
0x73: {  	[sflag:s26] =	ssyncadd.s32 @p0 $0xFFFFE000;
	s26 =	simm.s32 @p0 $0x2  }
0x74: {  	_ =	swait.ge @p0 [sflag:s26], $0x2000  }
0x75: {  	[sflag:s26] =	ssyncset.done @p0 $0x0  }
0x76: {  	[sflag:s26] =	ssyncadd.s32 @p0 $0xFFFFE000;
	s26 =	sshra.s32 @!p0 s23, $0x2  }
0x77: {  	s30 =	simm.s32 @!p0 $0xA000;
	s29 =	simm.s32 @!p0 $0x80;
	s28 =	sadd.s32 @!p0 $0x500, s26  }
0x78: {  	[tilespmem:s30], [sflag:$0x1] =	stream.indirect.gather @!p0 [hbm4b:s9+s29], $0x40, s28, s29, $0xb8;
	[tilespmem:$0x1DE00] =	vst v63  }
0x79: {  	s28 =	sadd.s32 @!p0 $0x5300, s26;
	s30 =	simm.s32 @!p0 $0xC000  }
0x7a: {  	[spmem:s2] =	stream.indirect.scatter.add.f32 @!p0 [tilespmem:s30], [sflag:$0x2], $0x40, s28, s29, $0xb8;
	[tilespmem:$0x1DE00] =	vst v63  }
0x7b: {  	s28 =	simm.s32 @!p0 $0x1  }
0x7c: {  	_ =	swait.ge @!p0 [sflag:s28], $0x2000  }
0x7d: {  	[sflag:s28] =	ssyncset.done @!p0 $0x0  }
0x7e: {  	[sflag:s28] =	ssyncadd.s32 @!p0 $0xFFFFE000;
	s28 =	simm.s32 @!p0 $0x2  }
0x7f: {  	_ =	swait.ge @!p0 [sflag:s28], $0x2000  }
0x80: {  	[sflag:s28] =	ssyncset.done @!p0 $0x0  }
0x81: {  	s26 =	sadd.s32 @!p0 $0x580, s26;
	[sflag:s28] =	ssyncadd.s32 @!p0 $0xFFFFE000  }
0x82: {  	[tilespmem:s30], [sflag:$0x1] =	stream.indirect.gather @!p0 [hbm4b:s9+s29], $0x40, s26, s29, $0xb8;
	[tilespmem:$0x1DE00] =	vst v63  }
0x83: {  	s30 =	sadd.s32 $0x5380, s25  }
0x84: {  	[spmem:s2] =	stream.indirect.scatter.add.f32 [tilespmem:s20], [sflag:$0x2], $0x40, s30, s16, $0xb8;
	[tilespmem:$0x1DE00] =	vst v63  }
0x85: {  	_ =	swait.ge [sflag:s14], $0x2000  }
.Ltmp2:
0x86: {  	[sflag:s14] =	ssyncset.done $0x0;
	(pc) =	sbr.rel @p0 .LBB2_4-.Ltmp2, $4  }
0x87: {  	[sflag:s14] =	ssyncadd.s32 $0xFFFFE000  }
0x88: {  	_ =	swait.ge [sflag:s15], $0x2000  }
0x89: {  	[sflag:s15] =	ssyncset.done $0x0  }
0x8a: {  	s26 =	sadd.s32 $0x5400, s25;
	[sflag:s15] =	ssyncadd.s32 $0xFFFFE000  }
0x8b: {  	s28 =	sadd.s32 $0x600, s25  }
0x8c: {  	[tilespmem:s20], [sflag:$0x1] =	stream.indirect.gather [hbm4b:s9+s16], $0x40, s28, s16, $0xb8;
	[tilespmem:$0x1DE00] =	vst v63  }
0x8d: {  	_ = 	snop  }
0x8e: {  	[spmem:s2] =	stream.indirect.scatter.add.f32 [tilespmem:s22], [sflag:$0x2], $0x40, s26, s16, $0xb8;
	[tilespmem:$0x1DE00] =	vst v63  }
0x8f: {  	_ =	swait.ge [sflag:s14], $0x2000  }
0x90: {  	[sflag:s14] =	ssyncset.done $0x0  }
0x91: {  	[sflag:s14] =	ssyncadd.s32 $0xFFFFE000  }
0x92: {  	_ =	swait.ge [sflag:s15], $0x2000  }
.Ltmp3:
0x93: {  	[sflag:s15] =	ssyncset.done $0x0;
	(pc) =	sbr.rel .LBB2_2-.Ltmp3, $4  }
0x94: {  	s29 =	sadd.s32 $0x680, s25;
	[sflag:s15] =	ssyncadd.s32 $0xFFFFE000  }
0x95: {  	[tilespmem:s22], [sflag:$0x1] =	stream.indirect.gather [hbm4b:s9+s16], $0x40, s29, s16, $0xb8;
	[tilespmem:$0x1DE00] =	vst v63  }
0x96: {  	s30 =	sadd.s32 $0x5480, s25;
	s23 =	sadd.s32 $0xA00, s23  }
0x97: {  	[spmem:s2] =	stream.indirect.scatter.add.f32 [tilespmem:s24], [sflag:$0x2], $0x40, s30, s16, $0xb8;
	[tilespmem:$0x1DE00] =	vst v63  }
.LBB2_5:
0x98: {  	_ =	sfence.sel $0x180000  }
0x99: {  	[bflag:$0x0] =	sbarrier.arrive $0xFFFF  }
0x9a: {  	_ =	strace $0x9000004A  }
0x9b: {  	s0 =	stileid.u32;
	[bflag:$0x2] =	sbarrier.arrive $0xFFFF  }
0x9c: {  	p0 =	sne.s32 s0, $0x0;
	s0 =	rddreg [dreg:$0x2]  }
0x9d: {  	s0 =	sadd.s32 @!p0 $0x100000, s0  }
0x9e: {  	[sflag:s0] =	ssyncadd.tile.s32 @!p0 $0x1;
	_ =	shalt  }
.Lfunc_end2:
_tile_overlayer_lowered:
.L_overlay_start_2:
0x9f: {  	(tag) =	ssettag $0x2  }
0xa0: {  	s0 =	rddreg [dreg:$0x0];
	s2 =	stileid.u32  }
0xa1: {  	s1 =	rddreg [dreg:$0x1];
	p0 =	sne.s32 s2, $0x0  }
0xa2: {  	s3 =	rddreg [dreg:$0x2];
	[bflag:$0x3] =	sbarrier.arrive $0xFFFF;
	s2 =	simm.s32 @!p0 $0x1C03  }
0xa3: {  	[timem:s3], [sflag:s2] =	dma.local @!p0 [hbm:s0], s1  }
0xa4: {  	s0 =	simm.s32 @!p0 $0x3  }
0xa5: {  	_ =	swait.ge @!p0 [sflag:s0], s1  }
0xa6: {  	s1 =	ssub.s32 @!p0 $0x0, s1;
	[sflag:s0] =	ssyncset.done @!p0 $0x0  }
0xa7: {  	[sflag:s0] =	ssyncadd.s32 @!p0 s1  }
0xa8: {  	[bflag:$0x3] =	sbarrier.arrive $0xFFFF  }
0xa9: {  	_ =	shalt  }

// kernel: kernel.16.cloned.1.call-start
scs
__scs_entry_jumppad:
0x0: {  	(pc) =	sbr.rel $0x88, $3  }
0x1: {  	(tag) =	ssettag $0x0;
	lr =	simm.s32 $0x1  }
0x2: {  	[smem:$0x3F99] =	sst lr;
	_ =	strace $0xD0000000  }
0x3: {  	_ = 	snop  }
0x4: {  	_ = 	snop  }
0x5: {  	_ = 	snop  }
0x6: {  	_ = 	snop  }
0x7: {  	_ = 	snop  }
__scs_overlays_trampoline_lowered:
0x8: {  	[smem:$0x3FA8] =	sst s0  }
0x9: {  	[smem:$0x3FA9] =	sst s1  }
0xa: {  	[smem:$0x3FAA] =	sst s2  }
0xb: {  	[smem:$0x3FAB] =	sst s3  }
0xc: {  	[smem:$0x3FAC] =	sst s4  }
0xd: {  	[smem:$0x3FAD] =	sst s5  }
0xe: {  	[smem:$0x3FAE] =	sst s6  }
0xf: {  	[smem:$0x3FAF] =	sst s7  }
0x10: {  	[smem:$0x3FB0] =	sst s8  }
0x11: {  	[smem:$0x3FB1] =	sst s9;
	s0 =	simm.s32 @!p0 $0x0  }
0x12: {  	s1 =	sld [smem:$0x3F97];
	s0 =	simm.s32 @p0 $0x1  }
0x13: {  	[smem:$0x3FB2] =	sst s0;
	s0 =	simm.s32 @!p1 $0x0  }
0x14: {  	s2 =	sld [smem:$0x3F96];
	s0 =	simm.s32 @p1 $0x1  }
0x15: {  	[smem:$0x3FB3] =	sst s0;
	s0 =	simm.s32 @!p2 $0x0  }
0x16: {  	s3 =	sld [smem:$0x3FDB];
	s0 =	simm.s32 @p2 $0x1  }
0x17: {  	s4 =	simm.s32 $0x1BF5;
	[smem:$0x3FB5] =	sst s0  }
0x18: {  	s0 =	sld [smem:$0x3F98];
	_ =	swait.ge [sflag:s4], $0x0  }
0x19: {  	s7 =	sld [smem:$0x3F99]  }
0x1a: {  	s8 =	sadd.s32 $0xFFFFE003, lr  }
0x1b: {  	s9 =	sadd.s32 $0xFFFFFEF7, lr;
	s5 =	simm.s32 $0xFFFFFFFF;
	p2 =	slt.u32 s8, $0xFFFFF086  }
0x1c: {  	p1 =	slt.u32 s9, $0xF7A;
	s5 =	simm.s32 @!p2 $0x0  }
0x1d: {  	s5 =	simm.s32 @p1 $0x1;
	p0 =	seq.s32 s7, s2  }
0x1e: {  	s7 =	smul.u32 @!p0 $0xF7A, s2;
	p2 =	seq.s32 @!p0 s5, $0x0  }
0x1f: {  	s9 =	smul.u32 $0xF7A, s1;
	s8 =	simm.s32 @!p0 $0x1BF5;
	p2 =	por !p2, p0  }
0x20: {  	[sflag:s8] =	ssyncset.s32 @!p0 $0xFFFFF086;
	s6 =	sadd.s32 @!p0 s3, s7;
	s7 =	simm.s32 @!p0 $0x108  }
0x21: {  	s3 =	sadd.s32 s3, s9;
	s6 =	sadd.s32 @!p0 $0x88, s6;
	s7 =	simm.s32 @p2 $0x1082  }
0x22: {  	[simem:s7], [sflag:s8] =	dma.local @!p0 [hbm:s6], $0xF7A  }
0x23: {  	s9 =	sor.u32 $0xD0000000, s2;
	s6 =	simm.s32 $0x108;
	_ =	swait.ge @!p0 [sflag:s8], $0x0  }
0x24: {  	s3 =	sadd.s32 $0x88, s3;
	s6 =	simm.s32 @!p1 $0x1082;
	[sflag:s4] =	ssyncset.s32 $0xFFFFF086  }
0x25: {  	[simem:s6], [sflag:s4] =	dma.local [hbm:s3], $0xF7A  }
0x26: {  	[smem:$0x3F99] =	sst s1;
	(tag) =	ssettag s2;
	_ =	strace s9  }
0x27: {  	s1 =	sld [smem:$0x3FA9]  }
0x28: {  	s2 =	sld [smem:$0x3FAA]  }
0x29: {  	s4 =	sld [smem:$0x3FAC]  }
0x2a: {  	p0 =	seq.s32 s5, $0x0;
	s5 =	sld [smem:$0x3FAD]  }
0x2b: {  	s6 =	sld [smem:$0x3FAE]  }
0x2c: {  	s7 =	sld [smem:$0x3FAF]  }
0x2d: {  	s3 =	simm.s32 $0x108;
	s8 =	sld [smem:$0x3FB0]  }
0x2e: {  	s3 =	simm.s32 @!p0 $0x1082;
	s9 =	sld [smem:$0x3FB1]  }
0x2f: {  	lr =	sadd.s32 s0, s3;
	s0 =	sld [smem:$0x3FA8]  }
0x30: {  	s3 =	sld [smem:$0x3FAB]  }
0x31: {  	[smem:$0x3FB4] =	sst s10  }
0x32: {  	s10 =	sld [smem:$0x3FB2];
	_ =	sdelay $0x3  }
0x33: {  	p0 =	seq.s32 s10, $0x1;
	s10 =	sld [smem:$0x3FB4];
	_ =	sdelay $0x3  }
0x34: {  	[smem:$0x3FB4] =	sst s10  }
0x35: {  	s10 =	sld [smem:$0x3FB3];
	_ =	sdelay $0x3  }
0x36: {  	p1 =	seq.s32 s10, $0x1;
	s10 =	sld [smem:$0x3FB4];
	_ =	sdelay $0x3  }
0x37: {  	[smem:$0x3FB4] =	sst s10  }
0x38: {  	s10 =	sld [smem:$0x3FB5]  }
0x39: {  	_ = 	snop;
	(pc) =	sbr.ind lr, $3  }
0x3a: {  	_ = 	snop  }
0x3b: {  	_ = 	snop  }
0x3c: {  	p2 =	seq.s32 s10, $0x1;
	s10 =	sld [smem:$0x3FB4]  }
0x3d: {  	_ =	shalt  }
0x3e: {  	_ =	shalt  }
0x3f: {  	_ =	shalt  }
0x40: {  	_ =	shalt  }
0x41: {  	_ =	shalt  }
0x42: {  	_ =	shalt  }
0x43: {  	_ =	shalt  }
0x44: {  	_ =	shalt  }
0x45: {  	_ =	shalt  }
0x46: {  	_ =	shalt  }
0x47: {  	_ =	shalt  }
0x48: {  	_ =	shalt  }
0x49: {  	_ =	shalt  }
0x4a: {  	_ =	shalt  }
0x4b: {  	_ =	shalt  }
0x4c: {  	_ =	shalt  }
0x4d: {  	_ =	shalt  }
0x4e: {  	_ =	shalt  }
0x4f: {  	_ =	shalt  }
0x50: {  	_ =	shalt  }
0x51: {  	_ =	shalt  }
0x52: {  	_ =	shalt  }
0x53: {  	_ =	shalt  }
0x54: {  	_ =	shalt  }
0x55: {  	_ =	shalt  }
0x56: {  	_ =	shalt  }
0x57: {  	_ =	shalt  }
0x58: {  	_ =	shalt  }
0x59: {  	_ =	shalt  }
0x5a: {  	_ =	shalt  }
0x5b: {  	_ =	shalt  }
0x5c: {  	_ =	shalt  }
0x5d: {  	_ =	shalt  }
0x5e: {  	_ =	shalt  }
0x5f: {  	_ =	shalt  }
0x60: {  	_ =	shalt  }
0x61: {  	_ =	shalt  }
0x62: {  	_ =	shalt  }
0x63: {  	_ =	shalt  }
0x64: {  	_ =	shalt  }
0x65: {  	_ =	shalt  }
0x66: {  	_ =	shalt  }
0x67: {  	_ =	shalt  }
0x68: {  	_ =	shalt  }
0x69: {  	_ =	shalt  }
0x6a: {  	_ =	shalt  }
0x6b: {  	_ =	shalt  }
0x6c: {  	_ =	shalt  }
0x6d: {  	_ =	shalt  }
0x6e: {  	_ =	shalt  }
0x6f: {  	_ =	shalt  }
0x70: {  	_ =	shalt  }
0x71: {  	_ =	shalt  }
0x72: {  	_ =	shalt  }
0x73: {  	_ =	shalt  }
0x74: {  	_ =	shalt  }
0x75: {  	_ =	shalt  }
0x76: {  	_ =	shalt  }
0x77: {  	_ =	shalt  }
0x78: {  	_ =	shalt  }
0x79: {  	_ =	shalt  }
0x7a: {  	_ =	shalt  }
0x7b: {  	_ =	shalt  }
0x7c: {  	_ =	shalt  }
0x7d: {  	_ =	shalt  }
0x7e: {  	_ =	shalt  }
0x7f: {  	_ =	shalt  }
0x80: {  	_ =	shalt  }
0x81: {  	_ =	shalt  }
0x82: {  	_ =	shalt  }
0x83: {  	_ =	shalt  }
0x84: {  	_ =	shalt  }
0x85: {  	_ =	shalt  }
0x86: {  	_ =	shalt  }
0x87: {  	_ =	shalt  }
.Lfunc_end0:
.L_simem_size_0:
called_computation.2_lowered:
.L_overlay_start_0:
0x88: {  	s2 =	sld [smem:$0x3FD9]  }
0x89: {  	s3 =	sld [smem:$0x3FFE];
	_ =	sdelay $0x1  }
0x8a: {  	s1 =	srdreg.scid  }
0x8b: {  	s0 =	sand.u32 $0x1, s1  }
0x8c: {  	s16 =	sshll.u32 s0, $0xA;
	s2 =	sadd.s32 s3, s2  }
0x8d: {  	s2 =	sadd.s32 s2, s16  }
0x8e: {  	[smem:$0x3FC0] =	sst s2  }
0x8f: {  	_ = 	snop  }
0x90: {  	(tm) =	ssettm $0x1  }
0x91: {  	s17 =	sld [smem:$0x3FFB];
	_ =	sdelay $0x3  }
0x92: {  	_ =	strace s17  }
0x93: {  	s2 =	sld [smem:$0x3FFC];
	_ =	sdelay $0x3  }
0x94: {  	_ =	strace s2  }
0x95: {  	s2 =	sld [smem:$0x3FFD];
	_ =	sdelay $0x3  }
0x96: {  	_ =	strace s2  }
0x97: {  	_ =	strace $0x8FFFFFFF  }
0x98: {  	s18 =	sld [smem:$0x3FDB];
	_ =	sdelay $0x1  }
0x99: {  	s19 =	simm.s32 $_scs_section_size  }
0x9a: {  	s4 =	simm.s32 $_size__tile_overlayer_lowered;
	s5 =	simm.s32 $_tile_overlayer_lowered  }
0x9b: {  	s22 =	simm.s32 $0x1BFF;
	s21 =	sshll.u32 s5, $0x1;
	s2 =	sadd.s32 s19, s18  }
0x9c: {  	s6 =	simm.s32 $0x0;
	s20 =	sshll.u32 s4, $0x1;
	s4 =	sadd.s32 s21, s2  }
0x9d: {  	[timem:s6], [sflag:s22] =	dma.local [hbm:s4], s20  }
0x9e: {  	_ =	swait.ge [sflag:s22], s20  }
0x9f: {  	s3 =	ssub.s32 $0x0, s20;
	[sflag:s22] =	ssyncset.done $0x0  }
0xa0: {  	[sflag:s22] =	ssyncadd.s32 s3;
	_ =	sdelay $0x1  }
0xa1: {  	s23 =	simm.s32 $0x1B8B  }
0xa2: {  	_ =	swait.ge [sflag:s23], $0x1  }
0xa3: {  	[sflag:s23] =	ssyncset.done $0x0  }
0xa4: {  	s25 =	simm.s32 $0x1B8E;
	s24 =	sld [smem:$0x3FFE];
	[sflag:s23] =	ssyncadd.s32 $0xFFFFFFFF  }
0xa5: {  	s26 =	simm.s32 $execute0_lowered;
	[smem:$0x3FD2] =	sst s25  }
0xa6: {  	s4 =	sshll.u32 s26, $0x1;
	_ =	strace $0x8000004C;
	[dreg:$0x1] =	wrdreg $0xFFFFFFFF  }
0xa7: {  	s28 =	simm.s32 $_size_execute0_lowered;
	s2 =	sadd.s32 s2, s4;
	[dreg:$0x0] =	wrdreg $0x0  }
0xa8: {  	s4 =	sshll.u32 s28, $0x1;
	[dreg:$0x2] =	wrdreg s2  }
0xa9: {  	[dreg:$0x3] =	wrdreg s4  }
0xaa: {  	[dreg:$0x4] =	wrdreg $0xC0  }
0xab: {  	_ =	task [dreg:s6], $0x5FFFF  }
0xac: {  	[dreg:$0x1] =	wrdreg $0xFFFFFFFF  }
0xad: {  	[dreg:$0x0] =	wrdreg $0x60  }
0xae: {  	[dreg:$0x2] =	wrdreg s24  }
0xaf: {  	[dreg:$0x3] =	wrdreg $0x140000  }
0xb0: {  	[dreg:$0x4] =	wrdreg $0x9  }
0xb1: {  	_ =	task.clear_ibuf [dreg:s6], $0x5FFFF;
	_ =	strace $0x9000004C  }
0xb2: {  	s29 =	simm.s32 $0x9;
	_ =	strace $0x8000004E  }
0xb3: {  	_ =	swait.ge [sflag:s29], $0x1  }
0xb4: {  	[sflag:s29] =	ssyncadd.s32 $0xFFFFFFFF  }
0xb5: {  	_ =	strace $0x9000004E  }
0xb6: {  	_ =	sfence  }
0xb7: {  	s30 =	sld [smem:$0x0];
	_ =	sdelay $0x2  }
0xb8: {  	s31 =	sshll.u32 s1, $0xD;
	s1 =	sshrl.u32 s1, $0x2  }
0xb9: {  	s3 =	sand.u32 $0x4000, s31;
	s1 =	sadd.s32 s1, s30  }
0xba: {  	s0 =	sor.u32 s3, s0;
	s1 =	sshll.u32 s1, $0x11  }
0xbb: {  	s0 =	sor.u32 s1, s0  }
0xbc: {  	s0 =	sadd.s32 $0x8F2B, s0  }
0xbd: {  	[sflag:s0] =	ssyncadd.remote.s32 $0x1  }
0xbe: {  	_ =	sfence.sel $0xFFFF  }
0xbf: {  	[dreg:$0x0] =	wrdreg $0xFFFFFFFF;
	(pc) =	sbr.abs _section_cstart, $3  }
0xc0: {  	[dreg:$0x1] =	wrdreg $0xFFFFFFFF  }
0xc1: {  	_ =	task.clear_ibuf [dreg:s6], $0x2FFFF;
	_ =	strace $0x9FFFFFFF  }
0xc2: {  	(tm) =	ssettm $0x7FFFFFFF  }
0xc3: {  	_ =	shalt  }
tec
execute0_lowered:
.L_overlay_start_1:
0x0: {  	(tag) =	ssettag $0x1  }
0x1: {  	s0 =	srdreg.scid  }
0x2: {  	s1 =	rddreg [dreg:$0x0];
	s10 =	stileid.u32  }
0x3: {  	s2 =	rddreg [dreg:$0x1];
	s3 =	simm.s32 $0x0;
	s13 =	simm.s32 $0x5000  }
0x4: {  	s14 =	simm.s32 $0x1;
	s15 =	simm.s32 $0x2;
	s16 =	simm.s32 $0x80  }
0x5: {  	s17 =	simm.s32 $0xA000;
	s18 =	simm.s32 $0xC000;
	s20 =	simm.s32 $0xE000  }
0x6: {  	s22 =	simm.s32 $0x10000;
	s24 =	simm.s32 $0x12000;
	s5 =	smul.u32 $0xA00, s10  }
0x7: {  	s31 =	simm.s32 $0x5180;
	s0 =	sand.u32 $0x1, s0;
	s6 =	smul.u32 $0x9E00, s10  }
0x8: {  	s19 =	simm.s32 $0x3;
	s21 =	simm.s32 $0x0;
	s4 =	smul.u32 $0x13880, s0  }
0x9: {  	[smem:$0x7FF] =	sst s3;
	s7 =	smul.u32 $0x9E000, s0;
	s0 =	ssub.s32 $0x2, s0  }
0xa: {  	_ =	strace $0x8000004D;
	s8 =	sadd.s32 s5, s1;
	s30 =	sshrl.u32 s0, $0x1  }
0xb: {  	s12 =	sadd.s32 s6, s2;
	s9 =	sadd.s32 s4, s1;
	s29 =	sadd.s32 s6, s7  }
.Ltmp0:
0xc: {  	s4 =	sadd.s32 $0x16000, s1;
	s0 =	ssub.s32 s0, s30;
	(pc) =	sbr.rel .LBB2_1-.Ltmp0, $4  }
0xd: {  	s7 =	sadd.s32 $0x1FE00, s8;
	s8 =	sadd.s32 $0x2000, s8;
	s12 =	sshrl.u32 s12, $0x3  }
0xe: {  	s5 =	sshrl.u32 s29, $0x3;
	s9 =	sadd.s32 $0x29E00, s9;
	s11 =	smax.u32 s0, $0x1  }
0xf: {  	s0 =	simm.s32 $0x5200;
	s1 =	sadd.s32 s5, s1;
	s5 =	sshll.u32 s10, $0x6  }
0x10: {  	s6 =	sor.u32 $0x1C02, s5;
	s10 =	sadd.s32 $0x51000, s1;
	s1 =	simm.s32 $0x400  }
.LBB2_4:
0x11: {  	[spmem:s2] =	stream.indirect.scatter.add.f32 [tilespmem:s22], [sflag:$0x2], $0x40, s26, s16, $0xb8;
	[tilespmem:$0x1DE00] =	vst v63  }
0x12: {  	_ =	swait.ge [sflag:s14], $0x2000  }
0x13: {  	[sflag:s14] =	ssyncset.done $0x0  }
0x14: {  	[sflag:s14] =	ssyncadd.s32 $0xFFFFE000  }
0x15: {  	_ =	swait.ge [sflag:s15], $0x2000  }
0x16: {  	[sflag:s15] =	ssyncset.done $0x0  }
0x17: {  	s23 =	sadd.s32 $0x5480, s25;
	[sflag:s15] =	ssyncadd.s32 $0xFFFFE000  }
0x18: {  	[spmem:s2] =	stream.indirect.scatter.add.f32 [tilespmem:s24], [sflag:$0x2], $0x40, s23, s16, $0xb8;
	[tilespmem:$0x1DE00] =	vst v63  }
0x19: {  	_ =	swait.ge [sflag:s15], $0x2000  }
0x1a: {  	s21 =	sadd.s32 $0x1, s21;
	[sflag:s15] =	ssyncset.done $0x0  }
0x1b: {  	p0 =	sne.s32 s21, s11;
	[sflag:s15] =	ssyncadd.s32 $0xFFFFE000  }
.Ltmp1:
0x1c: {  	s30 =	sor.u32 $0x1C03, s5;
	[bflag:$0x0] =	sbarrier.arrive $0xFFFF;
	(pc) =	sbr.rel @!p0 .LBB2_5-.Ltmp1, $4  }
0x1d: {  	[hbm:s10], [sflag:s30] =	dma.local [spmem:s12], $0x13C0  }
0x1e: {  	_ =	swait.ge [sflag:s19], $0x13C0  }
0x1f: {  	[sflag:s19] =	ssyncset.done $0x0  }
0x20: {  	[sflag:s19] =	ssyncadd.s32 $0xFFFFEC40  }
.LBB2_1:
0x21: {  	[spmem:s12], [sflag:s6] =	dma.local [hbm:s4], $0x13C0  }
0x22: {  	[tilespmem:s3], [sflag:$0x1] =	stream.linear.gather [hbm4b:s7+s3], $0x5000, $0x38;
	[tilespmem:$0x1DE00] =	vst v63  }
0x23: {  	_ = 	snop  }
0x24: {  	[tilespmem:s13], [sflag:$0x1] =	stream.linear.gather [hbm4b:s8+s3], $0x5000, $0x38;
	[tilespmem:$0x1DE00] =	vst v63  }
0x25: {  	_ =	swait.ge [sflag:s14], $0x5000  }
0x26: {  	[sflag:s14] =	ssyncset.done $0x0  }
0x27: {  	[sflag:s14] =	ssyncadd.s32 $0xFFFFB000  }
0x28: {  	_ =	swait.ge [sflag:s14], $0x5000  }
0x29: {  	[sflag:s14] =	ssyncset.done $0x0  }
0x2a: {  	[sflag:s14] =	ssyncadd.s32 $0xFFFFB000  }
0x2b: {  	_ =	swait.ge [sflag:s15], $0x13C0  }
0x2c: {  	[sflag:s15] =	ssyncset.done $0x0  }
0x2d: {  	[sflag:s15] =	ssyncadd.s32 $0xFFFFEC40  }
0x2e: {  	[bflag:$0x0] =	sbarrier.arrive $0xFFFF  }
0x2f: {  	[tilespmem:s17], [sflag:$0x1] =	stream.indirect.gather [hbm4b:s9+s16], $0x40, s3, s16, $0xb8;
	[tilespmem:$0x1DE00] =	vst v63  }
0x30: {  	_ = 	snop  }
0x31: {  	[tilespmem:s18], [sflag:$0x1] =	stream.indirect.gather [hbm4b:s9+s16], $0x40, s16, s16, $0xb8;
	[tilespmem:$0x1DE00] =	vst v63  }
0x32: {  	s23 =	simm.s32 $0x100  }
0x33: {  	[tilespmem:s20], [sflag:$0x1] =	stream.indirect.gather [hbm4b:s9+s16], $0x40, s23, s16, $0xb8;
	[tilespmem:$0x1DE00] =	vst v63  }
0x34: {  	s29 =	simm.s32 $0x180  }
0x35: {  	[tilespmem:s22], [sflag:$0x1] =	stream.indirect.gather [hbm4b:s9+s16], $0x40, s29, s16, $0xb8;
	[tilespmem:$0x1DE00] =	vst v63  }
0x36: {  	_ =	swait.ge [sflag:s14], $0x2000  }
0x37: {  	[sflag:s14] =	ssyncset.done $0x0  }
0x38: {  	s30 =	simm.s32 $0x200;
	[sflag:s14] =	ssyncadd.s32 $0xFFFFE000  }
0x39: {  	[tilespmem:s24], [sflag:$0x1] =	stream.indirect.gather [hbm4b:s9+s16], $0x40, s30, s16, $0xb8;
	[tilespmem:$0x1DE00] =	vst v63  }
0x3a: {  	_ = 	snop  }
0x3b: {  	[spmem:s2] =	stream.indirect.scatter.add.f32 [tilespmem:s17], [sflag:$0x2], $0x40, s13, s16, $0xb8;
	[tilespmem:$0x1DE00] =	vst v63  }
0x3c: {  	_ =	swait.ge [sflag:s14], $0x2000  }
0x3d: {  	[sflag:s14] =	ssyncset.done $0x0  }
0x3e: {  	[sflag:s14] =	ssyncadd.s32 $0xFFFFE000  }
0x3f: {  	_ =	swait.ge [sflag:s15], $0x2000  }
0x40: {  	[sflag:s15] =	ssyncset.done $0x0  }
0x41: {  	s25 =	simm.s32 $0x280;
	[sflag:s15] =	ssyncadd.s32 $0xFFFFE000  }
0x42: {  	[tilespmem:s17], [sflag:$0x1] =	stream.indirect.gather [hbm4b:s9+s16], $0x40, s25, s16, $0xb8;
	[tilespmem:$0x1DE00] =	vst v63  }
0x43: {  	s26 =	simm.s32 $0x5080  }
0x44: {  	[spmem:s2] =	stream.indirect.scatter.add.f32 [tilespmem:s18], [sflag:$0x2], $0x40, s26, s16, $0xb8;
	[tilespmem:$0x1DE00] =	vst v63  }
0x45: {  	_ =	swait.ge [sflag:s14], $0x2000  }
0x46: {  	[sflag:s14] =	ssyncset.done $0x0  }
0x47: {  	[sflag:s14] =	ssyncadd.s32 $0xFFFFE000  }
0x48: {  	_ =	swait.ge [sflag:s15], $0x2000  }
0x49: {  	[sflag:s15] =	ssyncset.done $0x0  }
0x4a: {  	s28 =	simm.s32 $0x300;
	[sflag:s15] =	ssyncadd.s32 $0xFFFFE000  }
0x4b: {  	[tilespmem:s18], [sflag:$0x1] =	stream.indirect.gather [hbm4b:s9+s16], $0x40, s28, s16, $0xb8;
	[tilespmem:$0x1DE00] =	vst v63  }
0x4c: {  	s29 =	simm.s32 $0x5100  }
0x4d: {  	[spmem:s2] =	stream.indirect.scatter.add.f32 [tilespmem:s20], [sflag:$0x2], $0x40, s29, s16, $0xb8;
	[tilespmem:$0x1DE00] =	vst v63  }
0x4e: {  	_ =	swait.ge [sflag:s14], $0x2000  }
0x4f: {  	[sflag:s14] =	ssyncset.done $0x0  }
0x50: {  	[sflag:s14] =	ssyncadd.s32 $0xFFFFE000  }
0x51: {  	_ =	swait.ge [sflag:s15], $0x2000  }
0x52: {  	[sflag:s15] =	ssyncset.done $0x0  }
0x53: {  	s30 =	simm.s32 $0x380;
	[sflag:s15] =	ssyncadd.s32 $0xFFFFE000  }
0x54: {  	[tilespmem:s20], [sflag:$0x1] =	stream.indirect.gather [hbm4b:s9+s16], $0x40, s30, s16, $0xb8;
	[tilespmem:$0x1DE00] =	vst v63  }
0x55: {  	_ = 	snop  }
0x56: {  	[spmem:s2] =	stream.indirect.scatter.add.f32 [tilespmem:s22], [sflag:$0x2], $0x40, s31, s16, $0xb8;
	[tilespmem:$0x1DE00] =	vst v63  }
0x57: {  	_ =	swait.ge [sflag:s14], $0x2000  }
0x58: {  	[sflag:s14] =	ssyncset.done $0x0  }
0x59: {  	[sflag:s14] =	ssyncadd.s32 $0xFFFFE000  }
0x5a: {  	_ =	swait.ge [sflag:s15], $0x2000  }
0x5b: {  	[sflag:s15] =	ssyncset.done $0x0  }
0x5c: {  	[sflag:s15] =	ssyncadd.s32 $0xFFFFE000  }
0x5d: {  	[tilespmem:s22], [sflag:$0x1] =	stream.indirect.gather [hbm4b:s9+s16], $0x40, s1, s16, $0xb8;
	[tilespmem:$0x1DE00] =	vst v63  }
0x5e: {  	s23 =	simm.s32 $0x0  }
0x5f: {  	[spmem:s2] =	stream.indirect.scatter.add.f32 [tilespmem:s24], [sflag:$0x2], $0x40, s0, s16, $0xb8;
	[tilespmem:$0x1DE00] =	vst v63  }
.LBB2_2:
0x60: {  	_ =	swait.ge [sflag:s14], $0x2000  }
0x61: {  	[sflag:s14] =	ssyncset.done $0x0  }
0x62: {  	[sflag:s14] =	ssyncadd.s32 $0xFFFFE000  }
0x63: {  	_ =	swait.ge [sflag:s15], $0x2000  }
0x64: {  	s25 =	sshra.s32 s23, $0x2;
	[sflag:s15] =	ssyncset.done $0x0  }
0x65: {  	s26 =	sadd.s32 $0x480, s25;
	[sflag:s15] =	ssyncadd.s32 $0xFFFFE000  }
0x66: {  	[tilespmem:s24], [sflag:$0x1] =	stream.indirect.gather [hbm4b:s9+s16], $0x40, s26, s16, $0xb8;
	[tilespmem:$0x1DE00] =	vst v63  }
0x67: {  	s29 =	sadd.s32 $0x5280, s25  }
0x68: {  	[spmem:s2] =	stream.indirect.scatter.add.f32 [tilespmem:s17], [sflag:$0x2], $0x40, s29, s16, $0xb8;
	[tilespmem:$0x1DE00] =	vst v63  }
0x69: {  	_ =	swait.ge [sflag:s14], $0x2000  }
0x6a: {  	[sflag:s14] =	ssyncset.done $0x0  }
0x6b: {  	[sflag:s14] =	ssyncadd.s32 $0xFFFFE000  }
0x6c: {  	p0 =	seq.s32 s23, $0x12C00;
	_ =	swait.ge [sflag:s15], $0x2000  }
0x6d: {  	s28 =	simm.s32 @p0 $0x80;
	s26 =	sshra.s32 @p0 s23, $0x2;
	[sflag:s15] =	ssyncset.done $0x0  }
0x6e: {  	s26 =	sadd.s32 @p0 $0x5300, s26;
	s29 =	simm.s32 @p0 $0xC000;
	[sflag:s15] =	ssyncadd.s32 $0xFFFFE000  }
0x6f: {  	[spmem:s2] =	stream.indirect.scatter.add.f32 @p0 [tilespmem:s29], [sflag:$0x2], $0x40, s26, s28, $0xb8;
	[tilespmem:$0x1DE00] =	vst v63  }
0x70: {  	s26 =	simm.s32 @p0 $0x1  }
0x71: {  	_ =	swait.ge @p0 [sflag:s26], $0x2000  }
0x72: {  	[sflag:s26] =	ssyncset.done @p0 $0x0  }
0x73: {  	[sflag:s26] =	ssyncadd.s32 @p0 $0xFFFFE000;
	s26 =	simm.s32 @p0 $0x2  }
0x74: {  	_ =	swait.ge @p0 [sflag:s26], $0x2000  }
0x75: {  	[sflag:s26] =	ssyncset.done @p0 $0x0  }
0x76: {  	[sflag:s26] =	ssyncadd.s32 @p0 $0xFFFFE000;
	s26 =	sshra.s32 @!p0 s23, $0x2  }
0x77: {  	s30 =	simm.s32 @!p0 $0xA000;
	s29 =	simm.s32 @!p0 $0x80;
	s28 =	sadd.s32 @!p0 $0x500, s26  }
0x78: {  	[tilespmem:s30], [sflag:$0x1] =	stream.indirect.gather @!p0 [hbm4b:s9+s29], $0x40, s28, s29, $0xb8;
	[tilespmem:$0x1DE00] =	vst v63  }
0x79: {  	s28 =	sadd.s32 @!p0 $0x5300, s26;
	s30 =	simm.s32 @!p0 $0xC000  }
0x7a: {  	[spmem:s2] =	stream.indirect.scatter.add.f32 @!p0 [tilespmem:s30], [sflag:$0x2], $0x40, s28, s29, $0xb8;
	[tilespmem:$0x1DE00] =	vst v63  }
0x7b: {  	s28 =	simm.s32 @!p0 $0x1  }
0x7c: {  	_ =	swait.ge @!p0 [sflag:s28], $0x2000  }
0x7d: {  	[sflag:s28] =	ssyncset.done @!p0 $0x0  }
0x7e: {  	[sflag:s28] =	ssyncadd.s32 @!p0 $0xFFFFE000;
	s28 =	simm.s32 @!p0 $0x2  }
0x7f: {  	_ =	swait.ge @!p0 [sflag:s28], $0x2000  }
0x80: {  	[sflag:s28] =	ssyncset.done @!p0 $0x0  }
0x81: {  	s26 =	sadd.s32 @!p0 $0x580, s26;
	[sflag:s28] =	ssyncadd.s32 @!p0 $0xFFFFE000  }
0x82: {  	[tilespmem:s30], [sflag:$0x1] =	stream.indirect.gather @!p0 [hbm4b:s9+s29], $0x40, s26, s29, $0xb8;
	[tilespmem:$0x1DE00] =	vst v63  }
0x83: {  	s30 =	sadd.s32 $0x5380, s25  }
0x84: {  	[spmem:s2] =	stream.indirect.scatter.add.f32 [tilespmem:s20], [sflag:$0x2], $0x40, s30, s16, $0xb8;
	[tilespmem:$0x1DE00] =	vst v63  }
0x85: {  	_ =	swait.ge [sflag:s14], $0x2000  }
.Ltmp2:
0x86: {  	[sflag:s14] =	ssyncset.done $0x0;
	(pc) =	sbr.rel @p0 .LBB2_4-.Ltmp2, $4  }
0x87: {  	[sflag:s14] =	ssyncadd.s32 $0xFFFFE000  }
0x88: {  	_ =	swait.ge [sflag:s15], $0x2000  }
0x89: {  	[sflag:s15] =	ssyncset.done $0x0  }
0x8a: {  	s26 =	sadd.s32 $0x5400, s25;
	[sflag:s15] =	ssyncadd.s32 $0xFFFFE000  }
0x8b: {  	s28 =	sadd.s32 $0x600, s25  }
0x8c: {  	[tilespmem:s20], [sflag:$0x1] =	stream.indirect.gather [hbm4b:s9+s16], $0x40, s28, s16, $0xb8;
	[tilespmem:$0x1DE00] =	vst v63  }
0x8d: {  	_ = 	snop  }
0x8e: {  	[spmem:s2] =	stream.indirect.scatter.add.f32 [tilespmem:s22], [sflag:$0x2], $0x40, s26, s16, $0xb8;
	[tilespmem:$0x1DE00] =	vst v63  }
0x8f: {  	_ =	swait.ge [sflag:s14], $0x2000  }
0x90: {  	[sflag:s14] =	ssyncset.done $0x0  }
0x91: {  	[sflag:s14] =	ssyncadd.s32 $0xFFFFE000  }
0x92: {  	_ =	swait.ge [sflag:s15], $0x2000  }
.Ltmp3:
0x93: {  	[sflag:s15] =	ssyncset.done $0x0;
	(pc) =	sbr.rel .LBB2_2-.Ltmp3, $4  }
0x94: {  	s29 =	sadd.s32 $0x680, s25;
	[sflag:s15] =	ssyncadd.s32 $0xFFFFE000  }
0x95: {  	[tilespmem:s22], [sflag:$0x1] =	stream.indirect.gather [hbm4b:s9+s16], $0x40, s29, s16, $0xb8;
	[tilespmem:$0x1DE00] =	vst v63  }
0x96: {  	s30 =	sadd.s32 $0x5480, s25;
	s23 =	sadd.s32 $0xA00, s23  }
0x97: {  	[spmem:s2] =	stream.indirect.scatter.add.f32 [tilespmem:s24], [sflag:$0x2], $0x40, s30, s16, $0xb8;
	[tilespmem:$0x1DE00] =	vst v63  }
.LBB2_5:
0x98: {  	_ =	sfence.sel $0x180000  }
0x99: {  	[bflag:$0x0] =	sbarrier.arrive $0xFFFF  }
0x9a: {  	_ =	strace $0x9000004D  }
0x9b: {  	s0 =	stileid.u32;
	[bflag:$0x2] =	sbarrier.arrive $0xFFFF  }
0x9c: {  	p0 =	sne.s32 s0, $0x0;
	s0 =	rddreg [dreg:$0x2]  }
0x9d: {  	s0 =	sadd.s32 @!p0 $0x100000, s0  }
0x9e: {  	[sflag:s0] =	ssyncadd.tile.s32 @!p0 $0x1;
	_ =	shalt  }
.Lfunc_end2:
_tile_overlayer_lowered:
.L_overlay_start_2:
0x9f: {  	(tag) =	ssettag $0x2  }
0xa0: {  	s0 =	rddreg [dreg:$0x0];
	s2 =	stileid.u32  }
0xa1: {  	s1 =	rddreg [dreg:$0x1];
	p0 =	sne.s32 s2, $0x0  }
0xa2: {  	s3 =	rddreg [dreg:$0x2];
	[bflag:$0x3] =	sbarrier.arrive $0xFFFF;
	s2 =	simm.s32 @!p0 $0x1C03  }
0xa3: {  	[timem:s3], [sflag:s2] =	dma.local @!p0 [hbm:s0], s1  }
0xa4: {  	s0 =	simm.s32 @!p0 $0x3  }
0xa5: {  	_ =	swait.ge @!p0 [sflag:s0], s1  }
0xa6: {  	s1 =	ssub.s32 @!p0 $0x0, s1;
	[sflag:s0] =	ssyncset.done @!p0 $0x0  }
0xa7: {  	[sflag:s0] =	ssyncadd.s32 @!p0 s1  }
0xa8: {  	[bflag:$0x3] =	sbarrier.arrive $0xFFFF  }
0xa9: {  	_ =	shalt  }

// kernel: kernel.19.cloned.1.call-start
scs
__scs_entry_jumppad:
0x0: {  	(pc) =	sbr.rel $0x88, $3  }
0x1: {  	(tag) =	ssettag $0x0;
	lr =	simm.s32 $0x1  }
0x2: {  	[smem:$0x3F99] =	sst lr;
	_ =	strace $0xD0000000  }
0x3: {  	_ = 	snop  }
0x4: {  	_ = 	snop  }
0x5: {  	_ = 	snop  }
0x6: {  	_ = 	snop  }
0x7: {  	_ = 	snop  }
__scs_overlays_trampoline_lowered:
0x8: {  	[smem:$0x3FA8] =	sst s0  }
0x9: {  	[smem:$0x3FA9] =	sst s1  }
0xa: {  	[smem:$0x3FAA] =	sst s2  }
0xb: {  	[smem:$0x3FAB] =	sst s3  }
0xc: {  	[smem:$0x3FAC] =	sst s4  }
0xd: {  	[smem:$0x3FAD] =	sst s5  }
0xe: {  	[smem:$0x3FAE] =	sst s6  }
0xf: {  	[smem:$0x3FAF] =	sst s7  }
0x10: {  	[smem:$0x3FB0] =	sst s8  }
0x11: {  	[smem:$0x3FB1] =	sst s9;
	s0 =	simm.s32 @!p0 $0x0  }
0x12: {  	s1 =	sld [smem:$0x3F97];
	s0 =	simm.s32 @p0 $0x1  }
0x13: {  	[smem:$0x3FB2] =	sst s0;
	s0 =	simm.s32 @!p1 $0x0  }
0x14: {  	s2 =	sld [smem:$0x3F96];
	s0 =	simm.s32 @p1 $0x1  }
0x15: {  	[smem:$0x3FB3] =	sst s0;
	s0 =	simm.s32 @!p2 $0x0  }
0x16: {  	s3 =	sld [smem:$0x3FDB];
	s0 =	simm.s32 @p2 $0x1  }
0x17: {  	s4 =	simm.s32 $0x1BF5;
	[smem:$0x3FB5] =	sst s0  }
0x18: {  	s0 =	sld [smem:$0x3F98];
	_ =	swait.ge [sflag:s4], $0x0  }
0x19: {  	s7 =	sld [smem:$0x3F99]  }
0x1a: {  	s8 =	sadd.s32 $0xFFFFE003, lr  }
0x1b: {  	s9 =	sadd.s32 $0xFFFFFEF7, lr;
	s5 =	simm.s32 $0xFFFFFFFF;
	p2 =	slt.u32 s8, $0xFFFFF086  }
0x1c: {  	p1 =	slt.u32 s9, $0xF7A;
	s5 =	simm.s32 @!p2 $0x0  }
0x1d: {  	s5 =	simm.s32 @p1 $0x1;
	p0 =	seq.s32 s7, s2  }
0x1e: {  	s7 =	smul.u32 @!p0 $0xF7A, s2;
	p2 =	seq.s32 @!p0 s5, $0x0  }
0x1f: {  	s9 =	smul.u32 $0xF7A, s1;
	s8 =	simm.s32 @!p0 $0x1BF5;
	p2 =	por !p2, p0  }
0x20: {  	[sflag:s8] =	ssyncset.s32 @!p0 $0xFFFFF086;
	s6 =	sadd.s32 @!p0 s3, s7;
	s7 =	simm.s32 @!p0 $0x108  }
0x21: {  	s3 =	sadd.s32 s3, s9;
	s6 =	sadd.s32 @!p0 $0x88, s6;
	s7 =	simm.s32 @p2 $0x1082  }
0x22: {  	[simem:s7], [sflag:s8] =	dma.local @!p0 [hbm:s6], $0xF7A  }
0x23: {  	s9 =	sor.u32 $0xD0000000, s2;
	s6 =	simm.s32 $0x108;
	_ =	swait.ge @!p0 [sflag:s8], $0x0  }
0x24: {  	s3 =	sadd.s32 $0x88, s3;
	s6 =	simm.s32 @!p1 $0x1082;
	[sflag:s4] =	ssyncset.s32 $0xFFFFF086  }
0x25: {  	[simem:s6], [sflag:s4] =	dma.local [hbm:s3], $0xF7A  }
0x26: {  	[smem:$0x3F99] =	sst s1;
	(tag) =	ssettag s2;
	_ =	strace s9  }
0x27: {  	s1 =	sld [smem:$0x3FA9]  }
0x28: {  	s2 =	sld [smem:$0x3FAA]  }
0x29: {  	s4 =	sld [smem:$0x3FAC]  }
0x2a: {  	p0 =	seq.s32 s5, $0x0;
	s5 =	sld [smem:$0x3FAD]  }
0x2b: {  	s6 =	sld [smem:$0x3FAE]  }
0x2c: {  	s7 =	sld [smem:$0x3FAF]  }
0x2d: {  	s3 =	simm.s32 $0x108;
	s8 =	sld [smem:$0x3FB0]  }
0x2e: {  	s3 =	simm.s32 @!p0 $0x1082;
	s9 =	sld [smem:$0x3FB1]  }
0x2f: {  	lr =	sadd.s32 s0, s3;
	s0 =	sld [smem:$0x3FA8]  }
0x30: {  	s3 =	sld [smem:$0x3FAB]  }
0x31: {  	[smem:$0x3FB4] =	sst s10  }
0x32: {  	s10 =	sld [smem:$0x3FB2];
	_ =	sdelay $0x3  }
0x33: {  	p0 =	seq.s32 s10, $0x1;
	s10 =	sld [smem:$0x3FB4];
	_ =	sdelay $0x3  }
0x34: {  	[smem:$0x3FB4] =	sst s10  }
0x35: {  	s10 =	sld [smem:$0x3FB3];
	_ =	sdelay $0x3  }
0x36: {  	p1 =	seq.s32 s10, $0x1;
	s10 =	sld [smem:$0x3FB4];
	_ =	sdelay $0x3  }
0x37: {  	[smem:$0x3FB4] =	sst s10  }
0x38: {  	s10 =	sld [smem:$0x3FB5]  }
0x39: {  	_ = 	snop;
	(pc) =	sbr.ind lr, $3  }
0x3a: {  	_ = 	snop  }
0x3b: {  	_ = 	snop  }
0x3c: {  	p2 =	seq.s32 s10, $0x1;
	s10 =	sld [smem:$0x3FB4]  }
0x3d: {  	_ =	shalt  }
0x3e: {  	_ =	shalt  }
0x3f: {  	_ =	shalt  }
0x40: {  	_ =	shalt  }
0x41: {  	_ =	shalt  }
0x42: {  	_ =	shalt  }
0x43: {  	_ =	shalt  }
0x44: {  	_ =	shalt  }
0x45: {  	_ =	shalt  }
0x46: {  	_ =	shalt  }
0x47: {  	_ =	shalt  }
0x48: {  	_ =	shalt  }
0x49: {  	_ =	shalt  }
0x4a: {  	_ =	shalt  }
0x4b: {  	_ =	shalt  }
0x4c: {  	_ =	shalt  }
0x4d: {  	_ =	shalt  }
0x4e: {  	_ =	shalt  }
0x4f: {  	_ =	shalt  }
0x50: {  	_ =	shalt  }
0x51: {  	_ =	shalt  }
0x52: {  	_ =	shalt  }
0x53: {  	_ =	shalt  }
0x54: {  	_ =	shalt  }
0x55: {  	_ =	shalt  }
0x56: {  	_ =	shalt  }
0x57: {  	_ =	shalt  }
0x58: {  	_ =	shalt  }
0x59: {  	_ =	shalt  }
0x5a: {  	_ =	shalt  }
0x5b: {  	_ =	shalt  }
0x5c: {  	_ =	shalt  }
0x5d: {  	_ =	shalt  }
0x5e: {  	_ =	shalt  }
0x5f: {  	_ =	shalt  }
0x60: {  	_ =	shalt  }
0x61: {  	_ =	shalt  }
0x62: {  	_ =	shalt  }
0x63: {  	_ =	shalt  }
0x64: {  	_ =	shalt  }
0x65: {  	_ =	shalt  }
0x66: {  	_ =	shalt  }
0x67: {  	_ =	shalt  }
0x68: {  	_ =	shalt  }
0x69: {  	_ =	shalt  }
0x6a: {  	_ =	shalt  }
0x6b: {  	_ =	shalt  }
0x6c: {  	_ =	shalt  }
0x6d: {  	_ =	shalt  }
0x6e: {  	_ =	shalt  }
0x6f: {  	_ =	shalt  }
0x70: {  	_ =	shalt  }
0x71: {  	_ =	shalt  }
0x72: {  	_ =	shalt  }
0x73: {  	_ =	shalt  }
0x74: {  	_ =	shalt  }
0x75: {  	_ =	shalt  }
0x76: {  	_ =	shalt  }
0x77: {  	_ =	shalt  }
0x78: {  	_ =	shalt  }
0x79: {  	_ =	shalt  }
0x7a: {  	_ =	shalt  }
0x7b: {  	_ =	shalt  }
0x7c: {  	_ =	shalt  }
0x7d: {  	_ =	shalt  }
0x7e: {  	_ =	shalt  }
0x7f: {  	_ =	shalt  }
0x80: {  	_ =	shalt  }
0x81: {  	_ =	shalt  }
0x82: {  	_ =	shalt  }
0x83: {  	_ =	shalt  }
0x84: {  	_ =	shalt  }
0x85: {  	_ =	shalt  }
0x86: {  	_ =	shalt  }
0x87: {  	_ =	shalt  }
.Lfunc_end0:
.L_simem_size_0:
called_computation.3_lowered:
.L_overlay_start_0:
0x88: {  	s2 =	sld [smem:$0x3FD9]  }
0x89: {  	s3 =	sld [smem:$0x3FFE];
	_ =	sdelay $0x1  }
0x8a: {  	s1 =	srdreg.scid  }
0x8b: {  	s0 =	sand.u32 $0x1, s1  }
0x8c: {  	s16 =	sshll.u32 s0, $0xA;
	s2 =	sadd.s32 s3, s2  }
0x8d: {  	s2 =	sadd.s32 s2, s16  }
0x8e: {  	[smem:$0x3FC0] =	sst s2  }
0x8f: {  	_ = 	snop  }
0x90: {  	(tm) =	ssettm $0x1  }
0x91: {  	s17 =	sld [smem:$0x3FFB];
	_ =	sdelay $0x3  }
0x92: {  	_ =	strace s17  }
0x93: {  	s2 =	sld [smem:$0x3FFC];
	_ =	sdelay $0x3  }
0x94: {  	_ =	strace s2  }
0x95: {  	s2 =	sld [smem:$0x3FFD];
	_ =	sdelay $0x3  }
0x96: {  	_ =	strace s2  }
0x97: {  	_ =	strace $0x8FFFFFFF  }
0x98: {  	s18 =	sld [smem:$0x3FDB];
	_ =	sdelay $0x1  }
0x99: {  	s19 =	simm.s32 $_scs_section_size  }
0x9a: {  	s4 =	simm.s32 $_size__tile_overlayer_lowered;
	s5 =	simm.s32 $_tile_overlayer_lowered  }
0x9b: {  	s22 =	simm.s32 $0x1BFF;
	s21 =	sshll.u32 s5, $0x1;
	s2 =	sadd.s32 s19, s18  }
0x9c: {  	s6 =	simm.s32 $0x0;
	s20 =	sshll.u32 s4, $0x1;
	s4 =	sadd.s32 s21, s2  }
0x9d: {  	[timem:s6], [sflag:s22] =	dma.local [hbm:s4], s20  }
0x9e: {  	_ =	swait.ge [sflag:s22], s20  }
0x9f: {  	s3 =	ssub.s32 $0x0, s20;
	[sflag:s22] =	ssyncset.done $0x0  }
0xa0: {  	[sflag:s22] =	ssyncadd.s32 s3;
	_ =	sdelay $0x1  }
0xa1: {  	s23 =	simm.s32 $0x1B8B  }
0xa2: {  	_ =	swait.ge [sflag:s23], $0x1  }
0xa3: {  	[sflag:s23] =	ssyncset.done $0x0  }
0xa4: {  	s25 =	simm.s32 $0x1B8E;
	s24 =	sld [smem:$0x3FFE];
	[sflag:s23] =	ssyncadd.s32 $0xFFFFFFFF  }
0xa5: {  	s26 =	simm.s32 $execute0_lowered;
	[smem:$0x3FD2] =	sst s25  }
0xa6: {  	s4 =	sshll.u32 s26, $0x1;
	_ =	strace $0x8000004F;
	[dreg:$0x1] =	wrdreg $0xFFFFFFFF  }
0xa7: {  	s28 =	simm.s32 $_size_execute0_lowered;
	s2 =	sadd.s32 s2, s4;
	[dreg:$0x0] =	wrdreg $0x0  }
0xa8: {  	s4 =	sshll.u32 s28, $0x1;
	[dreg:$0x2] =	wrdreg s2  }
0xa9: {  	[dreg:$0x3] =	wrdreg s4  }
0xaa: {  	[dreg:$0x4] =	wrdreg $0xC0  }
0xab: {  	_ =	task [dreg:s6], $0x5FFFF  }
0xac: {  	[dreg:$0x1] =	wrdreg $0xFFFFFFFF  }
0xad: {  	[dreg:$0x0] =	wrdreg $0x60  }
0xae: {  	[dreg:$0x2] =	wrdreg s24  }
0xaf: {  	[dreg:$0x3] =	wrdreg $0x9  }
0xb0: {  	_ =	task.clear_ibuf [dreg:s6], $0x4FFFF;
	_ =	strace $0x9000004F  }
0xb1: {  	s29 =	simm.s32 $0x9;
	_ =	strace $0x80000051  }
0xb2: {  	_ =	swait.ge [sflag:s29], $0x1  }
0xb3: {  	[sflag:s29] =	ssyncadd.s32 $0xFFFFFFFF  }
0xb4: {  	_ =	strace $0x90000051  }
0xb5: {  	_ =	sfence  }
0xb6: {  	s30 =	sld [smem:$0x0];
	_ =	sdelay $0x2  }
0xb7: {  	s31 =	sshll.u32 s1, $0xD;
	s1 =	sshrl.u32 s1, $0x2  }
0xb8: {  	s3 =	sand.u32 $0x4000, s31;
	s1 =	sadd.s32 s1, s30  }
0xb9: {  	s0 =	sor.u32 s3, s0;
	s1 =	sshll.u32 s1, $0x11  }
0xba: {  	s0 =	sor.u32 s1, s0  }
0xbb: {  	s0 =	sadd.s32 $0x8F2B, s0  }
0xbc: {  	[sflag:s0] =	ssyncadd.remote.s32 $0x1  }
0xbd: {  	_ =	sfence.sel $0xFFFF  }
0xbe: {  	[dreg:$0x0] =	wrdreg $0xFFFFFFFF;
	(pc) =	sbr.abs _section_cstart, $3  }
0xbf: {  	[dreg:$0x1] =	wrdreg $0xFFFFFFFF  }
0xc0: {  	_ =	task.clear_ibuf [dreg:s6], $0x2FFFF;
	_ =	strace $0x9FFFFFFF  }
0xc1: {  	(tm) =	ssettm $0x7FFFFFFF  }
tec
execute0_lowered:
.L_overlay_start_1:
0x0: {  	(tag) =	ssettag $0x1  }
0x1: {  	s0 =	srdreg.scid;
	s5 =	rddreg [dreg:$0x0];
	s2 =	simm.s32 $0x0  }
0x2: {  	s9 =	simm.s32 $0x80;
	s10 =	simm.s32 $0x400;
	s4 =	sand.u32 $0x1, s0  }
0x3: {  	s11 =	simm.s32 $0x2780;
	s0 =	stileid.u32;
	s1 =	sshll.u32 s4, $0x4  }
0x4: {  	s12 =	simm.s32 $0x4F80;
	s13 =	simm.s32 $0x7780;
	s1 =	sor.u32 s0, s1  }
0x5: {  	s14 =	simm.s32 $0x0;
	[smem:$0x7FF] =	sst s2;
	s3 =	sshrl.u32 s1, $0x3  }
0x6: {  	s7 =	sshll.u32 s0, $0x7;
	s4 =	ssub.s32 $0x2, s4;
	s6 =	smul.u32 $0x14000, s3  }
0x7: {  	s7 =	sand.u32 $0x380, s7;
	s30 =	sshrl.u32 s4, $0x1;
	s8 =	smul.u32 $0x13C00, s3  }
0x8: {  	s1 =	rddreg [dreg:$0x1];
	_ =	strace $0x80000050;
	s6 =	sor.u32 s7, s6  }
0x9: {  	s31 =	ssub.s32 s4, s30;
	s7 =	sor.u32 s7, s8;
	s6 =	sshrl.u32 s6, $0x3  }
0xa: {  	s3 =	sadd.s32 $0x2000, s5;
	s7 =	sshrl.u32 s7, $0x3;
	s6 =	sadd.s32 s6, s5  }
0xb: {  	s8 =	simm.s32 $0x1;
	s7 =	sadd.s32 s7, s5;
	s4 =	sadd.s32 $0x78800, s6  }
0xc: {  	v0 =	vimm.f32 $0.0e+00;
	s5 =	sadd.s32 $0xC000, s6;
	s6 =	sadd.s32 $0x16000, s7;
	s7 =	smax.u32 s31, $0x1  }
.LBB2_1:
0xd: {  	[tilespmem:s2], [sflag:$0x1] =	stream.linear.gather [hbm4b:s3+s2], $0x2780, $0x38;
	[tilespmem:$0x9F00] =	vst v63  }
0xe: {  	_ =	swait.ge [sflag:s8], $0x2780  }
0xf: {  	[sflag:s8] =	ssyncset.done $0x0  }
0x10: {  	[sflag:s8] =	ssyncadd.s32 $0xFFFFD880  }
0x11: {  	[tilespmem:s11], [sflag:$0x1] =	stream.strided.gather [hbm4b:s4+s9], $0x2800, s10, s9, $0x38;
	[tilespmem:$0x9F00] =	vst v63  }
0x12: {  	_ =	swait.ge [sflag:s8], $0x2800  }
0x13: {  	[sflag:s8] =	ssyncset.done $0x0  }
0x14: {  	[sflag:s8] =	ssyncadd.s32 $0xFFFFD800  }
0x15: {  	[tilespmem:s12], [sflag:$0x1] =	stream.strided.gather [hbm4b:s5+s9], $0x2800, s10, s9, $0x38;
	[tilespmem:$0x9F00] =	vst v63  }
0x16: {  	_ =	swait.ge [sflag:s8], $0x2800  }
0x17: {  	[sflag:s8] =	ssyncset.done $0x0  }
0x18: {  	s15 =	simm.s32 $0x0;
	[sflag:s8] =	ssyncadd.s32 $0xFFFFD800  }
.LBB2_2:
0x19: {  	p0 =	sne.s32 s15, $0x9D00  }
.Ltmp0:
0x1a: {  	s16 =	sshra.s32 s15, $0x2;
	(pc) =	sbr.rel @p0 .LBB2_2-.Ltmp0, $4  }
0x1b: {  	[tilespmem:s16+$0x7780] =	vst v0  }
0x1c: {  	[tilespmem:s16+$0x7790] =	vst v0  }
0x1d: {  	[tilespmem:s16+$0x77A0] =	vst v0  }
0x1e: {  	s15 =	sadd.s32 $0x100, s15;
	[tilespmem:s16+$0x77B0] =	vst v0  }
0x1f: {  	s15 =	simm.s32 $0x0  }
.LBB2_4:
0x20: {  	s16 =	sshra.s32 s15, $0x2  }
0x21: {  	v1 =	vld [tilespmem:s16+$0x2780];
	_ =	sdelay $0x4  }
0x22: {  	v2 =	vld [tilespmem:s16+$0x4F80];
	_ =	sdelay $0x2  }
0x23: {  	v1 =	vld.idx.msk [tilespmem:v1+s2+$0x0], $0xffff;
	_ =	sdelay $0x4  }
0x24: {  	[tilespmem:v2+s13+$0x0] =	vst.idx.add.f32.msk $0xffff, v1  }
0x25: {  	v1 =	vld [tilespmem:s16+$0x2790];
	_ =	sdelay $0x4  }
0x26: {  	v2 =	vld [tilespmem:s16+$0x4F90];
	_ =	sdelay $0x2  }
0x27: {  	v1 =	vld.idx.msk [tilespmem:v1+s2+$0x0], $0xffff;
	_ =	sdelay $0x4  }
0x28: {  	[tilespmem:v2+s13+$0x0] =	vst.idx.add.f32.msk $0xffff, v1  }
0x29: {  	v1 =	vld [tilespmem:s16+$0x27A0];
	_ =	sdelay $0x4  }
0x2a: {  	v2 =	vld [tilespmem:s16+$0x4FA0];
	_ =	sdelay $0x2  }
0x2b: {  	v1 =	vld.idx.msk [tilespmem:v1+s2+$0x0], $0xffff;
	_ =	sdelay $0x4  }
0x2c: {  	[tilespmem:v2+s13+$0x0] =	vst.idx.add.f32.msk $0xffff, v1  }
0x2d: {  	v1 =	vld [tilespmem:s16+$0x27B0];
	_ =	sdelay $0x4  }
0x2e: {  	v2 =	vld [tilespmem:s16+$0x4FB0];
	_ =	sdelay $0x2  }
0x2f: {  	p0 =	sne.s32 s15, $0x9F00;
	v1 =	vld.idx.msk [tilespmem:v1+s2+$0x0], $0xffff  }
.Ltmp1:
0x30: {  	_ = 	snop;
	(pc) =	sbr.rel @p0 .LBB2_4-.Ltmp1, $2  }
0x31: {  	_ =	sdelay $0x2  }
0x32: {  	s15 =	sadd.s32 $0x100, s15;
	[tilespmem:v2+s13+$0x0] =	vst.idx.add.f32.msk $0xffff, v1  }
0x33: {  	s14 =	sadd.s32 $0x1, s14  }
0x34: {  	p0 =	sne.s32 s14, s7  }
.Ltmp2:
0x35: {  	_ = 	snop;
	(pc) =	sbr.rel @p0 .LBB2_1-.Ltmp2, $4  }
0x36: {  	[hbm4b:s6+s9] =	stream.strided.scatter [tilespmem:s13], [sflag:$0x1], $0x2780, s10, s9, $0x38;
	[tilespmem:$0x9F00] =	vst v63  }
0x37: {  	_ =	swait.ge [sflag:s8], $0x2780  }
0x38: {  	[sflag:s8] =	ssyncset.done $0x0  }
0x39: {  	[sflag:s8] =	ssyncadd.s32 $0xFFFFD880  }
0x3a: {  	_ =	sfence.sel $0x180000  }
0x3b: {  	[bflag:$0x0] =	sbarrier.arrive $0xFFFF  }
0x3c: {  	p0 =	sne.s32 s0, $0x0;
	_ =	strace $0x90000050  }
0x3d: {  	s0 =	sadd.s32 @!p0 $0x100000, s1;
	[bflag:$0x2] =	sbarrier.arrive $0xFFFF  }
0x3e: {  	[sflag:s0] =	ssyncadd.tile.s32 @!p0 $0x1;
	_ =	shalt  }
.Lfunc_end2:
_tile_overlayer_lowered:
.L_overlay_start_2:
0x3f: {  	(tag) =	ssettag $0x2  }
0x40: {  	s0 =	rddreg [dreg:$0x0];
	s2 =	stileid.u32  }
0x41: {  	s1 =	rddreg [dreg:$0x1];
	p0 =	sne.s32 s2, $0x0  }
0x42: {  	s3 =	rddreg [dreg:$0x2];
	[bflag:$0x3] =	sbarrier.arrive $0xFFFF;
	s2 =	simm.s32 @!p0 $0x1C01  }
0x43: {  	[timem:s3], [sflag:s2] =	dma.local @!p0 [hbm:s0], s1  }
0x44: {  	s0 =	simm.s32 @!p0 $0x1  }
0x45: {  	_ =	swait.ge @!p0 [sflag:s0], s1  }
0x46: {  	s1 =	ssub.s32 @!p0 $0x0, s1;
	[sflag:s0] =	ssyncset.done @!p0 $0x0  }
0x47: {  	[sflag:s0] =	ssyncadd.s32 @!p0 s1  }
0x48: {  	[bflag:$0x3] =	sbarrier.arrive $0xFFFF  }
0x49: {  	_ =	shalt  }

</sc_bundles>
